<compile_context>
chip_gen: v7x
topology: tpu7x:2x2x1
jax: 0.10.2.dev20260603
libtpu: 0.0.44.dev20260713+nightly
codegen_flags: <defaults>
</compile_context>

<pallas_src>
import jax
import jax.numpy as jnp
import numpy as np
from jax import lax
from jax.experimental import pallas as pl
from jax.experimental.pallas import tpu as pltpu
from jax.experimental.pallas import tpu_sc as plsc

_SIZES = [256, 512, 1024, 2048]
_GRID_SIZES = [s * s for s in _SIZES]
_DIM = int(sum(_GRID_SIZES))
_BLK = 65536
_NBLK = _DIM // _BLK
_ROWS, _COLS = 512, 128
_OFFSETS = np.cumsum([0] + _GRID_SIZES)
_BIG = np.int32(2**30)

_NC, _NS, _L = 2, 16, 16
_NW = _NC * _NS
_CHUNK = 16384
_CPB = _BLK // _CHUNK
_CROWS = _CHUNK // _COLS
_NPART = 4 * _NW * _L

_ZSUB = 5
_ZSTEP = _NBLK // _ZSUB


def _zeros_body(o_ref):
    o_ref[...] = jnp.zeros((_ZSUB, _ROWS, _COLS), jnp.float32)


def _sc_scan_body(x_hbm, vals_hbm, meta_hbm,
                  buf0, buf1, vout, mout, sem0, sem1, vseg, cseg):
    wid = lax.axis_index("s") * _NC + lax.axis_index("c")
    for s in range(4):
        vseg[s] = jnp.full((_L,), -jnp.inf, jnp.float32)
        cseg[s] = jnp.zeros((_L,), jnp.int32)

    def scan_chunk(buf):
        def body(i, accs):
            base = i * 128
            a0, a1, a2, a3 = accs
            a0 = jnp.maximum(a0, buf[pl.ds(base, _L)])
            a1 = jnp.maximum(a1, buf[pl.ds(base + _L, _L)])
            a2 = jnp.maximum(a2, buf[pl.ds(base + 2 * _L, _L)])
            a3 = jnp.maximum(a3, buf[pl.ds(base + 3 * _L, _L)])
            a0 = jnp.maximum(a0, buf[pl.ds(base + 4 * _L, _L)])
            a1 = jnp.maximum(a1, buf[pl.ds(base + 5 * _L, _L)])
            a2 = jnp.maximum(a2, buf[pl.ds(base + 6 * _L, _L)])
            a3 = jnp.maximum(a3, buf[pl.ds(base + 7 * _L, _L)])
            return (a0, a1, a2, a3)
        ninf = jnp.full((_L,), -jnp.inf, jnp.float32)
        a0, a1, a2, a3 = lax.fori_loop(0, _CHUNK // 128, body,
                                       (ninf, ninf, ninf, ninf))
        return jnp.maximum(jnp.maximum(a0, a1), jnp.maximum(a2, a3))

    bufs = (buf0, buf1)
    sems = (sem0, sem1)

    def do_block(b, static_seg):
        base = b * _BLK
        cur = pltpu.async_copy(x_hbm.at[pl.ds(base, _CHUNK)], bufs[0],
                               sems[0])
        bv = jnp.full((_L,), -jnp.inf, jnp.float32)
        bc = jnp.zeros((_L,), jnp.int32)
        for ch in range(_CPB):
            nxt = None
            if ch + 1 < _CPB:
                j = (ch + 1) % 2
                nxt = pltpu.async_copy(
                    x_hbm.at[pl.ds(base + (ch + 1) * _CHUNK, _CHUNK)],
                    bufs[j], sems[j])
            cur.wait()
            acc = scan_chunk(bufs[ch % 2])
            cid = b * _CPB + ch
            m = acc > bv
            bv = jnp.where(m, acc, bv)
            bc = jnp.where(m, cid, bc)
            cur = nxt

        def merge(s):
            m2 = bv > vseg[s]
            vseg[s] = jnp.where(m2, bv, vseg[s])
            cseg[s] = jnp.where(m2, bc, cseg[s])

        if static_seg is not None:
            merge(static_seg)
        else:
            for s in range(4):
                @pl.when(((b >= 1).astype(jnp.int32)
                          + (b >= 5).astype(jnp.int32)
                          + (b >= 21).astype(jnp.int32)) == s)
                def _(s=s):
                    merge(s)

    do_block(wid, None)
    do_block(wid + _NW, 3)

    @pl.when(wid + 2 * _NW < _NBLK)
    def _():
        do_block(wid + 2 * _NW, 3)

    for s in range(4):
        vout[...] = vseg[s]
        mout[...] = cseg[s]
        off = s * (_NW * _L) + wid * _L
        pltpu.sync_copy(vout, vals_hbm.at[pl.ds(off, _L)])
        pltpu.sync_copy(mout, meta_hbm.at[pl.ds(off, _L)])


def _make_sc_scan():
    return pl.kernel(
        _sc_scan_body,
        out_type=[jax.ShapeDtypeStruct((_NPART,), jnp.float32),
                  jax.ShapeDtypeStruct((_NPART,), jnp.int32)],
        mesh=plsc.VectorSubcoreMesh(core_axis_name="c", subcore_axis_name="s",
                                    num_cores=_NC, num_subcores=_NS),
        scratch_types=[pltpu.VMEM((_CHUNK,), jnp.float32),
                       pltpu.VMEM((_CHUNK,), jnp.float32),
                       pltpu.VMEM((_L,), jnp.float32),
                       pltpu.VMEM((_L,), jnp.int32),
                       pltpu.SemaphoreType.DMA,
                       pltpu.SemaphoreType.DMA,
                       pltpu.VMEM((4, _L), jnp.float32),
                       pltpu.VMEM((4, _L), jnp.int32)])


def _sc_scan(x):
    return _make_sc_scan()(x)


def _finalize_body(vals_ref, meta_ref, x_any, oh_in, oh_out, idx_out,
                   chunk_v, row_v, sem0, sem1, sem2, sem3, semr):
    del oh_in
    ii = lax.broadcasted_iota(jnp.int32, (_CROWS, _COLS), 0)
    jj = lax.broadcasted_iota(jnp.int32, (_CROWS, _COLS), 1)
    lane = lax.broadcasted_iota(jnp.int32, (1, _COLS), 1)
    sems = (sem0, sem1, sem2, sem3)

    bvs, bcs, cps = [], [], []
    for s in range(4):
        sv = vals_ref[pl.ds(s * 4, 4), :]
        sc = meta_ref[pl.ds(s * 4, 4), :]
        bv = jnp.max(sv)
        bc = jnp.min(jnp.where(sv == bv, sc, _BIG))
        bvs.append(bv)
        bcs.append(bc)
        cp = pltpu.make_async_copy(
            x_any.at[pl.ds(bc * _CROWS, _CROWS), :],
            chunk_v.at[s], sems[s])
        cp.start()
        cps.append(cp)

    for s in range(4):
        cps[s].wait()
        pos = jnp.min(jnp.where(chunk_v[s] == bvs[s], ii * _COLS + jj, _BIG))
        local = bcs[s] * _CHUNK + pos - np.int32(_OFFSETS[s])
        idx_out[s] = local

        row = local // _COLS
        col = local % _COLS
        cp_in = pltpu.make_async_copy(oh_out.at[pl.ds(row, 1), :], row_v,
                                      semr)
        cp_in.start()
        cp_in.wait()
        row_v[...] = jnp.where(lane == col, jnp.float32(1.0), row_v[...])
        cp_out = pltpu.make_async_copy(row_v, oh_out.at[pl.ds(row, 1), :],
                                       semr)
        cp_out.start()
        cp_out.wait()


def kernel(x):
    vals, meta = _sc_scan(x)

    zeros2d = pl.pallas_call(
        _zeros_body,
        grid=(_ZSTEP,),
        out_specs=pl.BlockSpec((_ZSUB, _ROWS, _COLS), lambda b: (b, 0, 0)),
        out_shape=jax.ShapeDtypeStruct((_NBLK, _ROWS, _COLS), jnp.float32),
    )()

    x2d = x.reshape(_DIM // _COLS, _COLS)
    onehot, idx = pl.pallas_call(
        _finalize_body,
        in_specs=[
            pl.BlockSpec(memory_space=pltpu.VMEM),
            pl.BlockSpec(memory_space=pltpu.VMEM),
            pl.BlockSpec(memory_space=pl.ANY),
            pl.BlockSpec(memory_space=pl.ANY),
        ],
        out_specs=[
            pl.BlockSpec(memory_space=pl.ANY),
            pl.BlockSpec((4,), lambda: (0,), memory_space=pltpu.SMEM),
        ],
        out_shape=[
            jax.ShapeDtypeStruct((_DIM // _COLS, _COLS), jnp.float32),
            jax.ShapeDtypeStruct((4,), jnp.int32),
        ],
        scratch_shapes=[pltpu.VMEM((4, _CROWS, _COLS), jnp.float32),
                        pltpu.VMEM((1, _COLS), jnp.float32),
                        pltpu.SemaphoreType.DMA,
                        pltpu.SemaphoreType.DMA,
                        pltpu.SemaphoreType.DMA,
                        pltpu.SemaphoreType.DMA,
                        pltpu.SemaphoreType.DMA],
        input_output_aliases={3: 0},
    )(vals.reshape(16, _COLS), meta.reshape(16, _COLS),
      x2d, zeros2d.reshape(_DIM // _COLS, _COLS))

    return onehot.reshape(_DIM), idx.astype(jnp.int64)

# --- scband reference (transcript-rebuilt; emitter-appended) ---
"""Pipeline reference for scband-nested-grid-54004918780597 (READ-ONLY COPY).

The authoritative reference and input builder live on the scoring server;
editing this copy changes nothing except your own understanding.
"""

import jax, jax.numpy as jnp
import numpy as np

SIZES = [256, 512, 1024, 2048]
GRID_SIZES = [s * s for s in SIZES]
DIM = int(sum(GRID_SIZES))
OFFSETS = np.cumsum([0] + GRID_SIZES)


def setup_inputs(seed: int = 0) -> dict:
    key = jax.random.key(seed)
    x = jax.random.normal(key, (DIM,), dtype=jnp.float32)
    return {"x": x}


def reference(x):
    # Faithful translation of NestedGrid.unflatten(x, run_wta=True):
    #   grids = x.split(grid_sizes, dim=-1)
    #   indices = stack([grid.flatten().argmax() for grid in grids])  (LOCAL argmax per grid)
    #   onehot_vec = zeros(dim); onehot_vec[indices] = 1
    idxs = []
    for i in range(len(GRID_SIZES)):
        grid = jax.lax.dynamic_slice(x, (int(OFFSETS[i]),), (GRID_SIZES[i],))
        idxs.append(jnp.argmax(grid))
    indices = jnp.stack(idxs).astype(jnp.int64)
    onehot_vec = jnp.zeros((DIM,), dtype=jnp.float32).at[indices].set(1.0)
    return onehot_vec, indices

if __name__ == "__main__":
    import jax
    _d = setup_inputs()
    print(jax.jit(kernel)(*tuple(_d.values())))

</pallas_src>

<mosaic_0001>
#map = affine_map<(d0, d1) -> (0)>
module attributes {stable_mosaic.version = 14 : i64} {
  func.func @_sc_scan_body(%arg0: i32, %arg1: i32, %arg2: memref<5570560xf32, #tpu.memory_space<hbm>>, %arg3: memref<2048xf32, #tpu.memory_space<hbm>>, %arg4: memref<2048xi32, #tpu.memory_space<hbm>>, %arg5: memref<16384xf32, #tpu.memory_space<vmem>>, %arg6: memref<16384xf32, #tpu.memory_space<vmem>>, %arg7: memref<16xf32, #tpu.memory_space<vmem>>, %arg8: memref<16xi32, #tpu.memory_space<vmem>>, %arg9: memref<!tpu.dma_semaphore, #tpu.memory_space<semaphore_mem>>, %arg10: memref<!tpu.dma_semaphore, #tpu.memory_space<semaphore_mem>>, %arg11: memref<4x16xf32, #tpu.memory_space<vmem>>, %arg12: memref<4x16xi32, #tpu.memory_space<vmem>>) attributes {dimension_semantics = [#tpu.dimension_semantics<core_parallel>, #tpu.dimension_semantics<subcore_parallel>], iteration_bounds = array<i64: 2, 16>, scalar_prefetch = 0 : i64, scratch_operands = 8 : i64, tpu.core_type = #tpu.core_type<sc_vector_subcore>, window_params = [{transform_indices = #map}, {transform_indices = #map}, {transform_indices = #map}]} {
    %mul3A = arith.constant 2 : i32
    %mul3A_0 = arith.muli %arg1, %mul3A : i32
    %add3A = arith.addi %mul3A_0, %arg0 : i32
    %broadcast_in_dim3A = arith.constant 0xFF800000 : f32
    %broadcast_in_dim3A_1 = vector.broadcast %broadcast_in_dim3A : f32 to vector<16xf32>
    %swap3A = arith.constant 0 : i32
    %swap3A_2 = arith.index_cast %swap3A : i32 to index
    %swap3A_3 = arith.constant 0 : index
    %swap3A_4 = tpu.vector_load %arg11[%swap3A_2, %swap3A_3] {strides = array<i32>} : memref<4x16xf32, #tpu.memory_space<vmem>>, vector<1x16xf32>,
    %swap3A_5 = vector.shape_cast %swap3A_4 : vector<1x16xf32> to vector<16xf32>
    %swap3A_6 = vector.shape_cast %broadcast_in_dim3A_1 : vector<16xf32> to vector<1x16xf32>
    tpu.vector_store %arg11[%swap3A_2, %swap3A_3], %swap3A_6 {strides = array<i32>} : memref<4x16xf32, #tpu.memory_space<vmem>>, vector<1x16xf32>,
    %broadcast_in_dim3A_7 = arith.constant 0 : i32
    %broadcast_in_dim3A_8 = vector.broadcast %broadcast_in_dim3A_7 : i32 to vector<16xi32>
    %swap3A_9 = arith.constant 0 : i32
    %swap3A_10 = arith.index_cast %swap3A_9 : i32 to index
    %swap3A_11 = arith.constant 0 : index
    %swap3A_12 = tpu.vector_load %arg12[%swap3A_10, %swap3A_11] {strides = array<i32>} : memref<4x16xi32, #tpu.memory_space<vmem>>, vector<1x16xi32>,
    %swap3A_13 = vector.shape_cast %swap3A_12 : vector<1x16xi32> to vector<16xi32>
    %swap3A_14 = vector.shape_cast %broadcast_in_dim3A_8 : vector<16xi32> to vector<1x16xi32>
    tpu.vector_store %arg12[%swap3A_10, %swap3A_11], %swap3A_14 {strides = array<i32>} : memref<4x16xi32, #tpu.memory_space<vmem>>, vector<1x16xi32>,
    %broadcast_in_dim3A_15 = arith.constant 0xFF800000 : f32
    %broadcast_in_dim3A_16 = vector.broadcast %broadcast_in_dim3A_15 : f32 to vector<16xf32>
    %swap3A_17 = arith.constant 1 : i32
    %swap3A_18 = arith.index_cast %swap3A_17 : i32 to index
    %swap3A_19 = arith.constant 0 : index
    %swap3A_20 = tpu.vector_load %arg11[%swap3A_18, %swap3A_19] {strides = array<i32>} : memref<4x16xf32, #tpu.memory_space<vmem>>, vector<1x16xf32>,
    %swap3A_21 = vector.shape_cast %swap3A_20 : vector<1x16xf32> to vector<16xf32>
    %swap3A_22 = vector.shape_cast %broadcast_in_dim3A_16 : vector<16xf32> to vector<1x16xf32>
    tpu.vector_store %arg11[%swap3A_18, %swap3A_19], %swap3A_22 {strides = array<i32>} : memref<4x16xf32, #tpu.memory_space<vmem>>, vector<1x16xf32>,
    %broadcast_in_dim3A_23 = arith.constant 0 : i32
    %broadcast_in_dim3A_24 = vector.broadcast %broadcast_in_dim3A_23 : i32 to vector<16xi32>
    %swap3A_25 = arith.constant 1 : i32
    %swap3A_26 = arith.index_cast %swap3A_25 : i32 to index
    %swap3A_27 = arith.constant 0 : index
    %swap3A_28 = tpu.vector_load %arg12[%swap3A_26, %swap3A_27] {strides = array<i32>} : memref<4x16xi32, #tpu.memory_space<vmem>>, vector<1x16xi32>,
    %swap3A_29 = vector.shape_cast %swap3A_28 : vector<1x16xi32> to vector<16xi32>
    %swap3A_30 = vector.shape_cast %broadcast_in_dim3A_24 : vector<16xi32> to vector<1x16xi32>
    tpu.vector_store %arg12[%swap3A_26, %swap3A_27], %swap3A_30 {strides = array<i32>} : memref<4x16xi32, #tpu.memory_space<vmem>>, vector<1x16xi32>,
    %broadcast_in_dim3A_31 = arith.constant 0xFF800000 : f32
    %broadcast_in_dim3A_32 = vector.broadcast %broadcast_in_dim3A_31 : f32 to vector<16xf32>
    %swap3A_33 = arith.constant 2 : i32
    %swap3A_34 = arith.index_cast %swap3A_33 : i32 to index
    %swap3A_35 = arith.constant 0 : index
    %swap3A_36 = tpu.vector_load %arg11[%swap3A_34, %swap3A_35] {strides = array<i32>} : memref<4x16xf32, #tpu.memory_space<vmem>>, vector<1x16xf32>,
    %swap3A_37 = vector.shape_cast %swap3A_36 : vector<1x16xf32> to vector<16xf32>
    %swap3A_38 = vector.shape_cast %broadcast_in_dim3A_32 : vector<16xf32> to vector<1x16xf32>
    tpu.vector_store %arg11[%swap3A_34, %swap3A_35], %swap3A_38 {strides = array<i32>} : memref<4x16xf32, #tpu.memory_space<vmem>>, vector<1x16xf32>,
    %broadcast_in_dim3A_39 = arith.constant 0 : i32
    %broadcast_in_dim3A_40 = vector.broadcast %broadcast_in_dim3A_39 : i32 to vector<16xi32>
    %swap3A_41 = arith.constant 2 : i32
    %swap3A_42 = arith.index_cast %swap3A_41 : i32 to index
    %swap3A_43 = arith.constant 0 : index
    %swap3A_44 = tpu.vector_load %arg12[%swap3A_42, %swap3A_43] {strides = array<i32>} : memref<4x16xi32, #tpu.memory_space<vmem>>, vector<1x16xi32>,
    %swap3A_45 = vector.shape_cast %swap3A_44 : vector<1x16xi32> to vector<16xi32>
    %swap3A_46 = vector.shape_cast %broadcast_in_dim3A_40 : vector<16xi32> to vector<1x16xi32>
    tpu.vector_store %arg12[%swap3A_42, %swap3A_43], %swap3A_46 {strides = array<i32>} : memref<4x16xi32, #tpu.memory_space<vmem>>, vector<1x16xi32>,
    %broadcast_in_dim3A_47 = arith.constant 0xFF800000 : f32
    %broadcast_in_dim3A_48 = vector.broadcast %broadcast_in_dim3A_47 : f32 to vector<16xf32>
    %swap3A_49 = arith.constant 3 : i32
    %swap3A_50 = arith.index_cast %swap3A_49 : i32 to index
    %swap3A_51 = arith.constant 0 : index
    %swap3A_52 = tpu.vector_load %arg11[%swap3A_50, %swap3A_51] {strides = array<i32>} : memref<4x16xf32, #tpu.memory_space<vmem>>, vector<1x16xf32>,
    %swap3A_53 = vector.shape_cast %swap3A_52 : vector<1x16xf32> to vector<16xf32>
    %swap3A_54 = vector.shape_cast %broadcast_in_dim3A_48 : vector<16xf32> to vector<1x16xf32>
    tpu.vector_store %arg11[%swap3A_50, %swap3A_51], %swap3A_54 {strides = array<i32>} : memref<4x16xf32, #tpu.memory_space<vmem>>, vector<1x16xf32>,
    %broadcast_in_dim3A_55 = arith.constant 0 : i32
    %broadcast_in_dim3A_56 = vector.broadcast %broadcast_in_dim3A_55 : i32 to vector<16xi32>
    %swap3A_57 = arith.constant 3 : i32
    %swap3A_58 = arith.index_cast %swap3A_57 : i32 to index
    %swap3A_59 = arith.constant 0 : index
    %swap3A_60 = tpu.vector_load %arg12[%swap3A_58, %swap3A_59] {strides = array<i32>} : memref<4x16xi32, #tpu.memory_space<vmem>>, vector<1x16xi32>,
    %swap3A_61 = vector.shape_cast %swap3A_60 : vector<1x16xi32> to vector<16xi32>
    %swap3A_62 = vector.shape_cast %broadcast_in_dim3A_56 : vector<16xi32> to vector<1x16xi32>
    tpu.vector_store %arg12[%swap3A_58, %swap3A_59], %swap3A_62 {strides = array<i32>} : memref<4x16xi32, #tpu.memory_space<vmem>>, vector<1x16xi32>,
    %mul3A_63 = arith.constant 65536 : i32
    %mul3A_64 = arith.muli %add3A, %mul3A_63 : i32
    %dma_start3A = tpu.memref_slice %arg2[%mul3A_64] : memref<5570560xf32, #tpu.memory_space<hbm>> -> memref<16384xf32, #tpu.memory_space<hbm>>
    %dma_start3A_65 = tpu.memref_slice %arg2[%mul3A_64] : memref<5570560xf32, #tpu.memory_space<hbm>> -> memref<16384xf32, #tpu.memory_space<hbm>>
    tpu.enqueue_dma source(%dma_start3A_65 : memref<16384xf32, #tpu.memory_space<hbm>>) target(%arg5 : memref<16384xf32, #tpu.memory_space<vmem>>) target_semaphore(%arg9 : memref<!tpu.dma_semaphore, #tpu.memory_space<semaphore_mem>>)
    %broadcast_in_dim3A_66 = arith.constant 0xFF800000 : f32
    %broadcast_in_dim3A_67 = vector.broadcast %broadcast_in_dim3A_66 : f32 to vector<16xf32>
    %broadcast_in_dim3A_68 = arith.constant 0 : i32
    %broadcast_in_dim3A_69 = vector.broadcast %broadcast_in_dim3A_68 : i32 to vector<16xi32>
    %add3A_70 = arith.constant 16384 : i32
    %add3A_71 = arith.addi %mul3A_64, %add3A_70 : i32
    %dma_start3A_72 = tpu.memref_slice %arg2[%add3A_71] : memref<5570560xf32, #tpu.memory_space<hbm>> -> memref<16384xf32, #tpu.memory_space<hbm>>
    %dma_start3A_73 = tpu.memref_slice %arg2[%add3A_71] : memref<5570560xf32, #tpu.memory_space<hbm>> -> memref<16384xf32, #tpu.memory_space<hbm>>
    tpu.enqueue_dma source(%dma_start3A_73 : memref<16384xf32, #tpu.memory_space<hbm>>) target(%arg6 : memref<16384xf32, #tpu.memory_space<vmem>>) target_semaphore(%arg10 : memref<!tpu.dma_semaphore, #tpu.memory_space<semaphore_mem>>)
    %dma_wait3A = tpu.memref_slice %arg2[%mul3A_64] : memref<5570560xf32, #tpu.memory_space<hbm>> -> memref<16384xf32, #tpu.memory_space<hbm>>
    %dma_wait3A_74 = tpu.memref_slice %arg2[%mul3A_64] : memref<5570560xf32, #tpu.memory_space<hbm>> -> memref<16384xf32, #tpu.memory_space<hbm>>
    tpu.wait_dma2 semaphore(%arg9 : memref<!tpu.dma_semaphore, #tpu.memory_space<semaphore_mem>>) src(%dma_wait3A_74 : memref<16384xf32, #tpu.memory_space<hbm>>) dst(%arg5 : memref<16384xf32, #tpu.memory_space<vmem>>)
    %broadcast_in_dim3A_75 = arith.constant 0xFF800000 : f32
    %broadcast_in_dim3A_76 = vector.broadcast %broadcast_in_dim3A_75 : f32 to vector<16xf32>
    %scan3A = arith.constant 0 : i32
    %scan3A_77 = arith.constant 128 : i32
    %scan3A_78 = arith.addi %scan3A, %scan3A_77 : i32
    %scan3A_79 = arith.constant 1 : i32
    %scan3A_80:4 = scf.for %scan3A_450 = %scan3A to %scan3A_78 step %scan3A_79 iter_args(%scan3A_451 = %broadcast_in_dim3A_76, %scan3A_452 = %broadcast_in_dim3A_76, %scan3A_453 = %broadcast_in_dim3A_76, %scan3A_454 = %broadcast_in_dim3A_76) -> (vector<16xf32>, vector<16xf32>, vector<16xf32>, vector<16xf32>)  : i32 {
      %mul3A_455 = arith.constant 128 : i32
      %mul3A_456 = arith.muli %scan3A_450, %mul3A_455 : i32
      %get3A_457 = arith.index_cast %mul3A_456 : i32 to index
      %get3A_458 = tpu.vector_load %arg5[%get3A_457] {strides = array<i32>} : memref<16384xf32, #tpu.memory_space<vmem>>, vector<16xf32>,
      %get3A_459 = vector.shape_cast %get3A_458 : vector<16xf32> to vector<16xf32>
      %max3A_460 = arith.maximumf %scan3A_451, %get3A_459 : vector<16xf32>
      %add3A_461 = arith.constant 16 : i32
      %add3A_462 = arith.addi %mul3A_456, %add3A_461 : i32
      %get3A_463 = arith.index_cast %add3A_462 : i32 to index
      %get3A_464 = tpu.vector_load %arg5[%get3A_463] {strides = array<i32>} : memref<16384xf32, #tpu.memory_space<vmem>>, vector<16xf32>,
      %get3A_465 = vector.shape_cast %get3A_464 : vector<16xf32> to vector<16xf32>
      %max3A_466 = arith.maximumf %scan3A_452, %get3A_465 : vector<16xf32>
      %add3A_467 = arith.constant 32 : i32
      %add3A_468 = arith.addi %mul3A_456, %add3A_467 : i32
      %get3A_469 = arith.index_cast %add3A_468 : i32 to index
      %get3A_470 = tpu.vector_load %arg5[%get3A_469] {strides = array<i32>} : memref<16384xf32, #tpu.memory_space<vmem>>, vector<16xf32>,
      %get3A_471 = vector.shape_cast %get3A_470 : vector<16xf32> to vector<16xf32>
      %max3A_472 = arith.maximumf %scan3A_453, %get3A_471 : vector<16xf32>
      %add3A_473 = arith.constant 48 : i32
      %add3A_474 = arith.addi %mul3A_456, %add3A_473 : i32
      %get3A_475 = arith.index_cast %add3A_474 : i32 to index
      %get3A_476 = tpu.vector_load %arg5[%get3A_475] {strides = array<i32>} : memref<16384xf32, #tpu.memory_space<vmem>>, vector<16xf32>,
      %get3A_477 = vector.shape_cast %get3A_476 : vector<16xf32> to vector<16xf32>
      %max3A_478 = arith.maximumf %scan3A_454, %get3A_477 : vector<16xf32>
      %add3A_479 = arith.constant 64 : i32
      %add3A_480 = arith.addi %mul3A_456, %add3A_479 : i32
      %get3A_481 = arith.index_cast %add3A_480 : i32 to index
      %get3A_482 = tpu.vector_load %arg5[%get3A_481] {strides = array<i32>} : memref<16384xf32, #tpu.memory_space<vmem>>, vector<16xf32>,
      %get3A_483 = vector.shape_cast %get3A_482 : vector<16xf32> to vector<16xf32>
      %max3A_484 = arith.maximumf %max3A_460, %get3A_483 : vector<16xf32>
      %add3A_485 = arith.constant 80 : i32
      %add3A_486 = arith.addi %mul3A_456, %add3A_485 : i32
      %get3A_487 = arith.index_cast %add3A_486 : i32 to index
      %get3A_488 = tpu.vector_load %arg5[%get3A_487] {strides = array<i32>} : memref<16384xf32, #tpu.memory_space<vmem>>, vector<16xf32>,
      %get3A_489 = vector.shape_cast %get3A_488 : vector<16xf32> to vector<16xf32>
      %max3A_490 = arith.maximumf %max3A_466, %get3A_489 : vector<16xf32>
      %add3A_491 = arith.constant 96 : i32
      %add3A_492 = arith.addi %mul3A_456, %add3A_491 : i32
      %get3A_493 = arith.index_cast %add3A_492 : i32 to index
      %get3A_494 = tpu.vector_load %arg5[%get3A_493] {strides = array<i32>} : memref<16384xf32, #tpu.memory_space<vmem>>, vector<16xf32>,
      %get3A_495 = vector.shape_cast %get3A_494 : vector<16xf32> to vector<16xf32>
      %max3A_496 = arith.maximumf %max3A_472, %get3A_495 : vector<16xf32>
      %add3A_497 = arith.constant 112 : i32
      %add3A_498 = arith.addi %mul3A_456, %add3A_497 : i32
      %get3A_499 = arith.index_cast %add3A_498 : i32 to index
      %get3A_500 = tpu.vector_load %arg5[%get3A_499] {strides = array<i32>} : memref<16384xf32, #tpu.memory_space<vmem>>, vector<16xf32>,
      %get3A_501 = vector.shape_cast %get3A_500 : vector<16xf32> to vector<16xf32>
      %max3A_502 = arith.maximumf %max3A_478, %get3A_501 : vector<16xf32>
      scf.yield %max3A_484, %max3A_490, %max3A_496, %max3A_502 : vector<16xf32>, vector<16xf32>, vector<16xf32>, vector<16xf32>
    }
    %scan3A_81 = arith.constant 128 : i32
    %max3A = arith.maximumf %scan3A_80#0, %scan3A_80#1 : vector<16xf32>
    %max3A_82 = arith.maximumf %scan3A_80#2, %scan3A_80#3 : vector<16xf32>
    %max3A_83 = arith.maximumf %max3A, %max3A_82 : vector<16xf32>
    %mul3A_84 = arith.constant 4 : i32
    %mul3A_85 = arith.muli %add3A, %mul3A_84 : i32
    %add3A_86 = arith.constant 0 : i32
    %add3A_87 = arith.addi %mul3A_85, %add3A_86 : i32
    %gt3A = arith.cmpf ogt, %max3A_83, %broadcast_in_dim3A_67 : vector<16xf32>
    %select_n3A = arith.select %gt3A, %max3A_83, %broadcast_in_dim3A_67 : vector<16xi1>, vector<16xf32>
    %broadcast_in_dim3A_88 = vector.broadcast %add3A_87 : i32 to vector<16xi32>
    %select_n3A_89 = arith.select %gt3A, %broadcast_in_dim3A_88, %broadcast_in_dim3A_69 : vector<16xi1>, vector<16xi32>
    %add3A_90 = arith.constant 32768 : i32
    %add3A_91 = arith.addi %mul3A_64, %add3A_90 : i32
    %dma_start3A_92 = tpu.memref_slice %arg2[%add3A_91] : memref<5570560xf32, #tpu.memory_space<hbm>> -> memref<16384xf32, #tpu.memory_space<hbm>>
    %dma_start3A_93 = tpu.memref_slice %arg2[%add3A_91] : memref<5570560xf32, #tpu.memory_space<hbm>> -> memref<16384xf32, #tpu.memory_space<hbm>>
    tpu.enqueue_dma source(%dma_start3A_93 : memref<16384xf32, #tpu.memory_space<hbm>>) target(%arg5 : memref<16384xf32, #tpu.memory_space<vmem>>) target_semaphore(%arg9 : memref<!tpu.dma_semaphore, #tpu.memory_space<semaphore_mem>>)
    %dma_wait3A_94 = tpu.memref_slice %arg2[%add3A_71] : memref<5570560xf32, #tpu.memory_space<hbm>> -> memref<16384xf32, #tpu.memory_space<hbm>>
    %dma_wait3A_95 = tpu.memref_slice %arg2[%add3A_71] : memref<5570560xf32, #tpu.memory_space<hbm>> -> memref<16384xf32, #tpu.memory_space<hbm>>
    tpu.wait_dma2 semaphore(%arg10 : memref<!tpu.dma_semaphore, #tpu.memory_space<semaphore_mem>>) src(%dma_wait3A_95 : memref<16384xf32, #tpu.memory_space<hbm>>) dst(%arg6 : memref<16384xf32, #tpu.memory_space<vmem>>)
    %broadcast_in_dim3A_96 = arith.constant 0xFF800000 : f32
    %broadcast_in_dim3A_97 = vector.broadcast %broadcast_in_dim3A_96 : f32 to vector<16xf32>
    %scan3A_98 = arith.constant 0 : i32
    %scan3A_99 = arith.constant 128 : i32
    %scan3A_100 = arith.addi %scan3A_98, %scan3A_99 : i32
    %scan3A_101 = arith.constant 1 : i32
    %scan3A_102:4 = scf.for %scan3A_450 = %scan3A_98 to %scan3A_100 step %scan3A_101 iter_args(%scan3A_451 = %broadcast_in_dim3A_97, %scan3A_452 = %broadcast_in_dim3A_97, %scan3A_453 = %broadcast_in_dim3A_97, %scan3A_454 = %broadcast_in_dim3A_97) -> (vector<16xf32>, vector<16xf32>, vector<16xf32>, vector<16xf32>)  : i32 {
      %mul3A_455 = arith.constant 128 : i32
      %mul3A_456 = arith.muli %scan3A_450, %mul3A_455 : i32
      %get3A_457 = arith.index_cast %mul3A_456 : i32 to index
      %get3A_458 = tpu.vector_load %arg6[%get3A_457] {strides = array<i32>} : memref<16384xf32, #tpu.memory_space<vmem>>, vector<16xf32>,
      %get3A_459 = vector.shape_cast %get3A_458 : vector<16xf32> to vector<16xf32>
      %max3A_460 = arith.maximumf %scan3A_451, %get3A_459 : vector<16xf32>
      %add3A_461 = arith.constant 16 : i32
      %add3A_462 = arith.addi %mul3A_456, %add3A_461 : i32
      %get3A_463 = arith.index_cast %add3A_462 : i32 to index
      %get3A_464 = tpu.vector_load %arg6[%get3A_463] {strides = array<i32>} : memref<16384xf32, #tpu.memory_space<vmem>>, vector<16xf32>,
      %get3A_465 = vector.shape_cast %get3A_464 : vector<16xf32> to vector<16xf32>
      %max3A_466 = arith.maximumf %scan3A_452, %get3A_465 : vector<16xf32>
      %add3A_467 = arith.constant 32 : i32
      %add3A_468 = arith.addi %mul3A_456, %add3A_467 : i32
      %get3A_469 = arith.index_cast %add3A_468 : i32 to index
      %get3A_470 = tpu.vector_load %arg6[%get3A_469] {strides = array<i32>} : memref<16384xf32, #tpu.memory_space<vmem>>, vector<16xf32>,
      %get3A_471 = vector.shape_cast %get3A_470 : vector<16xf32> to vector<16xf32>
      %max3A_472 = arith.maximumf %scan3A_453, %get3A_471 : vector<16xf32>
      %add3A_473 = arith.constant 48 : i32
      %add3A_474 = arith.addi %mul3A_456, %add3A_473 : i32
      %get3A_475 = arith.index_cast %add3A_474 : i32 to index
      %get3A_476 = tpu.vector_load %arg6[%get3A_475] {strides = array<i32>} : memref<16384xf32, #tpu.memory_space<vmem>>, vector<16xf32>,
      %get3A_477 = vector.shape_cast %get3A_476 : vector<16xf32> to vector<16xf32>
      %max3A_478 = arith.maximumf %scan3A_454, %get3A_477 : vector<16xf32>
      %add3A_479 = arith.constant 64 : i32
      %add3A_480 = arith.addi %mul3A_456, %add3A_479 : i32
      %get3A_481 = arith.index_cast %add3A_480 : i32 to index
      %get3A_482 = tpu.vector_load %arg6[%get3A_481] {strides = array<i32>} : memref<16384xf32, #tpu.memory_space<vmem>>, vector<16xf32>,
      %get3A_483 = vector.shape_cast %get3A_482 : vector<16xf32> to vector<16xf32>
      %max3A_484 = arith.maximumf %max3A_460, %get3A_483 : vector<16xf32>
      %add3A_485 = arith.constant 80 : i32
      %add3A_486 = arith.addi %mul3A_456, %add3A_485 : i32
      %get3A_487 = arith.index_cast %add3A_486 : i32 to index
      %get3A_488 = tpu.vector_load %arg6[%get3A_487] {strides = array<i32>} : memref<16384xf32, #tpu.memory_space<vmem>>, vector<16xf32>,
      %get3A_489 = vector.shape_cast %get3A_488 : vector<16xf32> to vector<16xf32>
      %max3A_490 = arith.maximumf %max3A_466, %get3A_489 : vector<16xf32>
      %add3A_491 = arith.constant 96 : i32
      %add3A_492 = arith.addi %mul3A_456, %add3A_491 : i32
      %get3A_493 = arith.index_cast %add3A_492 : i32 to index
      %get3A_494 = tpu.vector_load %arg6[%get3A_493] {strides = array<i32>} : memref<16384xf32, #tpu.memory_space<vmem>>, vector<16xf32>,
      %get3A_495 = vector.shape_cast %get3A_494 : vector<16xf32> to vector<16xf32>
      %max3A_496 = arith.maximumf %max3A_472, %get3A_495 : vector<16xf32>
      %add3A_497 = arith.constant 112 : i32
      %add3A_498 = arith.addi %mul3A_456, %add3A_497 : i32
      %get3A_499 = arith.index_cast %add3A_498 : i32 to index
      %get3A_500 = tpu.vector_load %arg6[%get3A_499] {strides = array<i32>} : memref<16384xf32, #tpu.memory_space<vmem>>, vector<16xf32>,
      %get3A_501 = vector.shape_cast %get3A_500 : vector<16xf32> to vector<16xf32>
      %max3A_502 = arith.maximumf %max3A_478, %get3A_501 : vector<16xf32>
      scf.yield %max3A_484, %max3A_490, %max3A_496, %max3A_502 : vector<16xf32>, vector<16xf32>, vector<16xf32>, vector<16xf32>
    }
    %scan3A_103 = arith.constant 128 : i32
    %max3A_104 = arith.maximumf %scan3A_102#0, %scan3A_102#1 : vector<16xf32>
    %max3A_105 = arith.maximumf %scan3A_102#2, %scan3A_102#3 : vector<16xf32>
    %max3A_106 = arith.maximumf %max3A_104, %max3A_105 : vector<16xf32>
    %mul3A_107 = arith.constant 4 : i32
    %mul3A_108 = arith.muli %add3A, %mul3A_107 : i32
    %add3A_109 = arith.constant 1 : i32
    %add3A_110 = arith.addi %mul3A_108, %add3A_109 : i32
    %gt3A_111 = arith.cmpf ogt, %max3A_106, %select_n3A : vector<16xf32>
    %select_n3A_112 = arith.select %gt3A_111, %max3A_106, %select_n3A : vector<16xi1>, vector<16xf32>
    %broadcast_in_dim3A_113 = vector.broadcast %add3A_110 : i32 to vector<16xi32>
    %select_n3A_114 = arith.select %gt3A_111, %broadcast_in_dim3A_113, %select_n3A_89 : vector<16xi1>, vector<16xi32>
    %add3A_115 = arith.constant 49152 : i32
    %add3A_116 = arith.addi %mul3A_64, %add3A_115 : i32
    %dma_start3A_117 = tpu.memref_slice %arg2[%add3A_116] : memref<5570560xf32, #tpu.memory_space<hbm>> -> memref<16384xf32, #tpu.memory_space<hbm>>
    %dma_start3A_118 = tpu.memref_slice %arg2[%add3A_116] : memref<5570560xf32, #tpu.memory_space<hbm>> -> memref<16384xf32, #tpu.memory_space<hbm>>
    tpu.enqueue_dma source(%dma_start3A_118 : memref<16384xf32, #tpu.memory_space<hbm>>) target(%arg6 : memref<16384xf32, #tpu.memory_space<vmem>>) target_semaphore(%arg10 : memref<!tpu.dma_semaphore, #tpu.memory_space<semaphore_mem>>)
    %dma_wait3A_119 = tpu.memref_slice %arg2[%add3A_91] : memref<5570560xf32, #tpu.memory_space<hbm>> -> memref<16384xf32, #tpu.memory_space<hbm>>
    %dma_wait3A_120 = tpu.memref_slice %arg2[%add3A_91] : memref<5570560xf32, #tpu.memory_space<hbm>> -> memref<16384xf32, #tpu.memory_space<hbm>>
    tpu.wait_dma2 semaphore(%arg9 : memref<!tpu.dma_semaphore, #tpu.memory_space<semaphore_mem>>) src(%dma_wait3A_120 : memref<16384xf32, #tpu.memory_space<hbm>>) dst(%arg5 : memref<16384xf32, #tpu.memory_space<vmem>>)
    %broadcast_in_dim3A_121 = arith.constant 0xFF800000 : f32
    %broadcast_in_dim3A_122 = vector.broadcast %broadcast_in_dim3A_121 : f32 to vector<16xf32>
    %scan3A_123 = arith.constant 0 : i32
    %scan3A_124 = arith.constant 128 : i32
    %scan3A_125 = arith.addi %scan3A_123, %scan3A_124 : i32
    %scan3A_126 = arith.constant 1 : i32
    %scan3A_127:4 = scf.for %scan3A_450 = %scan3A_123 to %scan3A_125 step %scan3A_126 iter_args(%scan3A_451 = %broadcast_in_dim3A_122, %scan3A_452 = %broadcast_in_dim3A_122, %scan3A_453 = %broadcast_in_dim3A_122, %scan3A_454 = %broadcast_in_dim3A_122) -> (vector<16xf32>, vector<16xf32>, vector<16xf32>, vector<16xf32>)  : i32 {
      %mul3A_455 = arith.constant 128 : i32
      %mul3A_456 = arith.muli %scan3A_450, %mul3A_455 : i32
      %get3A_457 = arith.index_cast %mul3A_456 : i32 to index
      %get3A_458 = tpu.vector_load %arg5[%get3A_457] {strides = array<i32>} : memref<16384xf32, #tpu.memory_space<vmem>>, vector<16xf32>,
      %get3A_459 = vector.shape_cast %get3A_458 : vector<16xf32> to vector<16xf32>
      %max3A_460 = arith.maximumf %scan3A_451, %get3A_459 : vector<16xf32>
      %add3A_461 = arith.constant 16 : i32
      %add3A_462 = arith.addi %mul3A_456, %add3A_461 : i32
      %get3A_463 = arith.index_cast %add3A_462 : i32 to index
      %get3A_464 = tpu.vector_load %arg5[%get3A_463] {strides = array<i32>} : memref<16384xf32, #tpu.memory_space<vmem>>, vector<16xf32>,
      %get3A_465 = vector.shape_cast %get3A_464 : vector<16xf32> to vector<16xf32>
      %max3A_466 = arith.maximumf %scan3A_452, %get3A_465 : vector<16xf32>
      %add3A_467 = arith.constant 32 : i32
      %add3A_468 = arith.addi %mul3A_456, %add3A_467 : i32
      %get3A_469 = arith.index_cast %add3A_468 : i32 to index
      %get3A_470 = tpu.vector_load %arg5[%get3A_469] {strides = array<i32>} : memref<16384xf32, #tpu.memory_space<vmem>>, vector<16xf32>,
      %get3A_471 = vector.shape_cast %get3A_470 : vector<16xf32> to vector<16xf32>
      %max3A_472 = arith.maximumf %scan3A_453, %get3A_471 : vector<16xf32>
      %add3A_473 = arith.constant 48 : i32
      %add3A_474 = arith.addi %mul3A_456, %add3A_473 : i32
      %get3A_475 = arith.index_cast %add3A_474 : i32 to index
      %get3A_476 = tpu.vector_load %arg5[%get3A_475] {strides = array<i32>} : memref<16384xf32, #tpu.memory_space<vmem>>, vector<16xf32>,
      %get3A_477 = vector.shape_cast %get3A_476 : vector<16xf32> to vector<16xf32>
      %max3A_478 = arith.maximumf %scan3A_454, %get3A_477 : vector<16xf32>
      %add3A_479 = arith.constant 64 : i32
      %add3A_480 = arith.addi %mul3A_456, %add3A_479 : i32
      %get3A_481 = arith.index_cast %add3A_480 : i32 to index
      %get3A_482 = tpu.vector_load %arg5[%get3A_481] {strides = array<i32>} : memref<16384xf32, #tpu.memory_space<vmem>>, vector<16xf32>,
      %get3A_483 = vector.shape_cast %get3A_482 : vector<16xf32> to vector<16xf32>
      %max3A_484 = arith.maximumf %max3A_460, %get3A_483 : vector<16xf32>
      %add3A_485 = arith.constant 80 : i32
      %add3A_486 = arith.addi %mul3A_456, %add3A_485 : i32
      %get3A_487 = arith.index_cast %add3A_486 : i32 to index
      %get3A_488 = tpu.vector_load %arg5[%get3A_487] {strides = array<i32>} : memref<16384xf32, #tpu.memory_space<vmem>>, vector<16xf32>,
      %get3A_489 = vector.shape_cast %get3A_488 : vector<16xf32> to vector<16xf32>
      %max3A_490 = arith.maximumf %max3A_466, %get3A_489 : vector<16xf32>
      %add3A_491 = arith.constant 96 : i32
      %add3A_492 = arith.addi %mul3A_456, %add3A_491 : i32
      %get3A_493 = arith.index_cast %add3A_492 : i32 to index
      %get3A_494 = tpu.vector_load %arg5[%get3A_493] {strides = array<i32>} : memref<16384xf32, #tpu.memory_space<vmem>>, vector<16xf32>,
      %get3A_495 = vector.shape_cast %get3A_494 : vector<16xf32> to vector<16xf32>
      %max3A_496 = arith.maximumf %max3A_472, %get3A_495 : vector<16xf32>
      %add3A_497 = arith.constant 112 : i32
      %add3A_498 = arith.addi %mul3A_456, %add3A_497 : i32
      %get3A_499 = arith.index_cast %add3A_498 : i32 to index
      %get3A_500 = tpu.vector_load %arg5[%get3A_499] {strides = array<i32>} : memref<16384xf32, #tpu.memory_space<vmem>>, vector<16xf32>,
      %get3A_501 = vector.shape_cast %get3A_500 : vector<16xf32> to vector<16xf32>
      %max3A_502 = arith.maximumf %max3A_478, %get3A_501 : vector<16xf32>
      scf.yield %max3A_484, %max3A_490, %max3A_496, %max3A_502 : vector<16xf32>, vector<16xf32>, vector<16xf32>, vector<16xf32>
    }
    %scan3A_128 = arith.constant 128 : i32
    %max3A_129 = arith.maximumf %scan3A_127#0, %scan3A_127#1 : vector<16xf32>
    %max3A_130 = arith.maximumf %scan3A_127#2, %scan3A_127#3 : vector<16xf32>
    %max3A_131 = arith.maximumf %max3A_129, %max3A_130 : vector<16xf32>
    %mul3A_132 = arith.constant 4 : i32
    %mul3A_133 = arith.muli %add3A, %mul3A_132 : i32
    %add3A_134 = arith.constant 2 : i32
    %add3A_135 = arith.addi %mul3A_133, %add3A_134 : i32
    %gt3A_136 = arith.cmpf ogt, %max3A_131, %select_n3A_112 : vector<16xf32>
    %select_n3A_137 = arith.select %gt3A_136, %max3A_131, %select_n3A_112 : vector<16xi1>, vector<16xf32>
    %broadcast_in_dim3A_138 = vector.broadcast %add3A_135 : i32 to vector<16xi32>
    %select_n3A_139 = arith.select %gt3A_136, %broadcast_in_dim3A_138, %select_n3A_114 : vector<16xi1>, vector<16xi32>
    %dma_wait3A_140 = tpu.memref_slice %arg2[%add3A_116] : memref<5570560xf32, #tpu.memory_space<hbm>> -> memref<16384xf32, #tpu.memory_space<hbm>>
    %dma_wait3A_141 = tpu.memref_slice %arg2[%add3A_116] : memref<5570560xf32, #tpu.memory_space<hbm>> -> memref<16384xf32, #tpu.memory_space<hbm>>
    tpu.wait_dma2 semaphore(%arg10 : memref<!tpu.dma_semaphore, #tpu.memory_space<semaphore_mem>>) src(%dma_wait3A_141 : memref<16384xf32, #tpu.memory_space<hbm>>) dst(%arg6 : memref<16384xf32, #tpu.memory_space<vmem>>)
    %broadcast_in_dim3A_142 = arith.constant 0xFF800000 : f32
    %broadcast_in_dim3A_143 = vector.broadcast %broadcast_in_dim3A_142 : f32 to vector<16xf32>
    %scan3A_144 = arith.constant 0 : i32
    %scan3A_145 = arith.constant 128 : i32
    %scan3A_146 = arith.addi %scan3A_144, %scan3A_145 : i32
    %scan3A_147 = arith.constant 1 : i32
    %scan3A_148:4 = scf.for %scan3A_450 = %scan3A_144 to %scan3A_146 step %scan3A_147 iter_args(%scan3A_451 = %broadcast_in_dim3A_143, %scan3A_452 = %broadcast_in_dim3A_143, %scan3A_453 = %broadcast_in_dim3A_143, %scan3A_454 = %broadcast_in_dim3A_143) -> (vector<16xf32>, vector<16xf32>, vector<16xf32>, vector<16xf32>)  : i32 {
      %mul3A_455 = arith.constant 128 : i32
      %mul3A_456 = arith.muli %scan3A_450, %mul3A_455 : i32
      %get3A_457 = arith.index_cast %mul3A_456 : i32 to index
      %get3A_458 = tpu.vector_load %arg6[%get3A_457] {strides = array<i32>} : memref<16384xf32, #tpu.memory_space<vmem>>, vector<16xf32>,
      %get3A_459 = vector.shape_cast %get3A_458 : vector<16xf32> to vector<16xf32>
      %max3A_460 = arith.maximumf %scan3A_451, %get3A_459 : vector<16xf32>
      %add3A_461 = arith.constant 16 : i32
      %add3A_462 = arith.addi %mul3A_456, %add3A_461 : i32
      %get3A_463 = arith.index_cast %add3A_462 : i32 to index
      %get3A_464 = tpu.vector_load %arg6[%get3A_463] {strides = array<i32>} : memref<16384xf32, #tpu.memory_space<vmem>>, vector<16xf32>,
      %get3A_465 = vector.shape_cast %get3A_464 : vector<16xf32> to vector<16xf32>
      %max3A_466 = arith.maximumf %scan3A_452, %get3A_465 : vector<16xf32>
      %add3A_467 = arith.constant 32 : i32
      %add3A_468 = arith.addi %mul3A_456, %add3A_467 : i32
      %get3A_469 = arith.index_cast %add3A_468 : i32 to index
      %get3A_470 = tpu.vector_load %arg6[%get3A_469] {strides = array<i32>} : memref<16384xf32, #tpu.memory_space<vmem>>, vector<16xf32>,
      %get3A_471 = vector.shape_cast %get3A_470 : vector<16xf32> to vector<16xf32>
      %max3A_472 = arith.maximumf %scan3A_453, %get3A_471 : vector<16xf32>
      %add3A_473 = arith.constant 48 : i32
      %add3A_474 = arith.addi %mul3A_456, %add3A_473 : i32
      %get3A_475 = arith.index_cast %add3A_474 : i32 to index
      %get3A_476 = tpu.vector_load %arg6[%get3A_475] {strides = array<i32>} : memref<16384xf32, #tpu.memory_space<vmem>>, vector<16xf32>,
      %get3A_477 = vector.shape_cast %get3A_476 : vector<16xf32> to vector<16xf32>
      %max3A_478 = arith.maximumf %scan3A_454, %get3A_477 : vector<16xf32>
      %add3A_479 = arith.constant 64 : i32
      %add3A_480 = arith.addi %mul3A_456, %add3A_479 : i32
      %get3A_481 = arith.index_cast %add3A_480 : i32 to index
      %get3A_482 = tpu.vector_load %arg6[%get3A_481] {strides = array<i32>} : memref<16384xf32, #tpu.memory_space<vmem>>, vector<16xf32>,
      %get3A_483 = vector.shape_cast %get3A_482 : vector<16xf32> to vector<16xf32>
      %max3A_484 = arith.maximumf %max3A_460, %get3A_483 : vector<16xf32>
      %add3A_485 = arith.constant 80 : i32
      %add3A_486 = arith.addi %mul3A_456, %add3A_485 : i32
      %get3A_487 = arith.index_cast %add3A_486 : i32 to index
      %get3A_488 = tpu.vector_load %arg6[%get3A_487] {strides = array<i32>} : memref<16384xf32, #tpu.memory_space<vmem>>, vector<16xf32>,
      %get3A_489 = vector.shape_cast %get3A_488 : vector<16xf32> to vector<16xf32>
      %max3A_490 = arith.maximumf %max3A_466, %get3A_489 : vector<16xf32>
      %add3A_491 = arith.constant 96 : i32
      %add3A_492 = arith.addi %mul3A_456, %add3A_491 : i32
      %get3A_493 = arith.index_cast %add3A_492 : i32 to index
      %get3A_494 = tpu.vector_load %arg6[%get3A_493] {strides = array<i32>} : memref<16384xf32, #tpu.memory_space<vmem>>, vector<16xf32>,
      %get3A_495 = vector.shape_cast %get3A_494 : vector<16xf32> to vector<16xf32>
      %max3A_496 = arith.maximumf %max3A_472, %get3A_495 : vector<16xf32>
      %add3A_497 = arith.constant 112 : i32
      %add3A_498 = arith.addi %mul3A_456, %add3A_497 : i32
      %get3A_499 = arith.index_cast %add3A_498 : i32 to index
      %get3A_500 = tpu.vector_load %arg6[%get3A_499] {strides = array<i32>} : memref<16384xf32, #tpu.memory_space<vmem>>, vector<16xf32>,
      %get3A_501 = vector.shape_cast %get3A_500 : vector<16xf32> to vector<16xf32>
      %max3A_502 = arith.maximumf %max3A_478, %get3A_501 : vector<16xf32>
      scf.yield %max3A_484, %max3A_490, %max3A_496, %max3A_502 : vector<16xf32>, vector<16xf32>, vector<16xf32>, vector<16xf32>
    }
    %scan3A_149 = arith.constant 128 : i32
    %max3A_150 = arith.maximumf %scan3A_148#0, %scan3A_148#1 : vector<16xf32>
    %max3A_151 = arith.maximumf %scan3A_148#2, %scan3A_148#3 : vector<16xf32>
    %max3A_152 = arith.maximumf %max3A_150, %max3A_151 : vector<16xf32>
    %mul3A_153 = arith.constant 4 : i32
    %mul3A_154 = arith.muli %add3A, %mul3A_153 : i32
    %add3A_155 = arith.constant 3 : i32
    %add3A_156 = arith.addi %mul3A_154, %add3A_155 : i32
    %gt3A_157 = arith.cmpf ogt, %max3A_152, %select_n3A_137 : vector<16xf32>
    %select_n3A_158 = arith.select %gt3A_157, %max3A_152, %select_n3A_137 : vector<16xi1>, vector<16xf32>
    %broadcast_in_dim3A_159 = vector.broadcast %add3A_156 : i32 to vector<16xi32>
    %select_n3A_160 = arith.select %gt3A_157, %broadcast_in_dim3A_159, %select_n3A_139 : vector<16xi1>, vector<16xi32>
    %ge3A = arith.constant 1 : i32
    %ge3A_161 = arith.cmpi sge, %add3A, %ge3A : i32
    %convert_element_type3A = arith.extui %ge3A_161 : i1 to i32
    %ge3A_162 = arith.constant 5 : i32
    %ge3A_163 = arith.cmpi sge, %add3A, %ge3A_162 : i32
    %convert_element_type3A_164 = arith.extui %ge3A_163 : i1 to i32
    %add3A_165 = arith.addi %convert_element_type3A, %convert_element_type3A_164 : i32
    %ge3A_166 = arith.constant 21 : i32
    %ge3A_167 = arith.cmpi sge, %add3A, %ge3A_166 : i32
    %convert_element_type3A_168 = arith.extui %ge3A_167 : i1 to i32
    %add3A_169 = arith.addi %add3A_165, %convert_element_type3A_168 : i32
    %eq3A = arith.constant 0 : i32
    %eq3A_170 = arith.cmpi eq, %add3A_169, %eq3A : i32
    %convert_element_type3A_171 = arith.extui %eq3A_170 : i1 to i32
    %cond3A = arith.constant 0 : i32
    %cond3A_172 = arith.cmpi ne, %convert_element_type3A_171, %cond3A : i32
    scf.if %cond3A_172 {
      %get3A_450 = arith.constant 0 : i32
      %get3A_451 = arith.index_cast %get3A_450 : i32 to index
      %get3A_452 = arith.constant 0 : index
      %get3A_453 = tpu.vector_load %arg11[%get3A_451, %get3A_452] {strides = array<i32>} : memref<4x16xf32, #tpu.memory_space<vmem>>, vector<1x16xf32>,
      %get3A_454 = vector.shape_cast %get3A_453 : vector<1x16xf32> to vector<16xf32>
      %gt3A_455 = arith.cmpf ogt, %select_n3A_158, %get3A_454 : vector<16xf32>
      %get3A_456 = arith.constant 0 : i32
      %get3A_457 = arith.index_cast %get3A_456 : i32 to index
      %get3A_458 = arith.constant 0 : index
      %get3A_459 = tpu.vector_load %arg11[%get3A_457, %get3A_458] {strides = array<i32>} : memref<4x16xf32, #tpu.memory_space<vmem>>, vector<1x16xf32>,
      %get3A_460 = vector.shape_cast %get3A_459 : vector<1x16xf32> to vector<16xf32>
      %select_n3A_461 = arith.select %gt3A_455, %select_n3A_158, %get3A_460 : vector<16xi1>, vector<16xf32>
      %swap3A_462 = arith.constant 0 : i32
      %swap3A_463 = arith.index_cast %swap3A_462 : i32 to index
      %swap3A_464 = arith.constant 0 : index
      %swap3A_465 = tpu.vector_load %arg11[%swap3A_463, %swap3A_464] {strides = array<i32>} : memref<4x16xf32, #tpu.memory_space<vmem>>, vector<1x16xf32>,
      %swap3A_466 = vector.shape_cast %swap3A_465 : vector<1x16xf32> to vector<16xf32>
      %swap3A_467 = vector.shape_cast %select_n3A_461 : vector<16xf32> to vector<1x16xf32>
      tpu.vector_store %arg11[%swap3A_463, %swap3A_464], %swap3A_467 {strides = array<i32>} : memref<4x16xf32, #tpu.memory_space<vmem>>, vector<1x16xf32>,
      %get3A_468 = arith.constant 0 : i32
      %get3A_469 = arith.index_cast %get3A_468 : i32 to index
      %get3A_470 = arith.constant 0 : index
      %get3A_471 = tpu.vector_load %arg12[%get3A_469, %get3A_470] {strides = array<i32>} : memref<4x16xi32, #tpu.memory_space<vmem>>, vector<1x16xi32>,
      %get3A_472 = vector.shape_cast %get3A_471 : vector<1x16xi32> to vector<16xi32>
      %select_n3A_473 = arith.select %gt3A_455, %select_n3A_160, %get3A_472 : vector<16xi1>, vector<16xi32>
      %swap3A_474 = arith.constant 0 : i32
      %swap3A_475 = arith.index_cast %swap3A_474 : i32 to index
      %swap3A_476 = arith.constant 0 : index
      %swap3A_477 = tpu.vector_load %arg12[%swap3A_475, %swap3A_476] {strides = array<i32>} : memref<4x16xi32, #tpu.memory_space<vmem>>, vector<1x16xi32>,
      %swap3A_478 = vector.shape_cast %swap3A_477 : vector<1x16xi32> to vector<16xi32>
      %swap3A_479 = vector.shape_cast %select_n3A_473 : vector<16xi32> to vector<1x16xi32>
      tpu.vector_store %arg12[%swap3A_475, %swap3A_476], %swap3A_479 {strides = array<i32>} : memref<4x16xi32, #tpu.memory_space<vmem>>, vector<1x16xi32>,
    } else {
    }
    %ge3A_173 = arith.constant 1 : i32
    %ge3A_174 = arith.cmpi sge, %add3A, %ge3A_173 : i32
    %convert_element_type3A_175 = arith.extui %ge3A_174 : i1 to i32
    %ge3A_176 = arith.constant 5 : i32
    %ge3A_177 = arith.cmpi sge, %add3A, %ge3A_176 : i32
    %convert_element_type3A_178 = arith.extui %ge3A_177 : i1 to i32
    %add3A_179 = arith.addi %convert_element_type3A_175, %convert_element_type3A_178 : i32
    %ge3A_180 = arith.constant 21 : i32
    %ge3A_181 = arith.cmpi sge, %add3A, %ge3A_180 : i32
    %convert_element_type3A_182 = arith.extui %ge3A_181 : i1 to i32
    %add3A_183 = arith.addi %add3A_179, %convert_element_type3A_182 : i32
    %eq3A_184 = arith.constant 1 : i32
    %eq3A_185 = arith.cmpi eq, %add3A_183, %eq3A_184 : i32
    %convert_element_type3A_186 = arith.extui %eq3A_185 : i1 to i32
    %cond3A_187 = arith.constant 0 : i32
    %cond3A_188 = arith.cmpi ne, %convert_element_type3A_186, %cond3A_187 : i32
    scf.if %cond3A_188 {
      %get3A_450 = arith.constant 1 : i32
      %get3A_451 = arith.index_cast %get3A_450 : i32 to index
      %get3A_452 = arith.constant 0 : index
      %get3A_453 = tpu.vector_load %arg11[%get3A_451, %get3A_452] {strides = array<i32>} : memref<4x16xf32, #tpu.memory_space<vmem>>, vector<1x16xf32>,
      %get3A_454 = vector.shape_cast %get3A_453 : vector<1x16xf32> to vector<16xf32>
      %gt3A_455 = arith.cmpf ogt, %select_n3A_158, %get3A_454 : vector<16xf32>
      %get3A_456 = arith.constant 1 : i32
      %get3A_457 = arith.index_cast %get3A_456 : i32 to index
      %get3A_458 = arith.constant 0 : index
      %get3A_459 = tpu.vector_load %arg11[%get3A_457, %get3A_458] {strides = array<i32>} : memref<4x16xf32, #tpu.memory_space<vmem>>, vector<1x16xf32>,
      %get3A_460 = vector.shape_cast %get3A_459 : vector<1x16xf32> to vector<16xf32>
      %select_n3A_461 = arith.select %gt3A_455, %select_n3A_158, %get3A_460 : vector<16xi1>, vector<16xf32>
      %swap3A_462 = arith.constant 1 : i32
      %swap3A_463 = arith.index_cast %swap3A_462 : i32 to index
      %swap3A_464 = arith.constant 0 : index
      %swap3A_465 = tpu.vector_load %arg11[%swap3A_463, %swap3A_464] {strides = array<i32>} : memref<4x16xf32, #tpu.memory_space<vmem>>, vector<1x16xf32>,
      %swap3A_466 = vector.shape_cast %swap3A_465 : vector<1x16xf32> to vector<16xf32>
      %swap3A_467 = vector.shape_cast %select_n3A_461 : vector<16xf32> to vector<1x16xf32>
      tpu.vector_store %arg11[%swap3A_463, %swap3A_464], %swap3A_467 {strides = array<i32>} : memref<4x16xf32, #tpu.memory_space<vmem>>, vector<1x16xf32>,
      %get3A_468 = arith.constant 1 : i32
      %get3A_469 = arith.index_cast %get3A_468 : i32 to index
      %get3A_470 = arith.constant 0 : index
      %get3A_471 = tpu.vector_load %arg12[%get3A_469, %get3A_470] {strides = array<i32>} : memref<4x16xi32, #tpu.memory_space<vmem>>, vector<1x16xi32>,
      %get3A_472 = vector.shape_cast %get3A_471 : vector<1x16xi32> to vector<16xi32>
      %select_n3A_473 = arith.select %gt3A_455, %select_n3A_160, %get3A_472 : vector<16xi1>, vector<16xi32>
      %swap3A_474 = arith.constant 1 : i32
      %swap3A_475 = arith.index_cast %swap3A_474 : i32 to index
      %swap3A_476 = arith.constant 0 : index
      %swap3A_477 = tpu.vector_load %arg12[%swap3A_475, %swap3A_476] {strides = array<i32>} : memref<4x16xi32, #tpu.memory_space<vmem>>, vector<1x16xi32>,
      %swap3A_478 = vector.shape_cast %swap3A_477 : vector<1x16xi32> to vector<16xi32>
      %swap3A_479 = vector.shape_cast %select_n3A_473 : vector<16xi32> to vector<1x16xi32>
      tpu.vector_store %arg12[%swap3A_475, %swap3A_476], %swap3A_479 {strides = array<i32>} : memref<4x16xi32, #tpu.memory_space<vmem>>, vector<1x16xi32>,
    } else {
    }
    %ge3A_189 = arith.constant 1 : i32
    %ge3A_190 = arith.cmpi sge, %add3A, %ge3A_189 : i32
    %convert_element_type3A_191 = arith.extui %ge3A_190 : i1 to i32
    %ge3A_192 = arith.constant 5 : i32
    %ge3A_193 = arith.cmpi sge, %add3A, %ge3A_192 : i32
    %convert_element_type3A_194 = arith.extui %ge3A_193 : i1 to i32
    %add3A_195 = arith.addi %convert_element_type3A_191, %convert_element_type3A_194 : i32
    %ge3A_196 = arith.constant 21 : i32
    %ge3A_197 = arith.cmpi sge, %add3A, %ge3A_196 : i32
    %convert_element_type3A_198 = arith.extui %ge3A_197 : i1 to i32
    %add3A_199 = arith.addi %add3A_195, %convert_element_type3A_198 : i32
    %eq3A_200 = arith.constant 2 : i32
    %eq3A_201 = arith.cmpi eq, %add3A_199, %eq3A_200 : i32
    %convert_element_type3A_202 = arith.extui %eq3A_201 : i1 to i32
    %cond3A_203 = arith.constant 0 : i32
    %cond3A_204 = arith.cmpi ne, %convert_element_type3A_202, %cond3A_203 : i32
    scf.if %cond3A_204 {
      %get3A_450 = arith.constant 2 : i32
      %get3A_451 = arith.index_cast %get3A_450 : i32 to index
      %get3A_452 = arith.constant 0 : index
      %get3A_453 = tpu.vector_load %arg11[%get3A_451, %get3A_452] {strides = array<i32>} : memref<4x16xf32, #tpu.memory_space<vmem>>, vector<1x16xf32>,
      %get3A_454 = vector.shape_cast %get3A_453 : vector<1x16xf32> to vector<16xf32>
      %gt3A_455 = arith.cmpf ogt, %select_n3A_158, %get3A_454 : vector<16xf32>
      %get3A_456 = arith.constant 2 : i32
      %get3A_457 = arith.index_cast %get3A_456 : i32 to index
      %get3A_458 = arith.constant 0 : index
      %get3A_459 = tpu.vector_load %arg11[%get3A_457, %get3A_458] {strides = array<i32>} : memref<4x16xf32, #tpu.memory_space<vmem>>, vector<1x16xf32>,
      %get3A_460 = vector.shape_cast %get3A_459 : vector<1x16xf32> to vector<16xf32>
      %select_n3A_461 = arith.select %gt3A_455, %select_n3A_158, %get3A_460 : vector<16xi1>, vector<16xf32>
      %swap3A_462 = arith.constant 2 : i32
      %swap3A_463 = arith.index_cast %swap3A_462 : i32 to index
      %swap3A_464 = arith.constant 0 : index
      %swap3A_465 = tpu.vector_load %arg11[%swap3A_463, %swap3A_464] {strides = array<i32>} : memref<4x16xf32, #tpu.memory_space<vmem>>, vector<1x16xf32>,
      %swap3A_466 = vector.shape_cast %swap3A_465 : vector<1x16xf32> to vector<16xf32>
      %swap3A_467 = vector.shape_cast %select_n3A_461 : vector<16xf32> to vector<1x16xf32>
      tpu.vector_store %arg11[%swap3A_463, %swap3A_464], %swap3A_467 {strides = array<i32>} : memref<4x16xf32, #tpu.memory_space<vmem>>, vector<1x16xf32>,
      %get3A_468 = arith.constant 2 : i32
      %get3A_469 = arith.index_cast %get3A_468 : i32 to index
      %get3A_470 = arith.constant 0 : index
      %get3A_471 = tpu.vector_load %arg12[%get3A_469, %get3A_470] {strides = array<i32>} : memref<4x16xi32, #tpu.memory_space<vmem>>, vector<1x16xi32>,
      %get3A_472 = vector.shape_cast %get3A_471 : vector<1x16xi32> to vector<16xi32>
      %select_n3A_473 = arith.select %gt3A_455, %select_n3A_160, %get3A_472 : vector<16xi1>, vector<16xi32>
      %swap3A_474 = arith.constant 2 : i32
      %swap3A_475 = arith.index_cast %swap3A_474 : i32 to index
      %swap3A_476 = arith.constant 0 : index
      %swap3A_477 = tpu.vector_load %arg12[%swap3A_475, %swap3A_476] {strides = array<i32>} : memref<4x16xi32, #tpu.memory_space<vmem>>, vector<1x16xi32>,
      %swap3A_478 = vector.shape_cast %swap3A_477 : vector<1x16xi32> to vector<16xi32>
      %swap3A_479 = vector.shape_cast %select_n3A_473 : vector<16xi32> to vector<1x16xi32>
      tpu.vector_store %arg12[%swap3A_475, %swap3A_476], %swap3A_479 {strides = array<i32>} : memref<4x16xi32, #tpu.memory_space<vmem>>, vector<1x16xi32>,
    } else {
    }
    %ge3A_205 = arith.constant 1 : i32
    %ge3A_206 = arith.cmpi sge, %add3A, %ge3A_205 : i32
    %convert_element_type3A_207 = arith.extui %ge3A_206 : i1 to i32
    %ge3A_208 = arith.constant 5 : i32
    %ge3A_209 = arith.cmpi sge, %add3A, %ge3A_208 : i32
    %convert_element_type3A_210 = arith.extui %ge3A_209 : i1 to i32
    %add3A_211 = arith.addi %convert_element_type3A_207, %convert_element_type3A_210 : i32
    %ge3A_212 = arith.constant 21 : i32
    %ge3A_213 = arith.cmpi sge, %add3A, %ge3A_212 : i32
    %convert_element_type3A_214 = arith.extui %ge3A_213 : i1 to i32
    %add3A_215 = arith.addi %add3A_211, %convert_element_type3A_214 : i32
    %eq3A_216 = arith.constant 3 : i32
    %eq3A_217 = arith.cmpi eq, %add3A_215, %eq3A_216 : i32
    %convert_element_type3A_218 = arith.extui %eq3A_217 : i1 to i32
    %cond3A_219 = arith.constant 0 : i32
    %cond3A_220 = arith.cmpi ne, %convert_element_type3A_218, %cond3A_219 : i32
    scf.if %cond3A_220 {
      %get3A_450 = arith.constant 3 : i32
      %get3A_451 = arith.index_cast %get3A_450 : i32 to index
      %get3A_452 = arith.constant 0 : index
      %get3A_453 = tpu.vector_load %arg11[%get3A_451, %get3A_452] {strides = array<i32>} : memref<4x16xf32, #tpu.memory_space<vmem>>, vector<1x16xf32>,
      %get3A_454 = vector.shape_cast %get3A_453 : vector<1x16xf32> to vector<16xf32>
      %gt3A_455 = arith.cmpf ogt, %select_n3A_158, %get3A_454 : vector<16xf32>
      %get3A_456 = arith.constant 3 : i32
      %get3A_457 = arith.index_cast %get3A_456 : i32 to index
      %get3A_458 = arith.constant 0 : index
      %get3A_459 = tpu.vector_load %arg11[%get3A_457, %get3A_458] {strides = array<i32>} : memref<4x16xf32, #tpu.memory_space<vmem>>, vector<1x16xf32>,
      %get3A_460 = vector.shape_cast %get3A_459 : vector<1x16xf32> to vector<16xf32>
      %select_n3A_461 = arith.select %gt3A_455, %select_n3A_158, %get3A_460 : vector<16xi1>, vector<16xf32>
      %swap3A_462 = arith.constant 3 : i32
      %swap3A_463 = arith.index_cast %swap3A_462 : i32 to index
      %swap3A_464 = arith.constant 0 : index
      %swap3A_465 = tpu.vector_load %arg11[%swap3A_463, %swap3A_464] {strides = array<i32>} : memref<4x16xf32, #tpu.memory_space<vmem>>, vector<1x16xf32>,
      %swap3A_466 = vector.shape_cast %swap3A_465 : vector<1x16xf32> to vector<16xf32>
      %swap3A_467 = vector.shape_cast %select_n3A_461 : vector<16xf32> to vector<1x16xf32>
      tpu.vector_store %arg11[%swap3A_463, %swap3A_464], %swap3A_467 {strides = array<i32>} : memref<4x16xf32, #tpu.memory_space<vmem>>, vector<1x16xf32>,
      %get3A_468 = arith.constant 3 : i32
      %get3A_469 = arith.index_cast %get3A_468 : i32 to index
      %get3A_470 = arith.constant 0 : index
      %get3A_471 = tpu.vector_load %arg12[%get3A_469, %get3A_470] {strides = array<i32>} : memref<4x16xi32, #tpu.memory_space<vmem>>, vector<1x16xi32>,
      %get3A_472 = vector.shape_cast %get3A_471 : vector<1x16xi32> to vector<16xi32>
      %select_n3A_473 = arith.select %gt3A_455, %select_n3A_160, %get3A_472 : vector<16xi1>, vector<16xi32>
      %swap3A_474 = arith.constant 3 : i32
      %swap3A_475 = arith.index_cast %swap3A_474 : i32 to index
      %swap3A_476 = arith.constant 0 : index
      %swap3A_477 = tpu.vector_load %arg12[%swap3A_475, %swap3A_476] {strides = array<i32>} : memref<4x16xi32, #tpu.memory_space<vmem>>, vector<1x16xi32>,
      %swap3A_478 = vector.shape_cast %swap3A_477 : vector<1x16xi32> to vector<16xi32>
      %swap3A_479 = vector.shape_cast %select_n3A_473 : vector<16xi32> to vector<1x16xi32>
      tpu.vector_store %arg12[%swap3A_475, %swap3A_476], %swap3A_479 {strides = array<i32>} : memref<4x16xi32, #tpu.memory_space<vmem>>, vector<1x16xi32>,
    } else {
    }
    %add3A_221 = arith.constant 32 : i32
    %add3A_222 = arith.addi %add3A, %add3A_221 : i32
    %mul3A_223 = arith.constant 65536 : i32
    %mul3A_224 = arith.muli %add3A_222, %mul3A_223 : i32
    %dma_start3A_225 = tpu.memref_slice %arg2[%mul3A_224] : memref<5570560xf32, #tpu.memory_space<hbm>> -> memref<16384xf32, #tpu.memory_space<hbm>>
    %dma_start3A_226 = tpu.memref_slice %arg2[%mul3A_224] : memref<5570560xf32, #tpu.memory_space<hbm>> -> memref<16384xf32, #tpu.memory_space<hbm>>
    tpu.enqueue_dma source(%dma_start3A_226 : memref<16384xf32, #tpu.memory_space<hbm>>) target(%arg5 : memref<16384xf32, #tpu.memory_space<vmem>>) target_semaphore(%arg9 : memref<!tpu.dma_semaphore, #tpu.memory_space<semaphore_mem>>)
    %broadcast_in_dim3A_227 = arith.constant 0xFF800000 : f32
    %broadcast_in_dim3A_228 = vector.broadcast %broadcast_in_dim3A_227 : f32 to vector<16xf32>
    %broadcast_in_dim3A_229 = arith.constant 0 : i32
    %broadcast_in_dim3A_230 = vector.broadcast %broadcast_in_dim3A_229 : i32 to vector<16xi32>
    %add3A_231 = arith.constant 16384 : i32
    %add3A_232 = arith.addi %mul3A_224, %add3A_231 : i32
    %dma_start3A_233 = tpu.memref_slice %arg2[%add3A_232] : memref<5570560xf32, #tpu.memory_space<hbm>> -> memref<16384xf32, #tpu.memory_space<hbm>>
    %dma_start3A_234 = tpu.memref_slice %arg2[%add3A_232] : memref<5570560xf32, #tpu.memory_space<hbm>> -> memref<16384xf32, #tpu.memory_space<hbm>>
    tpu.enqueue_dma source(%dma_start3A_234 : memref<16384xf32, #tpu.memory_space<hbm>>) target(%arg6 : memref<16384xf32, #tpu.memory_space<vmem>>) target_semaphore(%arg10 : memref<!tpu.dma_semaphore, #tpu.memory_space<semaphore_mem>>)
    %dma_wait3A_235 = tpu.memref_slice %arg2[%mul3A_224] : memref<5570560xf32, #tpu.memory_space<hbm>> -> memref<16384xf32, #tpu.memory_space<hbm>>
    %dma_wait3A_236 = tpu.memref_slice %arg2[%mul3A_224] : memref<5570560xf32, #tpu.memory_space<hbm>> -> memref<16384xf32, #tpu.memory_space<hbm>>
    tpu.wait_dma2 semaphore(%arg9 : memref<!tpu.dma_semaphore, #tpu.memory_space<semaphore_mem>>) src(%dma_wait3A_236 : memref<16384xf32, #tpu.memory_space<hbm>>) dst(%arg5 : memref<16384xf32, #tpu.memory_space<vmem>>)
    %broadcast_in_dim3A_237 = arith.constant 0xFF800000 : f32
    %broadcast_in_dim3A_238 = vector.broadcast %broadcast_in_dim3A_237 : f32 to vector<16xf32>
    %scan3A_239 = arith.constant 0 : i32
    %scan3A_240 = arith.constant 128 : i32
    %scan3A_241 = arith.addi %scan3A_239, %scan3A_240 : i32
    %scan3A_242 = arith.constant 1 : i32
    %scan3A_243:4 = scf.for %scan3A_450 = %scan3A_239 to %scan3A_241 step %scan3A_242 iter_args(%scan3A_451 = %broadcast_in_dim3A_238, %scan3A_452 = %broadcast_in_dim3A_238, %scan3A_453 = %broadcast_in_dim3A_238, %scan3A_454 = %broadcast_in_dim3A_238) -> (vector<16xf32>, vector<16xf32>, vector<16xf32>, vector<16xf32>)  : i32 {
      %mul3A_455 = arith.constant 128 : i32
      %mul3A_456 = arith.muli %scan3A_450, %mul3A_455 : i32
      %get3A_457 = arith.index_cast %mul3A_456 : i32 to index
      %get3A_458 = tpu.vector_load %arg5[%get3A_457] {strides = array<i32>} : memref<16384xf32, #tpu.memory_space<vmem>>, vector<16xf32>,
      %get3A_459 = vector.shape_cast %get3A_458 : vector<16xf32> to vector<16xf32>
      %max3A_460 = arith.maximumf %scan3A_451, %get3A_459 : vector<16xf32>
      %add3A_461 = arith.constant 16 : i32
      %add3A_462 = arith.addi %mul3A_456, %add3A_461 : i32
      %get3A_463 = arith.index_cast %add3A_462 : i32 to index
      %get3A_464 = tpu.vector_load %arg5[%get3A_463] {strides = array<i32>} : memref<16384xf32, #tpu.memory_space<vmem>>, vector<16xf32>,
      %get3A_465 = vector.shape_cast %get3A_464 : vector<16xf32> to vector<16xf32>
      %max3A_466 = arith.maximumf %scan3A_452, %get3A_465 : vector<16xf32>
      %add3A_467 = arith.constant 32 : i32
      %add3A_468 = arith.addi %mul3A_456, %add3A_467 : i32
      %get3A_469 = arith.index_cast %add3A_468 : i32 to index
      %get3A_470 = tpu.vector_load %arg5[%get3A_469] {strides = array<i32>} : memref<16384xf32, #tpu.memory_space<vmem>>, vector<16xf32>,
      %get3A_471 = vector.shape_cast %get3A_470 : vector<16xf32> to vector<16xf32>
      %max3A_472 = arith.maximumf %scan3A_453, %get3A_471 : vector<16xf32>
      %add3A_473 = arith.constant 48 : i32
      %add3A_474 = arith.addi %mul3A_456, %add3A_473 : i32
      %get3A_475 = arith.index_cast %add3A_474 : i32 to index
      %get3A_476 = tpu.vector_load %arg5[%get3A_475] {strides = array<i32>} : memref<16384xf32, #tpu.memory_space<vmem>>, vector<16xf32>,
      %get3A_477 = vector.shape_cast %get3A_476 : vector<16xf32> to vector<16xf32>
      %max3A_478 = arith.maximumf %scan3A_454, %get3A_477 : vector<16xf32>
      %add3A_479 = arith.constant 64 : i32
      %add3A_480 = arith.addi %mul3A_456, %add3A_479 : i32
      %get3A_481 = arith.index_cast %add3A_480 : i32 to index
      %get3A_482 = tpu.vector_load %arg5[%get3A_481] {strides = array<i32>} : memref<16384xf32, #tpu.memory_space<vmem>>, vector<16xf32>,
      %get3A_483 = vector.shape_cast %get3A_482 : vector<16xf32> to vector<16xf32>
      %max3A_484 = arith.maximumf %max3A_460, %get3A_483 : vector<16xf32>
      %add3A_485 = arith.constant 80 : i32
      %add3A_486 = arith.addi %mul3A_456, %add3A_485 : i32
      %get3A_487 = arith.index_cast %add3A_486 : i32 to index
      %get3A_488 = tpu.vector_load %arg5[%get3A_487] {strides = array<i32>} : memref<16384xf32, #tpu.memory_space<vmem>>, vector<16xf32>,
      %get3A_489 = vector.shape_cast %get3A_488 : vector<16xf32> to vector<16xf32>
      %max3A_490 = arith.maximumf %max3A_466, %get3A_489 : vector<16xf32>
      %add3A_491 = arith.constant 96 : i32
      %add3A_492 = arith.addi %mul3A_456, %add3A_491 : i32
      %get3A_493 = arith.index_cast %add3A_492 : i32 to index
      %get3A_494 = tpu.vector_load %arg5[%get3A_493] {strides = array<i32>} : memref<16384xf32, #tpu.memory_space<vmem>>, vector<16xf32>,
      %get3A_495 = vector.shape_cast %get3A_494 : vector<16xf32> to vector<16xf32>
      %max3A_496 = arith.maximumf %max3A_472, %get3A_495 : vector<16xf32>
      %add3A_497 = arith.constant 112 : i32
      %add3A_498 = arith.addi %mul3A_456, %add3A_497 : i32
      %get3A_499 = arith.index_cast %add3A_498 : i32 to index
      %get3A_500 = tpu.vector_load %arg5[%get3A_499] {strides = array<i32>} : memref<16384xf32, #tpu.memory_space<vmem>>, vector<16xf32>,
      %get3A_501 = vector.shape_cast %get3A_500 : vector<16xf32> to vector<16xf32>
      %max3A_502 = arith.maximumf %max3A_478, %get3A_501 : vector<16xf32>
      scf.yield %max3A_484, %max3A_490, %max3A_496, %max3A_502 : vector<16xf32>, vector<16xf32>, vector<16xf32>, vector<16xf32>
    }
    %scan3A_244 = arith.constant 128 : i32
    %max3A_245 = arith.maximumf %scan3A_243#0, %scan3A_243#1 : vector<16xf32>
    %max3A_246 = arith.maximumf %scan3A_243#2, %scan3A_243#3 : vector<16xf32>
    %max3A_247 = arith.maximumf %max3A_245, %max3A_246 : vector<16xf32>
    %mul3A_248 = arith.constant 4 : i32
    %mul3A_249 = arith.muli %add3A_222, %mul3A_248 : i32
    %add3A_250 = arith.constant 0 : i32
    %add3A_251 = arith.addi %mul3A_249, %add3A_250 : i32
    %gt3A_252 = arith.cmpf ogt, %max3A_247, %broadcast_in_dim3A_228 : vector<16xf32>
    %select_n3A_253 = arith.select %gt3A_252, %max3A_247, %broadcast_in_dim3A_228 : vector<16xi1>, vector<16xf32>
    %broadcast_in_dim3A_254 = vector.broadcast %add3A_251 : i32 to vector<16xi32>
    %select_n3A_255 = arith.select %gt3A_252, %broadcast_in_dim3A_254, %broadcast_in_dim3A_230 : vector<16xi1>, vector<16xi32>
    %add3A_256 = arith.constant 32768 : i32
    %add3A_257 = arith.addi %mul3A_224, %add3A_256 : i32
    %dma_start3A_258 = tpu.memref_slice %arg2[%add3A_257] : memref<5570560xf32, #tpu.memory_space<hbm>> -> memref<16384xf32, #tpu.memory_space<hbm>>
    %dma_start3A_259 = tpu.memref_slice %arg2[%add3A_257] : memref<5570560xf32, #tpu.memory_space<hbm>> -> memref<16384xf32, #tpu.memory_space<hbm>>
    tpu.enqueue_dma source(%dma_start3A_259 : memref<16384xf32, #tpu.memory_space<hbm>>) target(%arg5 : memref<16384xf32, #tpu.memory_space<vmem>>) target_semaphore(%arg9 : memref<!tpu.dma_semaphore, #tpu.memory_space<semaphore_mem>>)
    %dma_wait3A_260 = tpu.memref_slice %arg2[%add3A_232] : memref<5570560xf32, #tpu.memory_space<hbm>> -> memref<16384xf32, #tpu.memory_space<hbm>>
    %dma_wait3A_261 = tpu.memref_slice %arg2[%add3A_232] : memref<5570560xf32, #tpu.memory_space<hbm>> -> memref<16384xf32, #tpu.memory_space<hbm>>
    tpu.wait_dma2 semaphore(%arg10 : memref<!tpu.dma_semaphore, #tpu.memory_space<semaphore_mem>>) src(%dma_wait3A_261 : memref<16384xf32, #tpu.memory_space<hbm>>) dst(%arg6 : memref<16384xf32, #tpu.memory_space<vmem>>)
    %broadcast_in_dim3A_262 = arith.constant 0xFF800000 : f32
    %broadcast_in_dim3A_263 = vector.broadcast %broadcast_in_dim3A_262 : f32 to vector<16xf32>
    %scan3A_264 = arith.constant 0 : i32
    %scan3A_265 = arith.constant 128 : i32
    %scan3A_266 = arith.addi %scan3A_264, %scan3A_265 : i32
    %scan3A_267 = arith.constant 1 : i32
    %scan3A_268:4 = scf.for %scan3A_450 = %scan3A_264 to %scan3A_266 step %scan3A_267 iter_args(%scan3A_451 = %broadcast_in_dim3A_263, %scan3A_452 = %broadcast_in_dim3A_263, %scan3A_453 = %broadcast_in_dim3A_263, %scan3A_454 = %broadcast_in_dim3A_263) -> (vector<16xf32>, vector<16xf32>, vector<16xf32>, vector<16xf32>)  : i32 {
      %mul3A_455 = arith.constant 128 : i32
      %mul3A_456 = arith.muli %scan3A_450, %mul3A_455 : i32
      %get3A_457 = arith.index_cast %mul3A_456 : i32 to index
      %get3A_458 = tpu.vector_load %arg6[%get3A_457] {strides = array<i32>} : memref<16384xf32, #tpu.memory_space<vmem>>, vector<16xf32>,
      %get3A_459 = vector.shape_cast %get3A_458 : vector<16xf32> to vector<16xf32>
      %max3A_460 = arith.maximumf %scan3A_451, %get3A_459 : vector<16xf32>
      %add3A_461 = arith.constant 16 : i32
      %add3A_462 = arith.addi %mul3A_456, %add3A_461 : i32
      %get3A_463 = arith.index_cast %add3A_462 : i32 to index
      %get3A_464 = tpu.vector_load %arg6[%get3A_463] {strides = array<i32>} : memref<16384xf32, #tpu.memory_space<vmem>>, vector<16xf32>,
      %get3A_465 = vector.shape_cast %get3A_464 : vector<16xf32> to vector<16xf32>
      %max3A_466 = arith.maximumf %scan3A_452, %get3A_465 : vector<16xf32>
      %add3A_467 = arith.constant 32 : i32
      %add3A_468 = arith.addi %mul3A_456, %add3A_467 : i32
      %get3A_469 = arith.index_cast %add3A_468 : i32 to index
      %get3A_470 = tpu.vector_load %arg6[%get3A_469] {strides = array<i32>} : memref<16384xf32, #tpu.memory_space<vmem>>, vector<16xf32>,
      %get3A_471 = vector.shape_cast %get3A_470 : vector<16xf32> to vector<16xf32>
      %max3A_472 = arith.maximumf %scan3A_453, %get3A_471 : vector<16xf32>
      %add3A_473 = arith.constant 48 : i32
      %add3A_474 = arith.addi %mul3A_456, %add3A_473 : i32
      %get3A_475 = arith.index_cast %add3A_474 : i32 to index
      %get3A_476 = tpu.vector_load %arg6[%get3A_475] {strides = array<i32>} : memref<16384xf32, #tpu.memory_space<vmem>>, vector<16xf32>,
      %get3A_477 = vector.shape_cast %get3A_476 : vector<16xf32> to vector<16xf32>
      %max3A_478 = arith.maximumf %scan3A_454, %get3A_477 : vector<16xf32>
      %add3A_479 = arith.constant 64 : i32
      %add3A_480 = arith.addi %mul3A_456, %add3A_479 : i32
      %get3A_481 = arith.index_cast %add3A_480 : i32 to index
      %get3A_482 = tpu.vector_load %arg6[%get3A_481] {strides = array<i32>} : memref<16384xf32, #tpu.memory_space<vmem>>, vector<16xf32>,
      %get3A_483 = vector.shape_cast %get3A_482 : vector<16xf32> to vector<16xf32>
      %max3A_484 = arith.maximumf %max3A_460, %get3A_483 : vector<16xf32>
      %add3A_485 = arith.constant 80 : i32
      %add3A_486 = arith.addi %mul3A_456, %add3A_485 : i32
      %get3A_487 = arith.index_cast %add3A_486 : i32 to index
      %get3A_488 = tpu.vector_load %arg6[%get3A_487] {strides = array<i32>} : memref<16384xf32, #tpu.memory_space<vmem>>, vector<16xf32>,
      %get3A_489 = vector.shape_cast %get3A_488 : vector<16xf32> to vector<16xf32>
      %max3A_490 = arith.maximumf %max3A_466, %get3A_489 : vector<16xf32>
      %add3A_491 = arith.constant 96 : i32
      %add3A_492 = arith.addi %mul3A_456, %add3A_491 : i32
      %get3A_493 = arith.index_cast %add3A_492 : i32 to index
      %get3A_494 = tpu.vector_load %arg6[%get3A_493] {strides = array<i32>} : memref<16384xf32, #tpu.memory_space<vmem>>, vector<16xf32>,
      %get3A_495 = vector.shape_cast %get3A_494 : vector<16xf32> to vector<16xf32>
      %max3A_496 = arith.maximumf %max3A_472, %get3A_495 : vector<16xf32>
      %add3A_497 = arith.constant 112 : i32
      %add3A_498 = arith.addi %mul3A_456, %add3A_497 : i32
      %get3A_499 = arith.index_cast %add3A_498 : i32 to index
      %get3A_500 = tpu.vector_load %arg6[%get3A_499] {strides = array<i32>} : memref<16384xf32, #tpu.memory_space<vmem>>, vector<16xf32>,
      %get3A_501 = vector.shape_cast %get3A_500 : vector<16xf32> to vector<16xf32>
      %max3A_502 = arith.maximumf %max3A_478, %get3A_501 : vector<16xf32>
      scf.yield %max3A_484, %max3A_490, %max3A_496, %max3A_502 : vector<16xf32>, vector<16xf32>, vector<16xf32>, vector<16xf32>
    }
    %scan3A_269 = arith.constant 128 : i32
    %max3A_270 = arith.maximumf %scan3A_268#0, %scan3A_268#1 : vector<16xf32>
    %max3A_271 = arith.maximumf %scan3A_268#2, %scan3A_268#3 : vector<16xf32>
    %max3A_272 = arith.maximumf %max3A_270, %max3A_271 : vector<16xf32>
    %mul3A_273 = arith.constant 4 : i32
    %mul3A_274 = arith.muli %add3A_222, %mul3A_273 : i32
    %add3A_275 = arith.constant 1 : i32
    %add3A_276 = arith.addi %mul3A_274, %add3A_275 : i32
    %gt3A_277 = arith.cmpf ogt, %max3A_272, %select_n3A_253 : vector<16xf32>
    %select_n3A_278 = arith.select %gt3A_277, %max3A_272, %select_n3A_253 : vector<16xi1>, vector<16xf32>
    %broadcast_in_dim3A_279 = vector.broadcast %add3A_276 : i32 to vector<16xi32>
    %select_n3A_280 = arith.select %gt3A_277, %broadcast_in_dim3A_279, %select_n3A_255 : vector<16xi1>, vector<16xi32>
    %add3A_281 = arith.constant 49152 : i32
    %add3A_282 = arith.addi %mul3A_224, %add3A_281 : i32
    %dma_start3A_283 = tpu.memref_slice %arg2[%add3A_282] : memref<5570560xf32, #tpu.memory_space<hbm>> -> memref<16384xf32, #tpu.memory_space<hbm>>
    %dma_start3A_284 = tpu.memref_slice %arg2[%add3A_282] : memref<5570560xf32, #tpu.memory_space<hbm>> -> memref<16384xf32, #tpu.memory_space<hbm>>
    tpu.enqueue_dma source(%dma_start3A_284 : memref<16384xf32, #tpu.memory_space<hbm>>) target(%arg6 : memref<16384xf32, #tpu.memory_space<vmem>>) target_semaphore(%arg10 : memref<!tpu.dma_semaphore, #tpu.memory_space<semaphore_mem>>)
    %dma_wait3A_285 = tpu.memref_slice %arg2[%add3A_257] : memref<5570560xf32, #tpu.memory_space<hbm>> -> memref<16384xf32, #tpu.memory_space<hbm>>
    %dma_wait3A_286 = tpu.memref_slice %arg2[%add3A_257] : memref<5570560xf32, #tpu.memory_space<hbm>> -> memref<16384xf32, #tpu.memory_space<hbm>>
    tpu.wait_dma2 semaphore(%arg9 : memref<!tpu.dma_semaphore, #tpu.memory_space<semaphore_mem>>) src(%dma_wait3A_286 : memref<16384xf32, #tpu.memory_space<hbm>>) dst(%arg5 : memref<16384xf32, #tpu.memory_space<vmem>>)
    %broadcast_in_dim3A_287 = arith.constant 0xFF800000 : f32
    %broadcast_in_dim3A_288 = vector.broadcast %broadcast_in_dim3A_287 : f32 to vector<16xf32>
    %scan3A_289 = arith.constant 0 : i32
    %scan3A_290 = arith.constant 128 : i32
    %scan3A_291 = arith.addi %scan3A_289, %scan3A_290 : i32
    %scan3A_292 = arith.constant 1 : i32
    %scan3A_293:4 = scf.for %scan3A_450 = %scan3A_289 to %scan3A_291 step %scan3A_292 iter_args(%scan3A_451 = %broadcast_in_dim3A_288, %scan3A_452 = %broadcast_in_dim3A_288, %scan3A_453 = %broadcast_in_dim3A_288, %scan3A_454 = %broadcast_in_dim3A_288) -> (vector<16xf32>, vector<16xf32>, vector<16xf32>, vector<16xf32>)  : i32 {
      %mul3A_455 = arith.constant 128 : i32
      %mul3A_456 = arith.muli %scan3A_450, %mul3A_455 : i32
      %get3A_457 = arith.index_cast %mul3A_456 : i32 to index
      %get3A_458 = tpu.vector_load %arg5[%get3A_457] {strides = array<i32>} : memref<16384xf32, #tpu.memory_space<vmem>>, vector<16xf32>,
      %get3A_459 = vector.shape_cast %get3A_458 : vector<16xf32> to vector<16xf32>
      %max3A_460 = arith.maximumf %scan3A_451, %get3A_459 : vector<16xf32>
      %add3A_461 = arith.constant 16 : i32
      %add3A_462 = arith.addi %mul3A_456, %add3A_461 : i32
      %get3A_463 = arith.index_cast %add3A_462 : i32 to index
      %get3A_464 = tpu.vector_load %arg5[%get3A_463] {strides = array<i32>} : memref<16384xf32, #tpu.memory_space<vmem>>, vector<16xf32>,
      %get3A_465 = vector.shape_cast %get3A_464 : vector<16xf32> to vector<16xf32>
      %max3A_466 = arith.maximumf %scan3A_452, %get3A_465 : vector<16xf32>
      %add3A_467 = arith.constant 32 : i32
      %add3A_468 = arith.addi %mul3A_456, %add3A_467 : i32
      %get3A_469 = arith.index_cast %add3A_468 : i32 to index
      %get3A_470 = tpu.vector_load %arg5[%get3A_469] {strides = array<i32>} : memref<16384xf32, #tpu.memory_space<vmem>>, vector<16xf32>,
      %get3A_471 = vector.shape_cast %get3A_470 : vector<16xf32> to vector<16xf32>
      %max3A_472 = arith.maximumf %scan3A_453, %get3A_471 : vector<16xf32>
      %add3A_473 = arith.constant 48 : i32
      %add3A_474 = arith.addi %mul3A_456, %add3A_473 : i32
      %get3A_475 = arith.index_cast %add3A_474 : i32 to index
      %get3A_476 = tpu.vector_load %arg5[%get3A_475] {strides = array<i32>} : memref<16384xf32, #tpu.memory_space<vmem>>, vector<16xf32>,
      %get3A_477 = vector.shape_cast %get3A_476 : vector<16xf32> to vector<16xf32>
      %max3A_478 = arith.maximumf %scan3A_454, %get3A_477 : vector<16xf32>
      %add3A_479 = arith.constant 64 : i32
      %add3A_480 = arith.addi %mul3A_456, %add3A_479 : i32
      %get3A_481 = arith.index_cast %add3A_480 : i32 to index
      %get3A_482 = tpu.vector_load %arg5[%get3A_481] {strides = array<i32>} : memref<16384xf32, #tpu.memory_space<vmem>>, vector<16xf32>,
      %get3A_483 = vector.shape_cast %get3A_482 : vector<16xf32> to vector<16xf32>
      %max3A_484 = arith.maximumf %max3A_460, %get3A_483 : vector<16xf32>
      %add3A_485 = arith.constant 80 : i32
      %add3A_486 = arith.addi %mul3A_456, %add3A_485 : i32
      %get3A_487 = arith.index_cast %add3A_486 : i32 to index
      %get3A_488 = tpu.vector_load %arg5[%get3A_487] {strides = array<i32>} : memref<16384xf32, #tpu.memory_space<vmem>>, vector<16xf32>,
      %get3A_489 = vector.shape_cast %get3A_488 : vector<16xf32> to vector<16xf32>
      %max3A_490 = arith.maximumf %max3A_466, %get3A_489 : vector<16xf32>
      %add3A_491 = arith.constant 96 : i32
      %add3A_492 = arith.addi %mul3A_456, %add3A_491 : i32
      %get3A_493 = arith.index_cast %add3A_492 : i32 to index
      %get3A_494 = tpu.vector_load %arg5[%get3A_493] {strides = array<i32>} : memref<16384xf32, #tpu.memory_space<vmem>>, vector<16xf32>,
      %get3A_495 = vector.shape_cast %get3A_494 : vector<16xf32> to vector<16xf32>
      %max3A_496 = arith.maximumf %max3A_472, %get3A_495 : vector<16xf32>
      %add3A_497 = arith.constant 112 : i32
      %add3A_498 = arith.addi %mul3A_456, %add3A_497 : i32
      %get3A_499 = arith.index_cast %add3A_498 : i32 to index
      %get3A_500 = tpu.vector_load %arg5[%get3A_499] {strides = array<i32>} : memref<16384xf32, #tpu.memory_space<vmem>>, vector<16xf32>,
      %get3A_501 = vector.shape_cast %get3A_500 : vector<16xf32> to vector<16xf32>
      %max3A_502 = arith.maximumf %max3A_478, %get3A_501 : vector<16xf32>
      scf.yield %max3A_484, %max3A_490, %max3A_496, %max3A_502 : vector<16xf32>, vector<16xf32>, vector<16xf32>, vector<16xf32>
    }
    %scan3A_294 = arith.constant 128 : i32
    %max3A_295 = arith.maximumf %scan3A_293#0, %scan3A_293#1 : vector<16xf32>
    %max3A_296 = arith.maximumf %scan3A_293#2, %scan3A_293#3 : vector<16xf32>
    %max3A_297 = arith.maximumf %max3A_295, %max3A_296 : vector<16xf32>
    %mul3A_298 = arith.constant 4 : i32
    %mul3A_299 = arith.muli %add3A_222, %mul3A_298 : i32
    %add3A_300 = arith.constant 2 : i32
    %add3A_301 = arith.addi %mul3A_299, %add3A_300 : i32
    %gt3A_302 = arith.cmpf ogt, %max3A_297, %select_n3A_278 : vector<16xf32>
    %select_n3A_303 = arith.select %gt3A_302, %max3A_297, %select_n3A_278 : vector<16xi1>, vector<16xf32>
    %broadcast_in_dim3A_304 = vector.broadcast %add3A_301 : i32 to vector<16xi32>
    %select_n3A_305 = arith.select %gt3A_302, %broadcast_in_dim3A_304, %select_n3A_280 : vector<16xi1>, vector<16xi32>
    %dma_wait3A_306 = tpu.memref_slice %arg2[%add3A_282] : memref<5570560xf32, #tpu.memory_space<hbm>> -> memref<16384xf32, #tpu.memory_space<hbm>>
    %dma_wait3A_307 = tpu.memref_slice %arg2[%add3A_282] : memref<5570560xf32, #tpu.memory_space<hbm>> -> memref<16384xf32, #tpu.memory_space<hbm>>
    tpu.wait_dma2 semaphore(%arg10 : memref<!tpu.dma_semaphore, #tpu.memory_space<semaphore_mem>>) src(%dma_wait3A_307 : memref<16384xf32, #tpu.memory_space<hbm>>) dst(%arg6 : memref<16384xf32, #tpu.memory_space<vmem>>)
    %broadcast_in_dim3A_308 = arith.constant 0xFF800000 : f32
    %broadcast_in_dim3A_309 = vector.broadcast %broadcast_in_dim3A_308 : f32 to vector<16xf32>
    %scan3A_310 = arith.constant 0 : i32
    %scan3A_311 = arith.constant 128 : i32
    %scan3A_312 = arith.addi %scan3A_310, %scan3A_311 : i32
    %scan3A_313 = arith.constant 1 : i32
    %scan3A_314:4 = scf.for %scan3A_450 = %scan3A_310 to %scan3A_312 step %scan3A_313 iter_args(%scan3A_451 = %broadcast_in_dim3A_309, %scan3A_452 = %broadcast_in_dim3A_309, %scan3A_453 = %broadcast_in_dim3A_309, %scan3A_454 = %broadcast_in_dim3A_309) -> (vector<16xf32>, vector<16xf32>, vector<16xf32>, vector<16xf32>)  : i32 {
      %mul3A_455 = arith.constant 128 : i32
      %mul3A_456 = arith.muli %scan3A_450, %mul3A_455 : i32
      %get3A_457 = arith.index_cast %mul3A_456 : i32 to index
      %get3A_458 = tpu.vector_load %arg6[%get3A_457] {strides = array<i32>} : memref<16384xf32, #tpu.memory_space<vmem>>, vector<16xf32>,
      %get3A_459 = vector.shape_cast %get3A_458 : vector<16xf32> to vector<16xf32>
      %max3A_460 = arith.maximumf %scan3A_451, %get3A_459 : vector<16xf32>
      %add3A_461 = arith.constant 16 : i32
      %add3A_462 = arith.addi %mul3A_456, %add3A_461 : i32
      %get3A_463 = arith.index_cast %add3A_462 : i32 to index
      %get3A_464 = tpu.vector_load %arg6[%get3A_463] {strides = array<i32>} : memref<16384xf32, #tpu.memory_space<vmem>>, vector<16xf32>,
      %get3A_465 = vector.shape_cast %get3A_464 : vector<16xf32> to vector<16xf32>
      %max3A_466 = arith.maximumf %scan3A_452, %get3A_465 : vector<16xf32>
      %add3A_467 = arith.constant 32 : i32
      %add3A_468 = arith.addi %mul3A_456, %add3A_467 : i32
      %get3A_469 = arith.index_cast %add3A_468 : i32 to index
      %get3A_470 = tpu.vector_load %arg6[%get3A_469] {strides = array<i32>} : memref<16384xf32, #tpu.memory_space<vmem>>, vector<16xf32>,
      %get3A_471 = vector.shape_cast %get3A_470 : vector<16xf32> to vector<16xf32>
      %max3A_472 = arith.maximumf %scan3A_453, %get3A_471 : vector<16xf32>
      %add3A_473 = arith.constant 48 : i32
      %add3A_474 = arith.addi %mul3A_456, %add3A_473 : i32
      %get3A_475 = arith.index_cast %add3A_474 : i32 to index
      %get3A_476 = tpu.vector_load %arg6[%get3A_475] {strides = array<i32>} : memref<16384xf32, #tpu.memory_space<vmem>>, vector<16xf32>,
      %get3A_477 = vector.shape_cast %get3A_476 : vector<16xf32> to vector<16xf32>
      %max3A_478 = arith.maximumf %scan3A_454, %get3A_477 : vector<16xf32>
      %add3A_479 = arith.constant 64 : i32
      %add3A_480 = arith.addi %mul3A_456, %add3A_479 : i32
      %get3A_481 = arith.index_cast %add3A_480 : i32 to index
      %get3A_482 = tpu.vector_load %arg6[%get3A_481] {strides = array<i32>} : memref<16384xf32, #tpu.memory_space<vmem>>, vector<16xf32>,
      %get3A_483 = vector.shape_cast %get3A_482 : vector<16xf32> to vector<16xf32>
      %max3A_484 = arith.maximumf %max3A_460, %get3A_483 : vector<16xf32>
      %add3A_485 = arith.constant 80 : i32
      %add3A_486 = arith.addi %mul3A_456, %add3A_485 : i32
      %get3A_487 = arith.index_cast %add3A_486 : i32 to index
      %get3A_488 = tpu.vector_load %arg6[%get3A_487] {strides = array<i32>} : memref<16384xf32, #tpu.memory_space<vmem>>, vector<16xf32>,
      %get3A_489 = vector.shape_cast %get3A_488 : vector<16xf32> to vector<16xf32>
      %max3A_490 = arith.maximumf %max3A_466, %get3A_489 : vector<16xf32>
      %add3A_491 = arith.constant 96 : i32
      %add3A_492 = arith.addi %mul3A_456, %add3A_491 : i32
      %get3A_493 = arith.index_cast %add3A_492 : i32 to index
      %get3A_494 = tpu.vector_load %arg6[%get3A_493] {strides = array<i32>} : memref<16384xf32, #tpu.memory_space<vmem>>, vector<16xf32>,
      %get3A_495 = vector.shape_cast %get3A_494 : vector<16xf32> to vector<16xf32>
      %max3A_496 = arith.maximumf %max3A_472, %get3A_495 : vector<16xf32>
      %add3A_497 = arith.constant 112 : i32
      %add3A_498 = arith.addi %mul3A_456, %add3A_497 : i32
      %get3A_499 = arith.index_cast %add3A_498 : i32 to index
      %get3A_500 = tpu.vector_load %arg6[%get3A_499] {strides = array<i32>} : memref<16384xf32, #tpu.memory_space<vmem>>, vector<16xf32>,
      %get3A_501 = vector.shape_cast %get3A_500 : vector<16xf32> to vector<16xf32>
      %max3A_502 = arith.maximumf %max3A_478, %get3A_501 : vector<16xf32>
      scf.yield %max3A_484, %max3A_490, %max3A_496, %max3A_502 : vector<16xf32>, vector<16xf32>, vector<16xf32>, vector<16xf32>
    }
    %scan3A_315 = arith.constant 128 : i32
    %max3A_316 = arith.maximumf %scan3A_314#0, %scan3A_314#1 : vector<16xf32>
    %max3A_317 = arith.maximumf %scan3A_314#2, %scan3A_314#3 : vector<16xf32>
    %max3A_318 = arith.maximumf %max3A_316, %max3A_317 : vector<16xf32>
    %mul3A_319 = arith.constant 4 : i32
    %mul3A_320 = arith.muli %add3A_222, %mul3A_319 : i32
    %add3A_321 = arith.constant 3 : i32
    %add3A_322 = arith.addi %mul3A_320, %add3A_321 : i32
    %gt3A_323 = arith.cmpf ogt, %max3A_318, %select_n3A_303 : vector<16xf32>
    %select_n3A_324 = arith.select %gt3A_323, %max3A_318, %select_n3A_303 : vector<16xi1>, vector<16xf32>
    %broadcast_in_dim3A_325 = vector.broadcast %add3A_322 : i32 to vector<16xi32>
    %select_n3A_326 = arith.select %gt3A_323, %broadcast_in_dim3A_325, %select_n3A_305 : vector<16xi1>, vector<16xi32>
    %get3A = arith.constant 3 : i32
    %get3A_327 = arith.index_cast %get3A : i32 to index
    %get3A_328 = arith.constant 0 : index
    %get3A_329 = tpu.vector_load %arg11[%get3A_327, %get3A_328] {strides = array<i32>} : memref<4x16xf32, #tpu.memory_space<vmem>>, vector<1x16xf32>,
    %get3A_330 = vector.shape_cast %get3A_329 : vector<1x16xf32> to vector<16xf32>
    %gt3A_331 = arith.cmpf ogt, %select_n3A_324, %get3A_330 : vector<16xf32>
    %get3A_332 = arith.constant 3 : i32
    %get3A_333 = arith.index_cast %get3A_332 : i32 to index
    %get3A_334 = arith.constant 0 : index
    %get3A_335 = tpu.vector_load %arg11[%get3A_333, %get3A_334] {strides = array<i32>} : memref<4x16xf32, #tpu.memory_space<vmem>>, vector<1x16xf32>,
    %get3A_336 = vector.shape_cast %get3A_335 : vector<1x16xf32> to vector<16xf32>
    %select_n3A_337 = arith.select %gt3A_331, %select_n3A_324, %get3A_336 : vector<16xi1>, vector<16xf32>
    %swap3A_338 = arith.constant 3 : i32
    %swap3A_339 = arith.index_cast %swap3A_338 : i32 to index
    %swap3A_340 = arith.constant 0 : index
    %swap3A_341 = tpu.vector_load %arg11[%swap3A_339, %swap3A_340] {strides = array<i32>} : memref<4x16xf32, #tpu.memory_space<vmem>>, vector<1x16xf32>,
    %swap3A_342 = vector.shape_cast %swap3A_341 : vector<1x16xf32> to vector<16xf32>
    %swap3A_343 = vector.shape_cast %select_n3A_337 : vector<16xf32> to vector<1x16xf32>
    tpu.vector_store %arg11[%swap3A_339, %swap3A_340], %swap3A_343 {strides = array<i32>} : memref<4x16xf32, #tpu.memory_space<vmem>>, vector<1x16xf32>,
    %get3A_344 = arith.constant 3 : i32
    %get3A_345 = arith.index_cast %get3A_344 : i32 to index
    %get3A_346 = arith.constant 0 : index
    %get3A_347 = tpu.vector_load %arg12[%get3A_345, %get3A_346] {strides = array<i32>} : memref<4x16xi32, #tpu.memory_space<vmem>>, vector<1x16xi32>,
    %get3A_348 = vector.shape_cast %get3A_347 : vector<1x16xi32> to vector<16xi32>
    %select_n3A_349 = arith.select %gt3A_331, %select_n3A_326, %get3A_348 : vector<16xi1>, vector<16xi32>
    %swap3A_350 = arith.constant 3 : i32
    %swap3A_351 = arith.index_cast %swap3A_350 : i32 to index
    %swap3A_352 = arith.constant 0 : index
    %swap3A_353 = tpu.vector_load %arg12[%swap3A_351, %swap3A_352] {strides = array<i32>} : memref<4x16xi32, #tpu.memory_space<vmem>>, vector<1x16xi32>,
    %swap3A_354 = vector.shape_cast %swap3A_353 : vector<1x16xi32> to vector<16xi32>
    %swap3A_355 = vector.shape_cast %select_n3A_349 : vector<16xi32> to vector<1x16xi32>
    tpu.vector_store %arg12[%swap3A_351, %swap3A_352], %swap3A_355 {strides = array<i32>} : memref<4x16xi32, #tpu.memory_space<vmem>>, vector<1x16xi32>,
    %add3A_356 = arith.constant 64 : i32
    %add3A_357 = arith.addi %add3A, %add3A_356 : i32
    %lt3A = arith.constant 85 : i32
    %lt3A_358 = arith.cmpi slt, %add3A_357, %lt3A : i32
    %convert_element_type3A_359 = arith.extui %lt3A_358 : i1 to i32
    %cond3A_360 = arith.constant 0 : i32
    %cond3A_361 = arith.cmpi ne, %convert_element_type3A_359, %cond3A_360 : i32
    scf.if %cond3A_361 {
      %add3A_450 = arith.constant 64 : i32
      %add3A_451 = arith.addi %add3A, %add3A_450 : i32
      %mul3A_452 = arith.constant 65536 : i32
      %mul3A_453 = arith.muli %add3A_451, %mul3A_452 : i32
      %dma_start3A_454 = tpu.memref_slice %arg2[%mul3A_453] : memref<5570560xf32, #tpu.memory_space<hbm>> -> memref<16384xf32, #tpu.memory_space<hbm>>
      %dma_start3A_455 = tpu.memref_slice %arg2[%mul3A_453] : memref<5570560xf32, #tpu.memory_space<hbm>> -> memref<16384xf32, #tpu.memory_space<hbm>>
      tpu.enqueue_dma source(%dma_start3A_455 : memref<16384xf32, #tpu.memory_space<hbm>>) target(%arg5 : memref<16384xf32, #tpu.memory_space<vmem>>) target_semaphore(%arg9 : memref<!tpu.dma_semaphore, #tpu.memory_space<semaphore_mem>>)
      %broadcast_in_dim3A_456 = arith.constant 0xFF800000 : f32
      %broadcast_in_dim3A_457 = vector.broadcast %broadcast_in_dim3A_456 : f32 to vector<16xf32>
      %broadcast_in_dim3A_458 = arith.constant 0 : i32
      %broadcast_in_dim3A_459 = vector.broadcast %broadcast_in_dim3A_458 : i32 to vector<16xi32>
      %add3A_460 = arith.constant 16384 : i32
      %add3A_461 = arith.addi %mul3A_453, %add3A_460 : i32
      %dma_start3A_462 = tpu.memref_slice %arg2[%add3A_461] : memref<5570560xf32, #tpu.memory_space<hbm>> -> memref<16384xf32, #tpu.memory_space<hbm>>
      %dma_start3A_463 = tpu.memref_slice %arg2[%add3A_461] : memref<5570560xf32, #tpu.memory_space<hbm>> -> memref<16384xf32, #tpu.memory_space<hbm>>
      tpu.enqueue_dma source(%dma_start3A_463 : memref<16384xf32, #tpu.memory_space<hbm>>) target(%arg6 : memref<16384xf32, #tpu.memory_space<vmem>>) target_semaphore(%arg10 : memref<!tpu.dma_semaphore, #tpu.memory_space<semaphore_mem>>)
      %dma_wait3A_464 = tpu.memref_slice %arg2[%mul3A_453] : memref<5570560xf32, #tpu.memory_space<hbm>> -> memref<16384xf32, #tpu.memory_space<hbm>>
      %dma_wait3A_465 = tpu.memref_slice %arg2[%mul3A_453] : memref<5570560xf32, #tpu.memory_space<hbm>> -> memref<16384xf32, #tpu.memory_space<hbm>>
      tpu.wait_dma2 semaphore(%arg9 : memref<!tpu.dma_semaphore, #tpu.memory_space<semaphore_mem>>) src(%dma_wait3A_465 : memref<16384xf32, #tpu.memory_space<hbm>>) dst(%arg5 : memref<16384xf32, #tpu.memory_space<vmem>>)
      %broadcast_in_dim3A_466 = arith.constant 0xFF800000 : f32
      %broadcast_in_dim3A_467 = vector.broadcast %broadcast_in_dim3A_466 : f32 to vector<16xf32>
      %scan3A_468 = arith.constant 0 : i32
      %scan3A_469 = arith.constant 128 : i32
      %scan3A_470 = arith.addi %scan3A_468, %scan3A_469 : i32
      %scan3A_471 = arith.constant 1 : i32
      %scan3A_472:4 = scf.for %scan3A_586 = %scan3A_468 to %scan3A_470 step %scan3A_471 iter_args(%scan3A_587 = %broadcast_in_dim3A_467, %scan3A_588 = %broadcast_in_dim3A_467, %scan3A_589 = %broadcast_in_dim3A_467, %scan3A_590 = %broadcast_in_dim3A_467) -> (vector<16xf32>, vector<16xf32>, vector<16xf32>, vector<16xf32>)  : i32 {
        %mul3A_591 = arith.constant 128 : i32
        %mul3A_592 = arith.muli %scan3A_586, %mul3A_591 : i32
        %get3A_593 = arith.index_cast %mul3A_592 : i32 to index
        %get3A_594 = tpu.vector_load %arg5[%get3A_593] {strides = array<i32>} : memref<16384xf32, #tpu.memory_space<vmem>>, vector<16xf32>,
        %get3A_595 = vector.shape_cast %get3A_594 : vector<16xf32> to vector<16xf32>
        %max3A_596 = arith.maximumf %scan3A_587, %get3A_595 : vector<16xf32>
        %add3A_597 = arith.constant 16 : i32
        %add3A_598 = arith.addi %mul3A_592, %add3A_597 : i32
        %get3A_599 = arith.index_cast %add3A_598 : i32 to index
        %get3A_600 = tpu.vector_load %arg5[%get3A_599] {strides = array<i32>} : memref<16384xf32, #tpu.memory_space<vmem>>, vector<16xf32>,
        %get3A_601 = vector.shape_cast %get3A_600 : vector<16xf32> to vector<16xf32>
        %max3A_602 = arith.maximumf %scan3A_588, %get3A_601 : vector<16xf32>
        %add3A_603 = arith.constant 32 : i32
        %add3A_604 = arith.addi %mul3A_592, %add3A_603 : i32
        %get3A_605 = arith.index_cast %add3A_604 : i32 to index
        %get3A_606 = tpu.vector_load %arg5[%get3A_605] {strides = array<i32>} : memref<16384xf32, #tpu.memory_space<vmem>>, vector<16xf32>,
        %get3A_607 = vector.shape_cast %get3A_606 : vector<16xf32> to vector<16xf32>
        %max3A_608 = arith.maximumf %scan3A_589, %get3A_607 : vector<16xf32>
        %add3A_609 = arith.constant 48 : i32
        %add3A_610 = arith.addi %mul3A_592, %add3A_609 : i32
        %get3A_611 = arith.index_cast %add3A_610 : i32 to index
        %get3A_612 = tpu.vector_load %arg5[%get3A_611] {strides = array<i32>} : memref<16384xf32, #tpu.memory_space<vmem>>, vector<16xf32>,
        %get3A_613 = vector.shape_cast %get3A_612 : vector<16xf32> to vector<16xf32>
        %max3A_614 = arith.maximumf %scan3A_590, %get3A_613 : vector<16xf32>
        %add3A_615 = arith.constant 64 : i32
        %add3A_616 = arith.addi %mul3A_592, %add3A_615 : i32
        %get3A_617 = arith.index_cast %add3A_616 : i32 to index
        %get3A_618 = tpu.vector_load %arg5[%get3A_617] {strides = array<i32>} : memref<16384xf32, #tpu.memory_space<vmem>>, vector<16xf32>,
        %get3A_619 = vector.shape_cast %get3A_618 : vector<16xf32> to vector<16xf32>
        %max3A_620 = arith.maximumf %max3A_596, %get3A_619 : vector<16xf32>
        %add3A_621 = arith.constant 80 : i32
        %add3A_622 = arith.addi %mul3A_592, %add3A_621 : i32
        %get3A_623 = arith.index_cast %add3A_622 : i32 to index
        %get3A_624 = tpu.vector_load %arg5[%get3A_623] {strides = array<i32>} : memref<16384xf32, #tpu.memory_space<vmem>>, vector<16xf32>,
        %get3A_625 = vector.shape_cast %get3A_624 : vector<16xf32> to vector<16xf32>
        %max3A_626 = arith.maximumf %max3A_602, %get3A_625 : vector<16xf32>
        %add3A_627 = arith.constant 96 : i32
        %add3A_628 = arith.addi %mul3A_592, %add3A_627 : i32
        %get3A_629 = arith.index_cast %add3A_628 : i32 to index
        %get3A_630 = tpu.vector_load %arg5[%get3A_629] {strides = array<i32>} : memref<16384xf32, #tpu.memory_space<vmem>>, vector<16xf32>,
        %get3A_631 = vector.shape_cast %get3A_630 : vector<16xf32> to vector<16xf32>
        %max3A_632 = arith.maximumf %max3A_608, %get3A_631 : vector<16xf32>
        %add3A_633 = arith.constant 112 : i32
        %add3A_634 = arith.addi %mul3A_592, %add3A_633 : i32
        %get3A_635 = arith.index_cast %add3A_634 : i32 to index
        %get3A_636 = tpu.vector_load %arg5[%get3A_635] {strides = array<i32>} : memref<16384xf32, #tpu.memory_space<vmem>>, vector<16xf32>,
        %get3A_637 = vector.shape_cast %get3A_636 : vector<16xf32> to vector<16xf32>
        %max3A_638 = arith.maximumf %max3A_614, %get3A_637 : vector<16xf32>
        scf.yield %max3A_620, %max3A_626, %max3A_632, %max3A_638 : vector<16xf32>, vector<16xf32>, vector<16xf32>, vector<16xf32>
      }
      %scan3A_473 = arith.constant 128 : i32
      %max3A_474 = arith.maximumf %scan3A_472#0, %scan3A_472#1 : vector<16xf32>
      %max3A_475 = arith.maximumf %scan3A_472#2, %scan3A_472#3 : vector<16xf32>
      %max3A_476 = arith.maximumf %max3A_474, %max3A_475 : vector<16xf32>
      %mul3A_477 = arith.constant 4 : i32
      %mul3A_478 = arith.muli %add3A_451, %mul3A_477 : i32
      %add3A_479 = arith.constant 0 : i32
      %add3A_480 = arith.addi %mul3A_478, %add3A_479 : i32
      %gt3A_481 = arith.cmpf ogt, %max3A_476, %broadcast_in_dim3A_457 : vector<16xf32>
      %select_n3A_482 = arith.select %gt3A_481, %max3A_476, %broadcast_in_dim3A_457 : vector<16xi1>, vector<16xf32>
      %broadcast_in_dim3A_483 = vector.broadcast %add3A_480 : i32 to vector<16xi32>
      %select_n3A_484 = arith.select %gt3A_481, %broadcast_in_dim3A_483, %broadcast_in_dim3A_459 : vector<16xi1>, vector<16xi32>
      %add3A_485 = arith.constant 32768 : i32
      %add3A_486 = arith.addi %mul3A_453, %add3A_485 : i32
      %dma_start3A_487 = tpu.memref_slice %arg2[%add3A_486] : memref<5570560xf32, #tpu.memory_space<hbm>> -> memref<16384xf32, #tpu.memory_space<hbm>>
      %dma_start3A_488 = tpu.memref_slice %arg2[%add3A_486] : memref<5570560xf32, #tpu.memory_space<hbm>> -> memref<16384xf32, #tpu.memory_space<hbm>>
      tpu.enqueue_dma source(%dma_start3A_488 : memref<16384xf32, #tpu.memory_space<hbm>>) target(%arg5 : memref<16384xf32, #tpu.memory_space<vmem>>) target_semaphore(%arg9 : memref<!tpu.dma_semaphore, #tpu.memory_space<semaphore_mem>>)
      %dma_wait3A_489 = tpu.memref_slice %arg2[%add3A_461] : memref<5570560xf32, #tpu.memory_space<hbm>> -> memref<16384xf32, #tpu.memory_space<hbm>>
      %dma_wait3A_490 = tpu.memref_slice %arg2[%add3A_461] : memref<5570560xf32, #tpu.memory_space<hbm>> -> memref<16384xf32, #tpu.memory_space<hbm>>
      tpu.wait_dma2 semaphore(%arg10 : memref<!tpu.dma_semaphore, #tpu.memory_space<semaphore_mem>>) src(%dma_wait3A_490 : memref<16384xf32, #tpu.memory_space<hbm>>) dst(%arg6 : memref<16384xf32, #tpu.memory_space<vmem>>)
      %broadcast_in_dim3A_491 = arith.constant 0xFF800000 : f32
      %broadcast_in_dim3A_492 = vector.broadcast %broadcast_in_dim3A_491 : f32 to vector<16xf32>
      %scan3A_493 = arith.constant 0 : i32
      %scan3A_494 = arith.constant 128 : i32
      %scan3A_495 = arith.addi %scan3A_493, %scan3A_494 : i32
      %scan3A_496 = arith.constant 1 : i32
      %scan3A_497:4 = scf.for %scan3A_586 = %scan3A_493 to %scan3A_495 step %scan3A_496 iter_args(%scan3A_587 = %broadcast_in_dim3A_492, %scan3A_588 = %broadcast_in_dim3A_492, %scan3A_589 = %broadcast_in_dim3A_492, %scan3A_590 = %broadcast_in_dim3A_492) -> (vector<16xf32>, vector<16xf32>, vector<16xf32>, vector<16xf32>)  : i32 {
        %mul3A_591 = arith.constant 128 : i32
        %mul3A_592 = arith.muli %scan3A_586, %mul3A_591 : i32
        %get3A_593 = arith.index_cast %mul3A_592 : i32 to index
        %get3A_594 = tpu.vector_load %arg6[%get3A_593] {strides = array<i32>} : memref<16384xf32, #tpu.memory_space<vmem>>, vector<16xf32>,
        %get3A_595 = vector.shape_cast %get3A_594 : vector<16xf32> to vector<16xf32>
        %max3A_596 = arith.maximumf %scan3A_587, %get3A_595 : vector<16xf32>
        %add3A_597 = arith.constant 16 : i32
        %add3A_598 = arith.addi %mul3A_592, %add3A_597 : i32
        %get3A_599 = arith.index_cast %add3A_598 : i32 to index
        %get3A_600 = tpu.vector_load %arg6[%get3A_599] {strides = array<i32>} : memref<16384xf32, #tpu.memory_space<vmem>>, vector<16xf32>,
        %get3A_601 = vector.shape_cast %get3A_600 : vector<16xf32> to vector<16xf32>
        %max3A_602 = arith.maximumf %scan3A_588, %get3A_601 : vector<16xf32>
        %add3A_603 = arith.constant 32 : i32
        %add3A_604 = arith.addi %mul3A_592, %add3A_603 : i32
        %get3A_605 = arith.index_cast %add3A_604 : i32 to index
        %get3A_606 = tpu.vector_load %arg6[%get3A_605] {strides = array<i32>} : memref<16384xf32, #tpu.memory_space<vmem>>, vector<16xf32>,
        %get3A_607 = vector.shape_cast %get3A_606 : vector<16xf32> to vector<16xf32>
        %max3A_608 = arith.maximumf %scan3A_589, %get3A_607 : vector<16xf32>
        %add3A_609 = arith.constant 48 : i32
        %add3A_610 = arith.addi %mul3A_592, %add3A_609 : i32
        %get3A_611 = arith.index_cast %add3A_610 : i32 to index
        %get3A_612 = tpu.vector_load %arg6[%get3A_611] {strides = array<i32>} : memref<16384xf32, #tpu.memory_space<vmem>>, vector<16xf32>,
        %get3A_613 = vector.shape_cast %get3A_612 : vector<16xf32> to vector<16xf32>
        %max3A_614 = arith.maximumf %scan3A_590, %get3A_613 : vector<16xf32>
        %add3A_615 = arith.constant 64 : i32
        %add3A_616 = arith.addi %mul3A_592, %add3A_615 : i32
        %get3A_617 = arith.index_cast %add3A_616 : i32 to index
        %get3A_618 = tpu.vector_load %arg6[%get3A_617] {strides = array<i32>} : memref<16384xf32, #tpu.memory_space<vmem>>, vector<16xf32>,
        %get3A_619 = vector.shape_cast %get3A_618 : vector<16xf32> to vector<16xf32>
        %max3A_620 = arith.maximumf %max3A_596, %get3A_619 : vector<16xf32>
        %add3A_621 = arith.constant 80 : i32
        %add3A_622 = arith.addi %mul3A_592, %add3A_621 : i32
        %get3A_623 = arith.index_cast %add3A_622 : i32 to index
        %get3A_624 = tpu.vector_load %arg6[%get3A_623] {strides = array<i32>} : memref<16384xf32, #tpu.memory_space<vmem>>, vector<16xf32>,
        %get3A_625 = vector.shape_cast %get3A_624 : vector<16xf32> to vector<16xf32>
        %max3A_626 = arith.maximumf %max3A_602, %get3A_625 : vector<16xf32>
        %add3A_627 = arith.constant 96 : i32
        %add3A_628 = arith.addi %mul3A_592, %add3A_627 : i32
        %get3A_629 = arith.index_cast %add3A_628 : i32 to index
        %get3A_630 = tpu.vector_load %arg6[%get3A_629] {strides = array<i32>} : memref<16384xf32, #tpu.memory_space<vmem>>, vector<16xf32>,
        %get3A_631 = vector.shape_cast %get3A_630 : vector<16xf32> to vector<16xf32>
        %max3A_632 = arith.maximumf %max3A_608, %get3A_631 : vector<16xf32>
        %add3A_633 = arith.constant 112 : i32
        %add3A_634 = arith.addi %mul3A_592, %add3A_633 : i32
        %get3A_635 = arith.index_cast %add3A_634 : i32 to index
        %get3A_636 = tpu.vector_load %arg6[%get3A_635] {strides = array<i32>} : memref<16384xf32, #tpu.memory_space<vmem>>, vector<16xf32>,
        %get3A_637 = vector.shape_cast %get3A_636 : vector<16xf32> to vector<16xf32>
        %max3A_638 = arith.maximumf %max3A_614, %get3A_637 : vector<16xf32>
        scf.yield %max3A_620, %max3A_626, %max3A_632, %max3A_638 : vector<16xf32>, vector<16xf32>, vector<16xf32>, vector<16xf32>
      }
      %scan3A_498 = arith.constant 128 : i32
      %max3A_499 = arith.maximumf %scan3A_497#0, %scan3A_497#1 : vector<16xf32>
      %max3A_500 = arith.maximumf %scan3A_497#2, %scan3A_497#3 : vector<16xf32>
      %max3A_501 = arith.maximumf %max3A_499, %max3A_500 : vector<16xf32>
      %mul3A_502 = arith.constant 4 : i32
      %mul3A_503 = arith.muli %add3A_451, %mul3A_502 : i32
      %add3A_504 = arith.constant 1 : i32
      %add3A_505 = arith.addi %mul3A_503, %add3A_504 : i32
      %gt3A_506 = arith.cmpf ogt, %max3A_501, %select_n3A_482 : vector<16xf32>
      %select_n3A_507 = arith.select %gt3A_506, %max3A_501, %select_n3A_482 : vector<16xi1>, vector<16xf32>
      %broadcast_in_dim3A_508 = vector.broadcast %add3A_505 : i32 to vector<16xi32>
      %select_n3A_509 = arith.select %gt3A_506, %broadcast_in_dim3A_508, %select_n3A_484 : vector<16xi1>, vector<16xi32>
      %add3A_510 = arith.constant 49152 : i32
      %add3A_511 = arith.addi %mul3A_453, %add3A_510 : i32
      %dma_start3A_512 = tpu.memref_slice %arg2[%add3A_511] : memref<5570560xf32, #tpu.memory_space<hbm>> -> memref<16384xf32, #tpu.memory_space<hbm>>
      %dma_start3A_513 = tpu.memref_slice %arg2[%add3A_511] : memref<5570560xf32, #tpu.memory_space<hbm>> -> memref<16384xf32, #tpu.memory_space<hbm>>
      tpu.enqueue_dma source(%dma_start3A_513 : memref<16384xf32, #tpu.memory_space<hbm>>) target(%arg6 : memref<16384xf32, #tpu.memory_space<vmem>>) target_semaphore(%arg10 : memref<!tpu.dma_semaphore, #tpu.memory_space<semaphore_mem>>)
      %dma_wait3A_514 = tpu.memref_slice %arg2[%add3A_486] : memref<5570560xf32, #tpu.memory_space<hbm>> -> memref<16384xf32, #tpu.memory_space<hbm>>
      %dma_wait3A_515 = tpu.memref_slice %arg2[%add3A_486] : memref<5570560xf32, #tpu.memory_space<hbm>> -> memref<16384xf32, #tpu.memory_space<hbm>>
      tpu.wait_dma2 semaphore(%arg9 : memref<!tpu.dma_semaphore, #tpu.memory_space<semaphore_mem>>) src(%dma_wait3A_515 : memref<16384xf32, #tpu.memory_space<hbm>>) dst(%arg5 : memref<16384xf32, #tpu.memory_space<vmem>>)
      %broadcast_in_dim3A_516 = arith.constant 0xFF800000 : f32
      %broadcast_in_dim3A_517 = vector.broadcast %broadcast_in_dim3A_516 : f32 to vector<16xf32>
      %scan3A_518 = arith.constant 0 : i32
      %scan3A_519 = arith.constant 128 : i32
      %scan3A_520 = arith.addi %scan3A_518, %scan3A_519 : i32
      %scan3A_521 = arith.constant 1 : i32
      %scan3A_522:4 = scf.for %scan3A_586 = %scan3A_518 to %scan3A_520 step %scan3A_521 iter_args(%scan3A_587 = %broadcast_in_dim3A_517, %scan3A_588 = %broadcast_in_dim3A_517, %scan3A_589 = %broadcast_in_dim3A_517, %scan3A_590 = %broadcast_in_dim3A_517) -> (vector<16xf32>, vector<16xf32>, vector<16xf32>, vector<16xf32>)  : i32 {
        %mul3A_591 = arith.constant 128 : i32
        %mul3A_592 = arith.muli %scan3A_586, %mul3A_591 : i32
        %get3A_593 = arith.index_cast %mul3A_592 : i32 to index
        %get3A_594 = tpu.vector_load %arg5[%get3A_593] {strides = array<i32>} : memref<16384xf32, #tpu.memory_space<vmem>>, vector<16xf32>,
        %get3A_595 = vector.shape_cast %get3A_594 : vector<16xf32> to vector<16xf32>
        %max3A_596 = arith.maximumf %scan3A_587, %get3A_595 : vector<16xf32>
        %add3A_597 = arith.constant 16 : i32
        %add3A_598 = arith.addi %mul3A_592, %add3A_597 : i32
        %get3A_599 = arith.index_cast %add3A_598 : i32 to index
        %get3A_600 = tpu.vector_load %arg5[%get3A_599] {strides = array<i32>} : memref<16384xf32, #tpu.memory_space<vmem>>, vector<16xf32>,
        %get3A_601 = vector.shape_cast %get3A_600 : vector<16xf32> to vector<16xf32>
        %max3A_602 = arith.maximumf %scan3A_588, %get3A_601 : vector<16xf32>
        %add3A_603 = arith.constant 32 : i32
        %add3A_604 = arith.addi %mul3A_592, %add3A_603 : i32
        %get3A_605 = arith.index_cast %add3A_604 : i32 to index
        %get3A_606 = tpu.vector_load %arg5[%get3A_605] {strides = array<i32>} : memref<16384xf32, #tpu.memory_space<vmem>>, vector<16xf32>,
        %get3A_607 = vector.shape_cast %get3A_606 : vector<16xf32> to vector<16xf32>
        %max3A_608 = arith.maximumf %scan3A_589, %get3A_607 : vector<16xf32>
        %add3A_609 = arith.constant 48 : i32
        %add3A_610 = arith.addi %mul3A_592, %add3A_609 : i32
        %get3A_611 = arith.index_cast %add3A_610 : i32 to index
        %get3A_612 = tpu.vector_load %arg5[%get3A_611] {strides = array<i32>} : memref<16384xf32, #tpu.memory_space<vmem>>, vector<16xf32>,
        %get3A_613 = vector.shape_cast %get3A_612 : vector<16xf32> to vector<16xf32>
        %max3A_614 = arith.maximumf %scan3A_590, %get3A_613 : vector<16xf32>
        %add3A_615 = arith.constant 64 : i32
        %add3A_616 = arith.addi %mul3A_592, %add3A_615 : i32
        %get3A_617 = arith.index_cast %add3A_616 : i32 to index
        %get3A_618 = tpu.vector_load %arg5[%get3A_617] {strides = array<i32>} : memref<16384xf32, #tpu.memory_space<vmem>>, vector<16xf32>,
        %get3A_619 = vector.shape_cast %get3A_618 : vector<16xf32> to vector<16xf32>
        %max3A_620 = arith.maximumf %max3A_596, %get3A_619 : vector<16xf32>
        %add3A_621 = arith.constant 80 : i32
        %add3A_622 = arith.addi %mul3A_592, %add3A_621 : i32
        %get3A_623 = arith.index_cast %add3A_622 : i32 to index
        %get3A_624 = tpu.vector_load %arg5[%get3A_623] {strides = array<i32>} : memref<16384xf32, #tpu.memory_space<vmem>>, vector<16xf32>,
        %get3A_625 = vector.shape_cast %get3A_624 : vector<16xf32> to vector<16xf32>
        %max3A_626 = arith.maximumf %max3A_602, %get3A_625 : vector<16xf32>
        %add3A_627 = arith.constant 96 : i32
        %add3A_628 = arith.addi %mul3A_592, %add3A_627 : i32
        %get3A_629 = arith.index_cast %add3A_628 : i32 to index
        %get3A_630 = tpu.vector_load %arg5[%get3A_629] {strides = array<i32>} : memref<16384xf32, #tpu.memory_space<vmem>>, vector<16xf32>,
        %get3A_631 = vector.shape_cast %get3A_630 : vector<16xf32> to vector<16xf32>
        %max3A_632 = arith.maximumf %max3A_608, %get3A_631 : vector<16xf32>
        %add3A_633 = arith.constant 112 : i32
        %add3A_634 = arith.addi %mul3A_592, %add3A_633 : i32
        %get3A_635 = arith.index_cast %add3A_634 : i32 to index
        %get3A_636 = tpu.vector_load %arg5[%get3A_635] {strides = array<i32>} : memref<16384xf32, #tpu.memory_space<vmem>>, vector<16xf32>,
        %get3A_637 = vector.shape_cast %get3A_636 : vector<16xf32> to vector<16xf32>
        %max3A_638 = arith.maximumf %max3A_614, %get3A_637 : vector<16xf32>
        scf.yield %max3A_620, %max3A_626, %max3A_632, %max3A_638 : vector<16xf32>, vector<16xf32>, vector<16xf32>, vector<16xf32>
      }
      %scan3A_523 = arith.constant 128 : i32
      %max3A_524 = arith.maximumf %scan3A_522#0, %scan3A_522#1 : vector<16xf32>
      %max3A_525 = arith.maximumf %scan3A_522#2, %scan3A_522#3 : vector<16xf32>
      %max3A_526 = arith.maximumf %max3A_524, %max3A_525 : vector<16xf32>
      %mul3A_527 = arith.constant 4 : i32
      %mul3A_528 = arith.muli %add3A_451, %mul3A_527 : i32
      %add3A_529 = arith.constant 2 : i32
      %add3A_530 = arith.addi %mul3A_528, %add3A_529 : i32
      %gt3A_531 = arith.cmpf ogt, %max3A_526, %select_n3A_507 : vector<16xf32>
      %select_n3A_532 = arith.select %gt3A_531, %max3A_526, %select_n3A_507 : vector<16xi1>, vector<16xf32>
      %broadcast_in_dim3A_533 = vector.broadcast %add3A_530 : i32 to vector<16xi32>
      %select_n3A_534 = arith.select %gt3A_531, %broadcast_in_dim3A_533, %select_n3A_509 : vector<16xi1>, vector<16xi32>
      %dma_wait3A_535 = tpu.memref_slice %arg2[%add3A_511] : memref<5570560xf32, #tpu.memory_space<hbm>> -> memref<16384xf32, #tpu.memory_space<hbm>>
      %dma_wait3A_536 = tpu.memref_slice %arg2[%add3A_511] : memref<5570560xf32, #tpu.memory_space<hbm>> -> memref<16384xf32, #tpu.memory_space<hbm>>
      tpu.wait_dma2 semaphore(%arg10 : memref<!tpu.dma_semaphore, #tpu.memory_space<semaphore_mem>>) src(%dma_wait3A_536 : memref<16384xf32, #tpu.memory_space<hbm>>) dst(%arg6 : memref<16384xf32, #tpu.memory_space<vmem>>)
      %broadcast_in_dim3A_537 = arith.constant 0xFF800000 : f32
      %broadcast_in_dim3A_538 = vector.broadcast %broadcast_in_dim3A_537 : f32 to vector<16xf32>
      %scan3A_539 = arith.constant 0 : i32
      %scan3A_540 = arith.constant 128 : i32
      %scan3A_541 = arith.addi %scan3A_539, %scan3A_540 : i32
      %scan3A_542 = arith.constant 1 : i32
      %scan3A_543:4 = scf.for %scan3A_586 = %scan3A_539 to %scan3A_541 step %scan3A_542 iter_args(%scan3A_587 = %broadcast_in_dim3A_538, %scan3A_588 = %broadcast_in_dim3A_538, %scan3A_589 = %broadcast_in_dim3A_538, %scan3A_590 = %broadcast_in_dim3A_538) -> (vector<16xf32>, vector<16xf32>, vector<16xf32>, vector<16xf32>)  : i32 {
        %mul3A_591 = arith.constant 128 : i32
        %mul3A_592 = arith.muli %scan3A_586, %mul3A_591 : i32
        %get3A_593 = arith.index_cast %mul3A_592 : i32 to index
        %get3A_594 = tpu.vector_load %arg6[%get3A_593] {strides = array<i32>} : memref<16384xf32, #tpu.memory_space<vmem>>, vector<16xf32>,
        %get3A_595 = vector.shape_cast %get3A_594 : vector<16xf32> to vector<16xf32>
        %max3A_596 = arith.maximumf %scan3A_587, %get3A_595 : vector<16xf32>
        %add3A_597 = arith.constant 16 : i32
        %add3A_598 = arith.addi %mul3A_592, %add3A_597 : i32
        %get3A_599 = arith.index_cast %add3A_598 : i32 to index
        %get3A_600 = tpu.vector_load %arg6[%get3A_599] {strides = array<i32>} : memref<16384xf32, #tpu.memory_space<vmem>>, vector<16xf32>,
        %get3A_601 = vector.shape_cast %get3A_600 : vector<16xf32> to vector<16xf32>
        %max3A_602 = arith.maximumf %scan3A_588, %get3A_601 : vector<16xf32>
        %add3A_603 = arith.constant 32 : i32
        %add3A_604 = arith.addi %mul3A_592, %add3A_603 : i32
        %get3A_605 = arith.index_cast %add3A_604 : i32 to index
        %get3A_606 = tpu.vector_load %arg6[%get3A_605] {strides = array<i32>} : memref<16384xf32, #tpu.memory_space<vmem>>, vector<16xf32>,
        %get3A_607 = vector.shape_cast %get3A_606 : vector<16xf32> to vector<16xf32>
        %max3A_608 = arith.maximumf %scan3A_589, %get3A_607 : vector<16xf32>
        %add3A_609 = arith.constant 48 : i32
        %add3A_610 = arith.addi %mul3A_592, %add3A_609 : i32
        %get3A_611 = arith.index_cast %add3A_610 : i32 to index
        %get3A_612 = tpu.vector_load %arg6[%get3A_611] {strides = array<i32>} : memref<16384xf32, #tpu.memory_space<vmem>>, vector<16xf32>,
        %get3A_613 = vector.shape_cast %get3A_612 : vector<16xf32> to vector<16xf32>
        %max3A_614 = arith.maximumf %scan3A_590, %get3A_613 : vector<16xf32>
        %add3A_615 = arith.constant 64 : i32
        %add3A_616 = arith.addi %mul3A_592, %add3A_615 : i32
        %get3A_617 = arith.index_cast %add3A_616 : i32 to index
        %get3A_618 = tpu.vector_load %arg6[%get3A_617] {strides = array<i32>} : memref<16384xf32, #tpu.memory_space<vmem>>, vector<16xf32>,
        %get3A_619 = vector.shape_cast %get3A_618 : vector<16xf32> to vector<16xf32>
        %max3A_620 = arith.maximumf %max3A_596, %get3A_619 : vector<16xf32>
        %add3A_621 = arith.constant 80 : i32
        %add3A_622 = arith.addi %mul3A_592, %add3A_621 : i32
        %get3A_623 = arith.index_cast %add3A_622 : i32 to index
        %get3A_624 = tpu.vector_load %arg6[%get3A_623] {strides = array<i32>} : memref<16384xf32, #tpu.memory_space<vmem>>, vector<16xf32>,
        %get3A_625 = vector.shape_cast %get3A_624 : vector<16xf32> to vector<16xf32>
        %max3A_626 = arith.maximumf %max3A_602, %get3A_625 : vector<16xf32>
        %add3A_627 = arith.constant 96 : i32
        %add3A_628 = arith.addi %mul3A_592, %add3A_627 : i32
        %get3A_629 = arith.index_cast %add3A_628 : i32 to index
        %get3A_630 = tpu.vector_load %arg6[%get3A_629] {strides = array<i32>} : memref<16384xf32, #tpu.memory_space<vmem>>, vector<16xf32>,
        %get3A_631 = vector.shape_cast %get3A_630 : vector<16xf32> to vector<16xf32>
        %max3A_632 = arith.maximumf %max3A_608, %get3A_631 : vector<16xf32>
        %add3A_633 = arith.constant 112 : i32
        %add3A_634 = arith.addi %mul3A_592, %add3A_633 : i32
        %get3A_635 = arith.index_cast %add3A_634 : i32 to index
        %get3A_636 = tpu.vector_load %arg6[%get3A_635] {strides = array<i32>} : memref<16384xf32, #tpu.memory_space<vmem>>, vector<16xf32>,
        %get3A_637 = vector.shape_cast %get3A_636 : vector<16xf32> to vector<16xf32>
        %max3A_638 = arith.maximumf %max3A_614, %get3A_637 : vector<16xf32>
        scf.yield %max3A_620, %max3A_626, %max3A_632, %max3A_638 : vector<16xf32>, vector<16xf32>, vector<16xf32>, vector<16xf32>
      }
      %scan3A_544 = arith.constant 128 : i32
      %max3A_545 = arith.maximumf %scan3A_543#0, %scan3A_543#1 : vector<16xf32>
      %max3A_546 = arith.maximumf %scan3A_543#2, %scan3A_543#3 : vector<16xf32>
      %max3A_547 = arith.maximumf %max3A_545, %max3A_546 : vector<16xf32>
      %mul3A_548 = arith.constant 4 : i32
      %mul3A_549 = arith.muli %add3A_451, %mul3A_548 : i32
      %add3A_550 = arith.constant 3 : i32
      %add3A_551 = arith.addi %mul3A_549, %add3A_550 : i32
      %gt3A_552 = arith.cmpf ogt, %max3A_547, %select_n3A_532 : vector<16xf32>
      %select_n3A_553 = arith.select %gt3A_552, %max3A_547, %select_n3A_532 : vector<16xi1>, vector<16xf32>
      %broadcast_in_dim3A_554 = vector.broadcast %add3A_551 : i32 to vector<16xi32>
      %select_n3A_555 = arith.select %gt3A_552, %broadcast_in_dim3A_554, %select_n3A_534 : vector<16xi1>, vector<16xi32>
      %get3A_556 = arith.constant 3 : i32
      %get3A_557 = arith.index_cast %get3A_556 : i32 to index
      %get3A_558 = arith.constant 0 : index
      %get3A_559 = tpu.vector_load %arg11[%get3A_557, %get3A_558] {strides = array<i32>} : memref<4x16xf32, #tpu.memory_space<vmem>>, vector<1x16xf32>,
      %get3A_560 = vector.shape_cast %get3A_559 : vector<1x16xf32> to vector<16xf32>
      %gt3A_561 = arith.cmpf ogt, %select_n3A_553, %get3A_560 : vector<16xf32>
      %get3A_562 = arith.constant 3 : i32
      %get3A_563 = arith.index_cast %get3A_562 : i32 to index
      %get3A_564 = arith.constant 0 : index
      %get3A_565 = tpu.vector_load %arg11[%get3A_563, %get3A_564] {strides = array<i32>} : memref<4x16xf32, #tpu.memory_space<vmem>>, vector<1x16xf32>,
      %get3A_566 = vector.shape_cast %get3A_565 : vector<1x16xf32> to vector<16xf32>
      %select_n3A_567 = arith.select %gt3A_561, %select_n3A_553, %get3A_566 : vector<16xi1>, vector<16xf32>
      %swap3A_568 = arith.constant 3 : i32
      %swap3A_569 = arith.index_cast %swap3A_568 : i32 to index
      %swap3A_570 = arith.constant 0 : index
      %swap3A_571 = tpu.vector_load %arg11[%swap3A_569, %swap3A_570] {strides = array<i32>} : memref<4x16xf32, #tpu.memory_space<vmem>>, vector<1x16xf32>,
      %swap3A_572 = vector.shape_cast %swap3A_571 : vector<1x16xf32> to vector<16xf32>
      %swap3A_573 = vector.shape_cast %select_n3A_567 : vector<16xf32> to vector<1x16xf32>
      tpu.vector_store %arg11[%swap3A_569, %swap3A_570], %swap3A_573 {strides = array<i32>} : memref<4x16xf32, #tpu.memory_space<vmem>>, vector<1x16xf32>,
      %get3A_574 = arith.constant 3 : i32
      %get3A_575 = arith.index_cast %get3A_574 : i32 to index
      %get3A_576 = arith.constant 0 : index
      %get3A_577 = tpu.vector_load %arg12[%get3A_575, %get3A_576] {strides = array<i32>} : memref<4x16xi32, #tpu.memory_space<vmem>>, vector<1x16xi32>,
      %get3A_578 = vector.shape_cast %get3A_577 : vector<1x16xi32> to vector<16xi32>
      %select_n3A_579 = arith.select %gt3A_561, %select_n3A_555, %get3A_578 : vector<16xi1>, vector<16xi32>
      %swap3A_580 = arith.constant 3 : i32
      %swap3A_581 = arith.index_cast %swap3A_580 : i32 to index
      %swap3A_582 = arith.constant 0 : index
      %swap3A_583 = tpu.vector_load %arg12[%swap3A_581, %swap3A_582] {strides = array<i32>} : memref<4x16xi32, #tpu.memory_space<vmem>>, vector<1x16xi32>,
      %swap3A_584 = vector.shape_cast %swap3A_583 : vector<1x16xi32> to vector<16xi32>
      %swap3A_585 = vector.shape_cast %select_n3A_579 : vector<16xi32> to vector<1x16xi32>
      tpu.vector_store %arg12[%swap3A_581, %swap3A_582], %swap3A_585 {strides = array<i32>} : memref<4x16xi32, #tpu.memory_space<vmem>>, vector<1x16xi32>,
    } else {
    }
    %get3A_362 = arith.constant 0 : i32
    %get3A_363 = arith.index_cast %get3A_362 : i32 to index
    %get3A_364 = arith.constant 0 : index
    %get3A_365 = tpu.vector_load %arg11[%get3A_363, %get3A_364] {strides = array<i32>} : memref<4x16xf32, #tpu.memory_space<vmem>>, vector<1x16xf32>,
    %get3A_366 = vector.shape_cast %get3A_365 : vector<1x16xf32> to vector<16xf32>
    %swap3A_367 = arith.constant 0 : index
    %swap3A_368 = tpu.vector_load %arg7[%swap3A_367] {strides = array<i32>} : memref<16xf32, #tpu.memory_space<vmem>>, vector<16xf32>,
    %swap3A_369 = vector.shape_cast %swap3A_368 : vector<16xf32> to vector<16xf32>
    %swap3A_370 = vector.shape_cast %get3A_366 : vector<16xf32> to vector<16xf32>
    tpu.vector_store %arg7[%swap3A_367], %swap3A_370 {strides = array<i32>} : memref<16xf32, #tpu.memory_space<vmem>>, vector<16xf32>,
    %get3A_371 = arith.constant 0 : i32
    %get3A_372 = arith.index_cast %get3A_371 : i32 to index
    %get3A_373 = arith.constant 0 : index
    %get3A_374 = tpu.vector_load %arg12[%get3A_372, %get3A_373] {strides = array<i32>} : memref<4x16xi32, #tpu.memory_space<vmem>>, vector<1x16xi32>,
    %get3A_375 = vector.shape_cast %get3A_374 : vector<1x16xi32> to vector<16xi32>
    %swap3A_376 = arith.constant 0 : index
    %swap3A_377 = tpu.vector_load %arg8[%swap3A_376] {strides = array<i32>} : memref<16xi32, #tpu.memory_space<vmem>>, vector<16xi32>,
    %swap3A_378 = vector.shape_cast %swap3A_377 : vector<16xi32> to vector<16xi32>
    %swap3A_379 = vector.shape_cast %get3A_375 : vector<16xi32> to vector<16xi32>
    tpu.vector_store %arg8[%swap3A_376], %swap3A_379 {strides = array<i32>} : memref<16xi32, #tpu.memory_space<vmem>>, vector<16xi32>,
    %mul3A_380 = arith.constant 16 : i32
    %mul3A_381 = arith.muli %add3A, %mul3A_380 : i32
    %add3A_382 = arith.constant 0 : i32
    %add3A_383 = arith.addi %add3A_382, %mul3A_381 : i32
    "tpu.region"() ({
      %run_scoped3A = tpu.sem_alloc : memref<!tpu.dma_semaphore, #tpu.memory_space<semaphore_mem>>
      %dma_start3A_450 = tpu.memref_slice %arg3[%add3A_383] : memref<2048xf32, #tpu.memory_space<hbm>> -> memref<16xf32, #tpu.memory_space<hbm>>
      %dma_start3A_451 = tpu.memref_slice %arg3[%add3A_383] : memref<2048xf32, #tpu.memory_space<hbm>> -> memref<16xf32, #tpu.memory_space<hbm>>
      tpu.enqueue_dma source(%arg7 : memref<16xf32, #tpu.memory_space<vmem>>) target(%dma_start3A_451 : memref<16xf32, #tpu.memory_space<hbm>>) target_semaphore(%run_scoped3A : memref<!tpu.dma_semaphore, #tpu.memory_space<semaphore_mem>>)
      %dma_wait3A_452 = tpu.memref_slice %arg3[%add3A_383] : memref<2048xf32, #tpu.memory_space<hbm>> -> memref<16xf32, #tpu.memory_space<hbm>>
      %dma_wait3A_453 = tpu.memref_slice %arg3[%add3A_383] : memref<2048xf32, #tpu.memory_space<hbm>> -> memref<16xf32, #tpu.memory_space<hbm>>
      tpu.wait_dma2 semaphore(%run_scoped3A : memref<!tpu.dma_semaphore, #tpu.memory_space<semaphore_mem>>) src(%arg7 : memref<16xf32, #tpu.memory_space<vmem>>) dst(%dma_wait3A_453 : memref<16xf32, #tpu.memory_space<hbm>>)
      tpu.yield
    }) : () -> ()
    "tpu.region"() ({
      %run_scoped3A = tpu.sem_alloc : memref<!tpu.dma_semaphore, #tpu.memory_space<semaphore_mem>>
      %dma_start3A_450 = tpu.memref_slice %arg4[%add3A_383] : memref<2048xi32, #tpu.memory_space<hbm>> -> memref<16xi32, #tpu.memory_space<hbm>>
      %dma_start3A_451 = tpu.memref_slice %arg4[%add3A_383] : memref<2048xi32, #tpu.memory_space<hbm>> -> memref<16xi32, #tpu.memory_space<hbm>>
      tpu.enqueue_dma source(%arg8 : memref<16xi32, #tpu.memory_space<vmem>>) target(%dma_start3A_451 : memref<16xi32, #tpu.memory_space<hbm>>) target_semaphore(%run_scoped3A : memref<!tpu.dma_semaphore, #tpu.memory_space<semaphore_mem>>)
      %dma_wait3A_452 = tpu.memref_slice %arg4[%add3A_383] : memref<2048xi32, #tpu.memory_space<hbm>> -> memref<16xi32, #tpu.memory_space<hbm>>
      %dma_wait3A_453 = tpu.memref_slice %arg4[%add3A_383] : memref<2048xi32, #tpu.memory_space<hbm>> -> memref<16xi32, #tpu.memory_space<hbm>>
      tpu.wait_dma2 semaphore(%run_scoped3A : memref<!tpu.dma_semaphore, #tpu.memory_space<semaphore_mem>>) src(%arg8 : memref<16xi32, #tpu.memory_space<vmem>>) dst(%dma_wait3A_453 : memref<16xi32, #tpu.memory_space<hbm>>)
      tpu.yield
    }) : () -> ()
    %get3A_384 = arith.constant 1 : i32
    %get3A_385 = arith.index_cast %get3A_384 : i32 to index
    %get3A_386 = arith.constant 0 : index
    %get3A_387 = tpu.vector_load %arg11[%get3A_385, %get3A_386] {strides = array<i32>} : memref<4x16xf32, #tpu.memory_space<vmem>>, vector<1x16xf32>,
    %get3A_388 = vector.shape_cast %get3A_387 : vector<1x16xf32> to vector<16xf32>
    %swap3A_389 = arith.constant 0 : index
    %swap3A_390 = tpu.vector_load %arg7[%swap3A_389] {strides = array<i32>} : memref<16xf32, #tpu.memory_space<vmem>>, vector<16xf32>,
    %swap3A_391 = vector.shape_cast %swap3A_390 : vector<16xf32> to vector<16xf32>
    %swap3A_392 = vector.shape_cast %get3A_388 : vector<16xf32> to vector<16xf32>
    tpu.vector_store %arg7[%swap3A_389], %swap3A_392 {strides = array<i32>} : memref<16xf32, #tpu.memory_space<vmem>>, vector<16xf32>,
    %get3A_393 = arith.constant 1 : i32
    %get3A_394 = arith.index_cast %get3A_393 : i32 to index
    %get3A_395 = arith.constant 0 : index
    %get3A_396 = tpu.vector_load %arg12[%get3A_394, %get3A_395] {strides = array<i32>} : memref<4x16xi32, #tpu.memory_space<vmem>>, vector<1x16xi32>,
    %get3A_397 = vector.shape_cast %get3A_396 : vector<1x16xi32> to vector<16xi32>
    %swap3A_398 = arith.constant 0 : index
    %swap3A_399 = tpu.vector_load %arg8[%swap3A_398] {strides = array<i32>} : memref<16xi32, #tpu.memory_space<vmem>>, vector<16xi32>,
    %swap3A_400 = vector.shape_cast %swap3A_399 : vector<16xi32> to vector<16xi32>
    %swap3A_401 = vector.shape_cast %get3A_397 : vector<16xi32> to vector<16xi32>
    tpu.vector_store %arg8[%swap3A_398], %swap3A_401 {strides = array<i32>} : memref<16xi32, #tpu.memory_space<vmem>>, vector<16xi32>,
    %mul3A_402 = arith.constant 16 : i32
    %mul3A_403 = arith.muli %add3A, %mul3A_402 : i32
    %add3A_404 = arith.constant 512 : i32
    %add3A_405 = arith.addi %add3A_404, %mul3A_403 : i32
    "tpu.region"() ({
      %run_scoped3A = tpu.sem_alloc : memref<!tpu.dma_semaphore, #tpu.memory_space<semaphore_mem>>
      %dma_start3A_450 = tpu.memref_slice %arg3[%add3A_405] : memref<2048xf32, #tpu.memory_space<hbm>> -> memref<16xf32, #tpu.memory_space<hbm>>
      %dma_start3A_451 = tpu.memref_slice %arg3[%add3A_405] : memref<2048xf32, #tpu.memory_space<hbm>> -> memref<16xf32, #tpu.memory_space<hbm>>
      tpu.enqueue_dma source(%arg7 : memref<16xf32, #tpu.memory_space<vmem>>) target(%dma_start3A_451 : memref<16xf32, #tpu.memory_space<hbm>>) target_semaphore(%run_scoped3A : memref<!tpu.dma_semaphore, #tpu.memory_space<semaphore_mem>>)
      %dma_wait3A_452 = tpu.memref_slice %arg3[%add3A_405] : memref<2048xf32, #tpu.memory_space<hbm>> -> memref<16xf32, #tpu.memory_space<hbm>>
      %dma_wait3A_453 = tpu.memref_slice %arg3[%add3A_405] : memref<2048xf32, #tpu.memory_space<hbm>> -> memref<16xf32, #tpu.memory_space<hbm>>
      tpu.wait_dma2 semaphore(%run_scoped3A : memref<!tpu.dma_semaphore, #tpu.memory_space<semaphore_mem>>) src(%arg7 : memref<16xf32, #tpu.memory_space<vmem>>) dst(%dma_wait3A_453 : memref<16xf32, #tpu.memory_space<hbm>>)
      tpu.yield
    }) : () -> ()
    "tpu.region"() ({
      %run_scoped3A = tpu.sem_alloc : memref<!tpu.dma_semaphore, #tpu.memory_space<semaphore_mem>>
      %dma_start3A_450 = tpu.memref_slice %arg4[%add3A_405] : memref<2048xi32, #tpu.memory_space<hbm>> -> memref<16xi32, #tpu.memory_space<hbm>>
      %dma_start3A_451 = tpu.memref_slice %arg4[%add3A_405] : memref<2048xi32, #tpu.memory_space<hbm>> -> memref<16xi32, #tpu.memory_space<hbm>>
      tpu.enqueue_dma source(%arg8 : memref<16xi32, #tpu.memory_space<vmem>>) target(%dma_start3A_451 : memref<16xi32, #tpu.memory_space<hbm>>) target_semaphore(%run_scoped3A : memref<!tpu.dma_semaphore, #tpu.memory_space<semaphore_mem>>)
      %dma_wait3A_452 = tpu.memref_slice %arg4[%add3A_405] : memref<2048xi32, #tpu.memory_space<hbm>> -> memref<16xi32, #tpu.memory_space<hbm>>
      %dma_wait3A_453 = tpu.memref_slice %arg4[%add3A_405] : memref<2048xi32, #tpu.memory_space<hbm>> -> memref<16xi32, #tpu.memory_space<hbm>>
      tpu.wait_dma2 semaphore(%run_scoped3A : memref<!tpu.dma_semaphore, #tpu.memory_space<semaphore_mem>>) src(%arg8 : memref<16xi32, #tpu.memory_space<vmem>>) dst(%dma_wait3A_453 : memref<16xi32, #tpu.memory_space<hbm>>)
      tpu.yield
    }) : () -> ()
    %get3A_406 = arith.constant 2 : i32
    %get3A_407 = arith.index_cast %get3A_406 : i32 to index
    %get3A_408 = arith.constant 0 : index
    %get3A_409 = tpu.vector_load %arg11[%get3A_407, %get3A_408] {strides = array<i32>} : memref<4x16xf32, #tpu.memory_space<vmem>>, vector<1x16xf32>,
    %get3A_410 = vector.shape_cast %get3A_409 : vector<1x16xf32> to vector<16xf32>
    %swap3A_411 = arith.constant 0 : index
    %swap3A_412 = tpu.vector_load %arg7[%swap3A_411] {strides = array<i32>} : memref<16xf32, #tpu.memory_space<vmem>>, vector<16xf32>,
    %swap3A_413 = vector.shape_cast %swap3A_412 : vector<16xf32> to vector<16xf32>
    %swap3A_414 = vector.shape_cast %get3A_410 : vector<16xf32> to vector<16xf32>
    tpu.vector_store %arg7[%swap3A_411], %swap3A_414 {strides = array<i32>} : memref<16xf32, #tpu.memory_space<vmem>>, vector<16xf32>,
    %get3A_415 = arith.constant 2 : i32
    %get3A_416 = arith.index_cast %get3A_415 : i32 to index
    %get3A_417 = arith.constant 0 : index
    %get3A_418 = tpu.vector_load %arg12[%get3A_416, %get3A_417] {strides = array<i32>} : memref<4x16xi32, #tpu.memory_space<vmem>>, vector<1x16xi32>,
    %get3A_419 = vector.shape_cast %get3A_418 : vector<1x16xi32> to vector<16xi32>
    %swap3A_420 = arith.constant 0 : index
    %swap3A_421 = tpu.vector_load %arg8[%swap3A_420] {strides = array<i32>} : memref<16xi32, #tpu.memory_space<vmem>>, vector<16xi32>,
    %swap3A_422 = vector.shape_cast %swap3A_421 : vector<16xi32> to vector<16xi32>
    %swap3A_423 = vector.shape_cast %get3A_419 : vector<16xi32> to vector<16xi32>
    tpu.vector_store %arg8[%swap3A_420], %swap3A_423 {strides = array<i32>} : memref<16xi32, #tpu.memory_space<vmem>>, vector<16xi32>,
    %mul3A_424 = arith.constant 16 : i32
    %mul3A_425 = arith.muli %add3A, %mul3A_424 : i32
    %add3A_426 = arith.constant 1024 : i32
    %add3A_427 = arith.addi %add3A_426, %mul3A_425 : i32
    "tpu.region"() ({
      %run_scoped3A = tpu.sem_alloc : memref<!tpu.dma_semaphore, #tpu.memory_space<semaphore_mem>>
      %dma_start3A_450 = tpu.memref_slice %arg3[%add3A_427] : memref<2048xf32, #tpu.memory_space<hbm>> -> memref<16xf32, #tpu.memory_space<hbm>>
      %dma_start3A_451 = tpu.memref_slice %arg3[%add3A_427] : memref<2048xf32, #tpu.memory_space<hbm>> -> memref<16xf32, #tpu.memory_space<hbm>>
      tpu.enqueue_dma source(%arg7 : memref<16xf32, #tpu.memory_space<vmem>>) target(%dma_start3A_451 : memref<16xf32, #tpu.memory_space<hbm>>) target_semaphore(%run_scoped3A : memref<!tpu.dma_semaphore, #tpu.memory_space<semaphore_mem>>)
      %dma_wait3A_452 = tpu.memref_slice %arg3[%add3A_427] : memref<2048xf32, #tpu.memory_space<hbm>> -> memref<16xf32, #tpu.memory_space<hbm>>
      %dma_wait3A_453 = tpu.memref_slice %arg3[%add3A_427] : memref<2048xf32, #tpu.memory_space<hbm>> -> memref<16xf32, #tpu.memory_space<hbm>>
      tpu.wait_dma2 semaphore(%run_scoped3A : memref<!tpu.dma_semaphore, #tpu.memory_space<semaphore_mem>>) src(%arg7 : memref<16xf32, #tpu.memory_space<vmem>>) dst(%dma_wait3A_453 : memref<16xf32, #tpu.memory_space<hbm>>)
      tpu.yield
    }) : () -> ()
    "tpu.region"() ({
      %run_scoped3A = tpu.sem_alloc : memref<!tpu.dma_semaphore, #tpu.memory_space<semaphore_mem>>
      %dma_start3A_450 = tpu.memref_slice %arg4[%add3A_427] : memref<2048xi32, #tpu.memory_space<hbm>> -> memref<16xi32, #tpu.memory_space<hbm>>
      %dma_start3A_451 = tpu.memref_slice %arg4[%add3A_427] : memref<2048xi32, #tpu.memory_space<hbm>> -> memref<16xi32, #tpu.memory_space<hbm>>
      tpu.enqueue_dma source(%arg8 : memref<16xi32, #tpu.memory_space<vmem>>) target(%dma_start3A_451 : memref<16xi32, #tpu.memory_space<hbm>>) target_semaphore(%run_scoped3A : memref<!tpu.dma_semaphore, #tpu.memory_space<semaphore_mem>>)
      %dma_wait3A_452 = tpu.memref_slice %arg4[%add3A_427] : memref<2048xi32, #tpu.memory_space<hbm>> -> memref<16xi32, #tpu.memory_space<hbm>>
      %dma_wait3A_453 = tpu.memref_slice %arg4[%add3A_427] : memref<2048xi32, #tpu.memory_space<hbm>> -> memref<16xi32, #tpu.memory_space<hbm>>
      tpu.wait_dma2 semaphore(%run_scoped3A : memref<!tpu.dma_semaphore, #tpu.memory_space<semaphore_mem>>) src(%arg8 : memref<16xi32, #tpu.memory_space<vmem>>) dst(%dma_wait3A_453 : memref<16xi32, #tpu.memory_space<hbm>>)
      tpu.yield
    }) : () -> ()
    %get3A_428 = arith.constant 3 : i32
    %get3A_429 = arith.index_cast %get3A_428 : i32 to index
    %get3A_430 = arith.constant 0 : index
    %get3A_431 = tpu.vector_load %arg11[%get3A_429, %get3A_430] {strides = array<i32>} : memref<4x16xf32, #tpu.memory_space<vmem>>, vector<1x16xf32>,
    %get3A_432 = vector.shape_cast %get3A_431 : vector<1x16xf32> to vector<16xf32>
    %swap3A_433 = arith.constant 0 : index
    %swap3A_434 = tpu.vector_load %arg7[%swap3A_433] {strides = array<i32>} : memref<16xf32, #tpu.memory_space<vmem>>, vector<16xf32>,
    %swap3A_435 = vector.shape_cast %swap3A_434 : vector<16xf32> to vector<16xf32>
    %swap3A_436 = vector.shape_cast %get3A_432 : vector<16xf32> to vector<16xf32>
    tpu.vector_store %arg7[%swap3A_433], %swap3A_436 {strides = array<i32>} : memref<16xf32, #tpu.memory_space<vmem>>, vector<16xf32>,
    %get3A_437 = arith.constant 3 : i32
    %get3A_438 = arith.index_cast %get3A_437 : i32 to index
    %get3A_439 = arith.constant 0 : index
    %get3A_440 = tpu.vector_load %arg12[%get3A_438, %get3A_439] {strides = array<i32>} : memref<4x16xi32, #tpu.memory_space<vmem>>, vector<1x16xi32>,
    %get3A_441 = vector.shape_cast %get3A_440 : vector<1x16xi32> to vector<16xi32>
    %swap3A_442 = arith.constant 0 : index
    %swap3A_443 = tpu.vector_load %arg8[%swap3A_442] {strides = array<i32>} : memref<16xi32, #tpu.memory_space<vmem>>, vector<16xi32>,
    %swap3A_444 = vector.shape_cast %swap3A_443 : vector<16xi32> to vector<16xi32>
    %swap3A_445 = vector.shape_cast %get3A_441 : vector<16xi32> to vector<16xi32>
    tpu.vector_store %arg8[%swap3A_442], %swap3A_445 {strides = array<i32>} : memref<16xi32, #tpu.memory_space<vmem>>, vector<16xi32>,
    %mul3A_446 = arith.constant 16 : i32
    %mul3A_447 = arith.muli %add3A, %mul3A_446 : i32
    %add3A_448 = arith.constant 1536 : i32
    %add3A_449 = arith.addi %add3A_448, %mul3A_447 : i32
    "tpu.region"() ({
      %run_scoped3A = tpu.sem_alloc : memref<!tpu.dma_semaphore, #tpu.memory_space<semaphore_mem>>
      %dma_start3A_450 = tpu.memref_slice %arg3[%add3A_449] : memref<2048xf32, #tpu.memory_space<hbm>> -> memref<16xf32, #tpu.memory_space<hbm>>
      %dma_start3A_451 = tpu.memref_slice %arg3[%add3A_449] : memref<2048xf32, #tpu.memory_space<hbm>> -> memref<16xf32, #tpu.memory_space<hbm>>
      tpu.enqueue_dma source(%arg7 : memref<16xf32, #tpu.memory_space<vmem>>) target(%dma_start3A_451 : memref<16xf32, #tpu.memory_space<hbm>>) target_semaphore(%run_scoped3A : memref<!tpu.dma_semaphore, #tpu.memory_space<semaphore_mem>>)
      %dma_wait3A_452 = tpu.memref_slice %arg3[%add3A_449] : memref<2048xf32, #tpu.memory_space<hbm>> -> memref<16xf32, #tpu.memory_space<hbm>>
      %dma_wait3A_453 = tpu.memref_slice %arg3[%add3A_449] : memref<2048xf32, #tpu.memory_space<hbm>> -> memref<16xf32, #tpu.memory_space<hbm>>
      tpu.wait_dma2 semaphore(%run_scoped3A : memref<!tpu.dma_semaphore, #tpu.memory_space<semaphore_mem>>) src(%arg7 : memref<16xf32, #tpu.memory_space<vmem>>) dst(%dma_wait3A_453 : memref<16xf32, #tpu.memory_space<hbm>>)
      tpu.yield
    }) : () -> ()
    "tpu.region"() ({
      %run_scoped3A = tpu.sem_alloc : memref<!tpu.dma_semaphore, #tpu.memory_space<semaphore_mem>>
      %dma_start3A_450 = tpu.memref_slice %arg4[%add3A_449] : memref<2048xi32, #tpu.memory_space<hbm>> -> memref<16xi32, #tpu.memory_space<hbm>>
      %dma_start3A_451 = tpu.memref_slice %arg4[%add3A_449] : memref<2048xi32, #tpu.memory_space<hbm>> -> memref<16xi32, #tpu.memory_space<hbm>>
      tpu.enqueue_dma source(%arg8 : memref<16xi32, #tpu.memory_space<vmem>>) target(%dma_start3A_451 : memref<16xi32, #tpu.memory_space<hbm>>) target_semaphore(%run_scoped3A : memref<!tpu.dma_semaphore, #tpu.memory_space<semaphore_mem>>)
      %dma_wait3A_452 = tpu.memref_slice %arg4[%add3A_449] : memref<2048xi32, #tpu.memory_space<hbm>> -> memref<16xi32, #tpu.memory_space<hbm>>
      %dma_wait3A_453 = tpu.memref_slice %arg4[%add3A_449] : memref<2048xi32, #tpu.memory_space<hbm>> -> memref<16xi32, #tpu.memory_space<hbm>>
      tpu.wait_dma2 semaphore(%run_scoped3A : memref<!tpu.dma_semaphore, #tpu.memory_space<semaphore_mem>>) src(%arg8 : memref<16xi32, #tpu.memory_space<vmem>>) dst(%dma_wait3A_453 : memref<16xi32, #tpu.memory_space<hbm>>)
      tpu.yield
    }) : () -> ()
    return
  }
}

module attributes {stable_mosaic.version = 14 : i64} {
  func.func @_finalize_body(%arg0: memref<16x128xf32, #tpu.memory_space<vmem>>, %arg1: memref<16x128xi32, #tpu.memory_space<vmem>>, %arg2: memref<43520x128xf32, #tpu.memory_space<any>>, %arg3: memref<43520x128xf32, #tpu.memory_space<any>>, %arg4: memref<43520x128xf32, #tpu.memory_space<any>>, %arg5: memref<4xi32, #tpu.memory_space<smem>>, %arg6: memref<4x128x128xf32, #tpu.memory_space<vmem>>, %arg7: memref<1x128xf32, #tpu.memory_space<vmem>>, %arg8: memref<!tpu.dma_semaphore, #tpu.memory_space<semaphore_mem>>, %arg9: memref<!tpu.dma_semaphore, #tpu.memory_space<semaphore_mem>>, %arg10: memref<!tpu.dma_semaphore, #tpu.memory_space<semaphore_mem>>, %arg11: memref<!tpu.dma_semaphore, #tpu.memory_space<semaphore_mem>>, %arg12: memref<!tpu.dma_semaphore, #tpu.memory_space<semaphore_mem>>) attributes {dimension_semantics = [], scalar_prefetch = 0 : i64, scratch_operands = 7 : i64, tpu.core_type = #tpu.core_type<tc>} {
    %iota3A = tpu.iota {dimensions = array<i32: 0>} : vector<128x128xi32>
    %iota3A_0 = tpu.iota {dimensions = array<i32: 1>} : vector<128x128xi32>
    %iota3A_1 = tpu.iota {dimensions = array<i32: 1>} : vector<1x128xi32>
    %get3A = arith.constant 0 : index
    %get3A_2 = arith.constant 0 : index
    %get3A_3 = vector.load %arg0[%get3A, %get3A_2] : memref<16x128xf32, #tpu.memory_space<vmem>>, vector<4x128xf32>
    %get3A_4 = arith.constant 0 : index
    %get3A_5 = arith.constant 0 : index
    %get3A_6 = vector.load %arg1[%get3A_4, %get3A_5] : memref<16x128xi32, #tpu.memory_space<vmem>>, vector<4x128xi32>
    %reduce_max3A = vector.shape_cast %get3A_3 : vector<4x128xf32> to vector<1x4x128xf32>
    %reduce_max3A_7 = arith.constant dense<0xFF800000> : vector<1xf32>
    %reduce_max3A_8 = vector.multi_reduction <maximumf>, %reduce_max3A, %reduce_max3A_7 [1, 2] : vector<1x4x128xf32> to vector<1xf32>
    %reduce_max3A_9 = vector.shape_cast %reduce_max3A_8 : vector<1xf32> to vector<1x1x1xf32>
    %reduce_max3A_10 = vector.extract %reduce_max3A_9[0, 0, 0] : f32 from vector<1x1x1xf32>
    %eq3A = vector.broadcast %reduce_max3A_10 : f32 to vector<4x128xf32>
    %eq3A_11 = arith.cmpf oeq, %get3A_3, %eq3A : vector<4x128xf32>
    %jit3A = arith.constant 1073741824 : i32
    %broadcast_in_dim3A = vector.broadcast %jit3A : i32 to vector<4x128xi32>
    %select_n3A = arith.select %eq3A_11, %get3A_6, %broadcast_in_dim3A : vector<4x128xi1>, vector<4x128xi32>
    %reduce_min3A = vector.shape_cast %select_n3A : vector<4x128xi32> to vector<1x4x128xi32>
    %reduce_min3A_12 = arith.constant dense<2147483647> : vector<1xi32>
    %reduce_min3A_13 = vector.multi_reduction <minsi>, %reduce_min3A, %reduce_min3A_12 [1, 2] : vector<1x4x128xi32> to vector<1xi32>
    %reduce_min3A_14 = vector.shape_cast %reduce_min3A_13 : vector<1xi32> to vector<1x1x1xi32>
    %reduce_min3A_15 = vector.extract %reduce_min3A_14[0, 0, 0] : i32 from vector<1x1x1xi32>
    %mul3A = arith.constant 128 : i32
    %mul3A_16 = arith.muli %reduce_min3A_15, %mul3A : i32
    %dma_start3A = arith.constant 0 : i32
    %dma_start3A_17 = arith.constant 0 : i32
    %dma_start3A_18 = arith.constant 0 : i32
    %dma_start3A_19 = tpu.memref_slice %arg6[%dma_start3A, %dma_start3A_17, %dma_start3A_18] : memref<4x128x128xf32, #tpu.memory_space<vmem>> -> memref<1x128x128xf32, #tpu.memory_space<vmem>>
    %dma_start3A_20 = tpu.memref_squeeze %dma_start3A_19 : memref<1x128x128xf32, #tpu.memory_space<vmem>> -> memref<128x128xf32, #tpu.memory_space<vmem>>
    %dma_start3A_21 = arith.constant 0 : i32
    %dma_start3A_22 = tpu.memref_slice %arg2[%mul3A_16, %dma_start3A_21] : memref<43520x128xf32, #tpu.memory_space<any>> -> memref<128x128xf32, #tpu.memory_space<any>>
    tpu.enqueue_dma source(%dma_start3A_22 : memref<128x128xf32, #tpu.memory_space<any>>) target(%dma_start3A_20 : memref<128x128xf32, #tpu.memory_space<vmem>>) target_semaphore(%arg8 : memref<!tpu.dma_semaphore, #tpu.memory_space<semaphore_mem>>)
    %get3A_23 = arith.constant 4 : index
    %get3A_24 = arith.constant 0 : index
    %get3A_25 = vector.load %arg0[%get3A_23, %get3A_24] : memref<16x128xf32, #tpu.memory_space<vmem>>, vector<4x128xf32>
    %get3A_26 = arith.constant 4 : index
    %get3A_27 = arith.constant 0 : index
    %get3A_28 = vector.load %arg1[%get3A_26, %get3A_27] : memref<16x128xi32, #tpu.memory_space<vmem>>, vector<4x128xi32>
    %reduce_max3A_29 = vector.shape_cast %get3A_25 : vector<4x128xf32> to vector<1x4x128xf32>
    %reduce_max3A_30 = arith.constant dense<0xFF800000> : vector<1xf32>
    %reduce_max3A_31 = vector.multi_reduction <maximumf>, %reduce_max3A_29, %reduce_max3A_30 [1, 2] : vector<1x4x128xf32> to vector<1xf32>
    %reduce_max3A_32 = vector.shape_cast %reduce_max3A_31 : vector<1xf32> to vector<1x1x1xf32>
    %reduce_max3A_33 = vector.extract %reduce_max3A_32[0, 0, 0] : f32 from vector<1x1x1xf32>
    %eq3A_34 = vector.broadcast %reduce_max3A_33 : f32 to vector<4x128xf32>
    %eq3A_35 = arith.cmpf oeq, %get3A_25, %eq3A_34 : vector<4x128xf32>
    %jit3A_36 = arith.constant 1073741824 : i32
    %broadcast_in_dim3A_37 = vector.broadcast %jit3A_36 : i32 to vector<4x128xi32>
    %select_n3A_38 = arith.select %eq3A_35, %get3A_28, %broadcast_in_dim3A_37 : vector<4x128xi1>, vector<4x128xi32>
    %reduce_min3A_39 = vector.shape_cast %select_n3A_38 : vector<4x128xi32> to vector<1x4x128xi32>
    %reduce_min3A_40 = arith.constant dense<2147483647> : vector<1xi32>
    %reduce_min3A_41 = vector.multi_reduction <minsi>, %reduce_min3A_39, %reduce_min3A_40 [1, 2] : vector<1x4x128xi32> to vector<1xi32>
    %reduce_min3A_42 = vector.shape_cast %reduce_min3A_41 : vector<1xi32> to vector<1x1x1xi32>
    %reduce_min3A_43 = vector.extract %reduce_min3A_42[0, 0, 0] : i32 from vector<1x1x1xi32>
    %mul3A_44 = arith.constant 128 : i32
    %mul3A_45 = arith.muli %reduce_min3A_43, %mul3A_44 : i32
    %dma_start3A_46 = arith.constant 1 : i32
    %dma_start3A_47 = arith.constant 0 : i32
    %dma_start3A_48 = arith.constant 0 : i32
    %dma_start3A_49 = tpu.memref_slice %arg6[%dma_start3A_46, %dma_start3A_47, %dma_start3A_48] : memref<4x128x128xf32, #tpu.memory_space<vmem>> -> memref<1x128x128xf32, #tpu.memory_space<vmem>>
    %dma_start3A_50 = tpu.memref_squeeze %dma_start3A_49 : memref<1x128x128xf32, #tpu.memory_space<vmem>> -> memref<128x128xf32, #tpu.memory_space<vmem>>
    %dma_start3A_51 = arith.constant 0 : i32
    %dma_start3A_52 = tpu.memref_slice %arg2[%mul3A_45, %dma_start3A_51] : memref<43520x128xf32, #tpu.memory_space<any>> -> memref<128x128xf32, #tpu.memory_space<any>>
    tpu.enqueue_dma source(%dma_start3A_52 : memref<128x128xf32, #tpu.memory_space<any>>) target(%dma_start3A_50 : memref<128x128xf32, #tpu.memory_space<vmem>>) target_semaphore(%arg9 : memref<!tpu.dma_semaphore, #tpu.memory_space<semaphore_mem>>)
    %get3A_53 = arith.constant 8 : index
    %get3A_54 = arith.constant 0 : index
    %get3A_55 = vector.load %arg0[%get3A_53, %get3A_54] : memref<16x128xf32, #tpu.memory_space<vmem>>, vector<4x128xf32>
    %get3A_56 = arith.constant 8 : index
    %get3A_57 = arith.constant 0 : index
    %get3A_58 = vector.load %arg1[%get3A_56, %get3A_57] : memref<16x128xi32, #tpu.memory_space<vmem>>, vector<4x128xi32>
    %reduce_max3A_59 = vector.shape_cast %get3A_55 : vector<4x128xf32> to vector<1x4x128xf32>
    %reduce_max3A_60 = arith.constant dense<0xFF800000> : vector<1xf32>
    %reduce_max3A_61 = vector.multi_reduction <maximumf>, %reduce_max3A_59, %reduce_max3A_60 [1, 2] : vector<1x4x128xf32> to vector<1xf32>
    %reduce_max3A_62 = vector.shape_cast %reduce_max3A_61 : vector<1xf32> to vector<1x1x1xf32>
    %reduce_max3A_63 = vector.extract %reduce_max3A_62[0, 0, 0] : f32 from vector<1x1x1xf32>
    %eq3A_64 = vector.broadcast %reduce_max3A_63 : f32 to vector<4x128xf32>
    %eq3A_65 = arith.cmpf oeq, %get3A_55, %eq3A_64 : vector<4x128xf32>
    %jit3A_66 = arith.constant 1073741824 : i32
    %broadcast_in_dim3A_67 = vector.broadcast %jit3A_66 : i32 to vector<4x128xi32>
    %select_n3A_68 = arith.select %eq3A_65, %get3A_58, %broadcast_in_dim3A_67 : vector<4x128xi1>, vector<4x128xi32>
    %reduce_min3A_69 = vector.shape_cast %select_n3A_68 : vector<4x128xi32> to vector<1x4x128xi32>
    %reduce_min3A_70 = arith.constant dense<2147483647> : vector<1xi32>
    %reduce_min3A_71 = vector.multi_reduction <minsi>, %reduce_min3A_69, %reduce_min3A_70 [1, 2] : vector<1x4x128xi32> to vector<1xi32>
    %reduce_min3A_72 = vector.shape_cast %reduce_min3A_71 : vector<1xi32> to vector<1x1x1xi32>
    %reduce_min3A_73 = vector.extract %reduce_min3A_72[0, 0, 0] : i32 from vector<1x1x1xi32>
    %mul3A_74 = arith.constant 128 : i32
    %mul3A_75 = arith.muli %reduce_min3A_73, %mul3A_74 : i32
    %dma_start3A_76 = arith.constant 2 : i32
    %dma_start3A_77 = arith.constant 0 : i32
    %dma_start3A_78 = arith.constant 0 : i32
    %dma_start3A_79 = tpu.memref_slice %arg6[%dma_start3A_76, %dma_start3A_77, %dma_start3A_78] : memref<4x128x128xf32, #tpu.memory_space<vmem>> -> memref<1x128x128xf32, #tpu.memory_space<vmem>>
    %dma_start3A_80 = tpu.memref_squeeze %dma_start3A_79 : memref<1x128x128xf32, #tpu.memory_space<vmem>> -> memref<128x128xf32, #tpu.memory_space<vmem>>
    %dma_start3A_81 = arith.constant 0 : i32
    %dma_start3A_82 = tpu.memref_slice %arg2[%mul3A_75, %dma_start3A_81] : memref<43520x128xf32, #tpu.memory_space<any>> -> memref<128x128xf32, #tpu.memory_space<any>>
    tpu.enqueue_dma source(%dma_start3A_82 : memref<128x128xf32, #tpu.memory_space<any>>) target(%dma_start3A_80 : memref<128x128xf32, #tpu.memory_space<vmem>>) target_semaphore(%arg10 : memref<!tpu.dma_semaphore, #tpu.memory_space<semaphore_mem>>)
    %get3A_83 = arith.constant 12 : index
    %get3A_84 = arith.constant 0 : index
    %get3A_85 = vector.load %arg0[%get3A_83, %get3A_84] : memref<16x128xf32, #tpu.memory_space<vmem>>, vector<4x128xf32>
    %get3A_86 = arith.constant 12 : index
    %get3A_87 = arith.constant 0 : index
    %get3A_88 = vector.load %arg1[%get3A_86, %get3A_87] : memref<16x128xi32, #tpu.memory_space<vmem>>, vector<4x128xi32>
    %reduce_max3A_89 = vector.shape_cast %get3A_85 : vector<4x128xf32> to vector<1x4x128xf32>
    %reduce_max3A_90 = arith.constant dense<0xFF800000> : vector<1xf32>
    %reduce_max3A_91 = vector.multi_reduction <maximumf>, %reduce_max3A_89, %reduce_max3A_90 [1, 2] : vector<1x4x128xf32> to vector<1xf32>
    %reduce_max3A_92 = vector.shape_cast %reduce_max3A_91 : vector<1xf32> to vector<1x1x1xf32>
    %reduce_max3A_93 = vector.extract %reduce_max3A_92[0, 0, 0] : f32 from vector<1x1x1xf32>
    %eq3A_94 = vector.broadcast %reduce_max3A_93 : f32 to vector<4x128xf32>
    %eq3A_95 = arith.cmpf oeq, %get3A_85, %eq3A_94 : vector<4x128xf32>
    %jit3A_96 = arith.constant 1073741824 : i32
    %broadcast_in_dim3A_97 = vector.broadcast %jit3A_96 : i32 to vector<4x128xi32>
    %select_n3A_98 = arith.select %eq3A_95, %get3A_88, %broadcast_in_dim3A_97 : vector<4x128xi1>, vector<4x128xi32>
    %reduce_min3A_99 = vector.shape_cast %select_n3A_98 : vector<4x128xi32> to vector<1x4x128xi32>
    %reduce_min3A_100 = arith.constant dense<2147483647> : vector<1xi32>
    %reduce_min3A_101 = vector.multi_reduction <minsi>, %reduce_min3A_99, %reduce_min3A_100 [1, 2] : vector<1x4x128xi32> to vector<1xi32>
    %reduce_min3A_102 = vector.shape_cast %reduce_min3A_101 : vector<1xi32> to vector<1x1x1xi32>
    %reduce_min3A_103 = vector.extract %reduce_min3A_102[0, 0, 0] : i32 from vector<1x1x1xi32>
    %mul3A_104 = arith.constant 128 : i32
    %mul3A_105 = arith.muli %reduce_min3A_103, %mul3A_104 : i32
    %dma_start3A_106 = arith.constant 3 : i32
    %dma_start3A_107 = arith.constant 0 : i32
    %dma_start3A_108 = arith.constant 0 : i32
    %dma_start3A_109 = tpu.memref_slice %arg6[%dma_start3A_106, %dma_start3A_107, %dma_start3A_108] : memref<4x128x128xf32, #tpu.memory_space<vmem>> -> memref<1x128x128xf32, #tpu.memory_space<vmem>>
    %dma_start3A_110 = tpu.memref_squeeze %dma_start3A_109 : memref<1x128x128xf32, #tpu.memory_space<vmem>> -> memref<128x128xf32, #tpu.memory_space<vmem>>
    %dma_start3A_111 = arith.constant 0 : i32
    %dma_start3A_112 = tpu.memref_slice %arg2[%mul3A_105, %dma_start3A_111] : memref<43520x128xf32, #tpu.memory_space<any>> -> memref<128x128xf32, #tpu.memory_space<any>>
    tpu.enqueue_dma source(%dma_start3A_112 : memref<128x128xf32, #tpu.memory_space<any>>) target(%dma_start3A_110 : memref<128x128xf32, #tpu.memory_space<vmem>>) target_semaphore(%arg11 : memref<!tpu.dma_semaphore, #tpu.memory_space<semaphore_mem>>)
    %dma_wait3A = arith.constant 0 : i32
    %dma_wait3A_113 = arith.constant 0 : i32
    %dma_wait3A_114 = arith.constant 0 : i32
    %dma_wait3A_115 = tpu.memref_slice %arg6[%dma_wait3A, %dma_wait3A_113, %dma_wait3A_114] : memref<4x128x128xf32, #tpu.memory_space<vmem>> -> memref<1x128x128xf32, #tpu.memory_space<vmem>>
    %dma_wait3A_116 = tpu.memref_squeeze %dma_wait3A_115 : memref<1x128x128xf32, #tpu.memory_space<vmem>> -> memref<128x128xf32, #tpu.memory_space<vmem>>
    %dma_wait3A_117 = arith.constant 0 : i32
    %dma_wait3A_118 = tpu.memref_slice %arg2[%mul3A_16, %dma_wait3A_117] : memref<43520x128xf32, #tpu.memory_space<any>> -> memref<128x128xf32, #tpu.memory_space<any>>
    tpu.wait_dma2 semaphore(%arg8 : memref<!tpu.dma_semaphore, #tpu.memory_space<semaphore_mem>>) src(%dma_wait3A_118 : memref<128x128xf32, #tpu.memory_space<any>>) dst(%dma_wait3A_116 : memref<128x128xf32, #tpu.memory_space<vmem>>)
    %get3A_119 = arith.constant 0 : index
    %get3A_120 = arith.constant 0 : index
    %get3A_121 = arith.constant 0 : index
    %get3A_122 = vector.load %arg6[%get3A_119, %get3A_120, %get3A_121] : memref<4x128x128xf32, #tpu.memory_space<vmem>>, vector<1x128x128xf32>
    %get3A_123 = vector.shape_cast %get3A_122 : vector<1x128x128xf32> to vector<128x128xf32>
    %eq3A_124 = vector.broadcast %reduce_max3A_10 : f32 to vector<128x128xf32>
    %eq3A_125 = arith.cmpf oeq, %get3A_123, %eq3A_124 : vector<128x128xf32>
    %mul3A_126 = arith.constant 128 : i32
    %mul3A_127 = vector.broadcast %mul3A_126 : i32 to vector<128x128xi32>
    %mul3A_128 = arith.muli %iota3A, %mul3A_127 : vector<128x128xi32>
    %add3A = arith.addi %mul3A_128, %iota3A_0 : vector<128x128xi32>
    %jit3A_129 = arith.constant 1073741824 : i32
    %broadcast_in_dim3A_130 = vector.broadcast %jit3A_129 : i32 to vector<128x128xi32>
    %select_n3A_131 = arith.select %eq3A_125, %add3A, %broadcast_in_dim3A_130 : vector<128x128xi1>, vector<128x128xi32>
    %reduce_min3A_132 = vector.shape_cast %select_n3A_131 : vector<128x128xi32> to vector<1x128x128xi32>
    %reduce_min3A_133 = arith.constant dense<2147483647> : vector<1xi32>
    %reduce_min3A_134 = vector.multi_reduction <minsi>, %reduce_min3A_132, %reduce_min3A_133 [1, 2] : vector<1x128x128xi32> to vector<1xi32>
    %reduce_min3A_135 = vector.shape_cast %reduce_min3A_134 : vector<1xi32> to vector<1x1x1xi32>
    %reduce_min3A_136 = vector.extract %reduce_min3A_135[0, 0, 0] : i32 from vector<1x1x1xi32>
    %mul3A_137 = arith.constant 16384 : i32
    %mul3A_138 = arith.muli %reduce_min3A_15, %mul3A_137 : i32
    %add3A_139 = arith.addi %mul3A_138, %reduce_min3A_136 : i32
    %sub3A = arith.constant 0 : i32
    %sub3A_140 = arith.subi %add3A_139, %sub3A : i32
    %swap3A = arith.constant 0 : index
    %swap3A_141 = memref.load %arg5[%swap3A] : memref<4xi32, #tpu.memory_space<smem>>
    memref.store %sub3A_140, %arg5[%swap3A] : memref<4xi32, #tpu.memory_space<smem>>
    %jit3A_142 = arith.constant 128 : i32
    %div3A = arith.divsi %sub3A_140, %jit3A_142 : i32
    %sign3A = arith.constant 0 : i32
    %sign3A_143 = arith.cmpi sgt, %sub3A_140, %sign3A : i32
    %sign3A_144 = arith.extui %sign3A_143 : i1 to i32
    %sign3A_145 = arith.constant 0 : i32
    %sign3A_146 = arith.cmpi slt, %sub3A_140, %sign3A_145 : i32
    %sign3A_147 = arith.extui %sign3A_146 : i1 to i32
    %sign3A_148 = arith.subi %sign3A_144, %sign3A_147 : i32
    %sign3A_149 = arith.constant 0 : i32
    %sign3A_150 = arith.cmpi sgt, %jit3A_142, %sign3A_149 : i32
    %sign3A_151 = arith.extui %sign3A_150 : i1 to i32
    %sign3A_152 = arith.constant 0 : i32
    %sign3A_153 = arith.cmpi slt, %jit3A_142, %sign3A_152 : i32
    %sign3A_154 = arith.extui %sign3A_153 : i1 to i32
    %sign3A_155 = arith.subi %sign3A_151, %sign3A_154 : i32
    %ne3A = arith.cmpi ne, %sign3A_148, %sign3A_155 : i32
    %rem3A = arith.remsi %sub3A_140, %jit3A_142 : i32
    %ne3A_156 = arith.constant 0 : i32
    %ne3A_157 = arith.cmpi ne, %rem3A, %ne3A_156 : i32
    %and3A = arith.andi %ne3A, %ne3A_157 : i1
    %sub3A_158 = arith.constant 1 : i32
    %sub3A_159 = arith.subi %div3A, %sub3A_158 : i32
    %select_n3A_160 = arith.select %and3A, %sub3A_159, %div3A : i32
    %jit3A_161 = arith.constant 128 : i32
    %eq3A_162 = arith.constant 0 : i32
    %eq3A_163 = arith.cmpi eq, %jit3A_161, %eq3A_162 : i32
    %jit3A_164 = arith.constant 1 : i32
    %select_n3A_165 = arith.select %eq3A_163, %jit3A_164, %jit3A_161 : i32
    %rem3A_166 = arith.remsi %sub3A_140, %select_n3A_165 : i32
    %ne3A_167 = arith.constant 0 : i32
    %ne3A_168 = arith.cmpi ne, %rem3A_166, %ne3A_167 : i32
    %lt3A = arith.constant 0 : i32
    %lt3A_169 = arith.cmpi slt, %rem3A_166, %lt3A : i32
    %lt3A_170 = arith.constant 0 : i32
    %lt3A_171 = arith.cmpi slt, %select_n3A_165, %lt3A_170 : i32
    %ne3A_172 = arith.xori %lt3A_169, %lt3A_171 : i1
    %and3A_173 = arith.andi %ne3A_172, %ne3A_168 : i1
    %add3A_174 = arith.addi %rem3A_166, %select_n3A_165 : i32
    %select_n3A_175 = arith.select %and3A_173, %add3A_174, %rem3A_166 : i32
    %dma_start3A_176 = arith.constant 0 : i32
    %dma_start3A_177 = tpu.memref_slice %arg4[%select_n3A_160, %dma_start3A_176] : memref<43520x128xf32, #tpu.memory_space<any>> -> memref<1x128xf32, #tpu.memory_space<any>>
    tpu.enqueue_dma source(%dma_start3A_177 : memref<1x128xf32, #tpu.memory_space<any>>) target(%arg7 : memref<1x128xf32, #tpu.memory_space<vmem>>) target_semaphore(%arg12 : memref<!tpu.dma_semaphore, #tpu.memory_space<semaphore_mem>>)
    %dma_wait3A_178 = arith.constant 0 : i32
    %dma_wait3A_179 = tpu.memref_slice %arg4[%select_n3A_160, %dma_wait3A_178] : memref<43520x128xf32, #tpu.memory_space<any>> -> memref<1x128xf32, #tpu.memory_space<any>>
    tpu.wait_dma2 semaphore(%arg12 : memref<!tpu.dma_semaphore, #tpu.memory_space<semaphore_mem>>) src(%dma_wait3A_179 : memref<1x128xf32, #tpu.memory_space<any>>) dst(%arg7 : memref<1x128xf32, #tpu.memory_space<vmem>>)
    %eq3A_180 = vector.broadcast %select_n3A_175 : i32 to vector<1x128xi32>
    %eq3A_181 = arith.cmpi eq, %iota3A_1, %eq3A_180 : vector<1x128xi32>
    %get3A_182 = arith.constant 0 : index
    %get3A_183 = arith.constant 0 : index
    %get3A_184 = vector.load %arg7[%get3A_182, %get3A_183] : memref<1x128xf32, #tpu.memory_space<vmem>>, vector<1x128xf32>
    %jit3A_185 = arith.constant 1.000000e+00 : f32
    %broadcast_in_dim3A_186 = vector.broadcast %jit3A_185 : f32 to vector<1x128xf32>
    %select_n3A_187 = arith.select %eq3A_181, %broadcast_in_dim3A_186, %get3A_184 : vector<1x128xi1>, vector<1x128xf32>
    %swap3A_188 = arith.constant 0 : index
    %swap3A_189 = arith.constant 0 : index
    %swap3A_190 = vector.load %arg7[%swap3A_188, %swap3A_189] : memref<1x128xf32, #tpu.memory_space<vmem>>, vector<1x128xf32>
    tpu.vector_store %arg7[%swap3A_188, %swap3A_189], %select_n3A_187 {strides = array<i32>} : memref<1x128xf32, #tpu.memory_space<vmem>>, vector<1x128xf32>,
    %dma_start3A_191 = arith.constant 0 : i32
    %dma_start3A_192 = tpu.memref_slice %arg4[%select_n3A_160, %dma_start3A_191] : memref<43520x128xf32, #tpu.memory_space<any>> -> memref<1x128xf32, #tpu.memory_space<any>>
    tpu.enqueue_dma source(%arg7 : memref<1x128xf32, #tpu.memory_space<vmem>>) target(%dma_start3A_192 : memref<1x128xf32, #tpu.memory_space<any>>) target_semaphore(%arg12 : memref<!tpu.dma_semaphore, #tpu.memory_space<semaphore_mem>>)
    %dma_wait3A_193 = arith.constant 0 : i32
    %dma_wait3A_194 = tpu.memref_slice %arg4[%select_n3A_160, %dma_wait3A_193] : memref<43520x128xf32, #tpu.memory_space<any>> -> memref<1x128xf32, #tpu.memory_space<any>>
    tpu.wait_dma2 semaphore(%arg12 : memref<!tpu.dma_semaphore, #tpu.memory_space<semaphore_mem>>) src(%arg7 : memref<1x128xf32, #tpu.memory_space<vmem>>) dst(%dma_wait3A_194 : memref<1x128xf32, #tpu.memory_space<any>>)
    %dma_wait3A_195 = arith.constant 1 : i32
    %dma_wait3A_196 = arith.constant 0 : i32
    %dma_wait3A_197 = arith.constant 0 : i32
    %dma_wait3A_198 = tpu.memref_slice %arg6[%dma_wait3A_195, %dma_wait3A_196, %dma_wait3A_197] : memref<4x128x128xf32, #tpu.memory_space<vmem>> -> memref<1x128x128xf32, #tpu.memory_space<vmem>>
    %dma_wait3A_199 = tpu.memref_squeeze %dma_wait3A_198 : memref<1x128x128xf32, #tpu.memory_space<vmem>> -> memref<128x128xf32, #tpu.memory_space<vmem>>
    %dma_wait3A_200 = arith.constant 0 : i32
    %dma_wait3A_201 = tpu.memref_slice %arg2[%mul3A_45, %dma_wait3A_200] : memref<43520x128xf32, #tpu.memory_space<any>> -> memref<128x128xf32, #tpu.memory_space<any>>
    tpu.wait_dma2 semaphore(%arg9 : memref<!tpu.dma_semaphore, #tpu.memory_space<semaphore_mem>>) src(%dma_wait3A_201 : memref<128x128xf32, #tpu.memory_space<any>>) dst(%dma_wait3A_199 : memref<128x128xf32, #tpu.memory_space<vmem>>)
    %get3A_202 = arith.constant 1 : index
    %get3A_203 = arith.constant 0 : index
    %get3A_204 = arith.constant 0 : index
    %get3A_205 = vector.load %arg6[%get3A_202, %get3A_203, %get3A_204] : memref<4x128x128xf32, #tpu.memory_space<vmem>>, vector<1x128x128xf32>
    %get3A_206 = vector.shape_cast %get3A_205 : vector<1x128x128xf32> to vector<128x128xf32>
    %eq3A_207 = vector.broadcast %reduce_max3A_33 : f32 to vector<128x128xf32>
    %eq3A_208 = arith.cmpf oeq, %get3A_206, %eq3A_207 : vector<128x128xf32>
    %mul3A_209 = arith.constant 128 : i32
    %mul3A_210 = vector.broadcast %mul3A_209 : i32 to vector<128x128xi32>
    %mul3A_211 = arith.muli %iota3A, %mul3A_210 : vector<128x128xi32>
    %add3A_212 = arith.addi %mul3A_211, %iota3A_0 : vector<128x128xi32>
    %jit3A_213 = arith.constant 1073741824 : i32
    %broadcast_in_dim3A_214 = vector.broadcast %jit3A_213 : i32 to vector<128x128xi32>
    %select_n3A_215 = arith.select %eq3A_208, %add3A_212, %broadcast_in_dim3A_214 : vector<128x128xi1>, vector<128x128xi32>
    %reduce_min3A_216 = vector.shape_cast %select_n3A_215 : vector<128x128xi32> to vector<1x128x128xi32>
    %reduce_min3A_217 = arith.constant dense<2147483647> : vector<1xi32>
    %reduce_min3A_218 = vector.multi_reduction <minsi>, %reduce_min3A_216, %reduce_min3A_217 [1, 2] : vector<1x128x128xi32> to vector<1xi32>
    %reduce_min3A_219 = vector.shape_cast %reduce_min3A_218 : vector<1xi32> to vector<1x1x1xi32>
    %reduce_min3A_220 = vector.extract %reduce_min3A_219[0, 0, 0] : i32 from vector<1x1x1xi32>
    %mul3A_221 = arith.constant 16384 : i32
    %mul3A_222 = arith.muli %reduce_min3A_43, %mul3A_221 : i32
    %add3A_223 = arith.addi %mul3A_222, %reduce_min3A_220 : i32
    %sub3A_224 = arith.constant 65536 : i32
    %sub3A_225 = arith.subi %add3A_223, %sub3A_224 : i32
    %swap3A_226 = arith.constant 1 : index
    %swap3A_227 = memref.load %arg5[%swap3A_226] : memref<4xi32, #tpu.memory_space<smem>>
    memref.store %sub3A_225, %arg5[%swap3A_226] : memref<4xi32, #tpu.memory_space<smem>>
    %jit3A_228 = arith.constant 128 : i32
    %div3A_229 = arith.divsi %sub3A_225, %jit3A_228 : i32
    %sign3A_230 = arith.constant 0 : i32
    %sign3A_231 = arith.cmpi sgt, %sub3A_225, %sign3A_230 : i32
    %sign3A_232 = arith.extui %sign3A_231 : i1 to i32
    %sign3A_233 = arith.constant 0 : i32
    %sign3A_234 = arith.cmpi slt, %sub3A_225, %sign3A_233 : i32
    %sign3A_235 = arith.extui %sign3A_234 : i1 to i32
    %sign3A_236 = arith.subi %sign3A_232, %sign3A_235 : i32
    %sign3A_237 = arith.constant 0 : i32
    %sign3A_238 = arith.cmpi sgt, %jit3A_228, %sign3A_237 : i32
    %sign3A_239 = arith.extui %sign3A_238 : i1 to i32
    %sign3A_240 = arith.constant 0 : i32
    %sign3A_241 = arith.cmpi slt, %jit3A_228, %sign3A_240 : i32
    %sign3A_242 = arith.extui %sign3A_241 : i1 to i32
    %sign3A_243 = arith.subi %sign3A_239, %sign3A_242 : i32
    %ne3A_244 = arith.cmpi ne, %sign3A_236, %sign3A_243 : i32
    %rem3A_245 = arith.remsi %sub3A_225, %jit3A_228 : i32
    %ne3A_246 = arith.constant 0 : i32
    %ne3A_247 = arith.cmpi ne, %rem3A_245, %ne3A_246 : i32
    %and3A_248 = arith.andi %ne3A_244, %ne3A_247 : i1
    %sub3A_249 = arith.constant 1 : i32
    %sub3A_250 = arith.subi %div3A_229, %sub3A_249 : i32
    %select_n3A_251 = arith.select %and3A_248, %sub3A_250, %div3A_229 : i32
    %jit3A_252 = arith.constant 128 : i32
    %eq3A_253 = arith.constant 0 : i32
    %eq3A_254 = arith.cmpi eq, %jit3A_252, %eq3A_253 : i32
    %jit3A_255 = arith.constant 1 : i32
    %select_n3A_256 = arith.select %eq3A_254, %jit3A_255, %jit3A_252 : i32
    %rem3A_257 = arith.remsi %sub3A_225, %select_n3A_256 : i32
    %ne3A_258 = arith.constant 0 : i32
    %ne3A_259 = arith.cmpi ne, %rem3A_257, %ne3A_258 : i32
    %lt3A_260 = arith.constant 0 : i32
    %lt3A_261 = arith.cmpi slt, %rem3A_257, %lt3A_260 : i32
    %lt3A_262 = arith.constant 0 : i32
    %lt3A_263 = arith.cmpi slt, %select_n3A_256, %lt3A_262 : i32
    %ne3A_264 = arith.xori %lt3A_261, %lt3A_263 : i1
    %and3A_265 = arith.andi %ne3A_264, %ne3A_259 : i1
    %add3A_266 = arith.addi %rem3A_257, %select_n3A_256 : i32
    %select_n3A_267 = arith.select %and3A_265, %add3A_266, %rem3A_257 : i32
    %dma_start3A_268 = arith.constant 0 : i32
    %dma_start3A_269 = tpu.memref_slice %arg4[%select_n3A_251, %dma_start3A_268] : memref<43520x128xf32, #tpu.memory_space<any>> -> memref<1x128xf32, #tpu.memory_space<any>>
    tpu.enqueue_dma source(%dma_start3A_269 : memref<1x128xf32, #tpu.memory_space<any>>) target(%arg7 : memref<1x128xf32, #tpu.memory_space<vmem>>) target_semaphore(%arg12 : memref<!tpu.dma_semaphore, #tpu.memory_space<semaphore_mem>>)
    %dma_wait3A_270 = arith.constant 0 : i32
    %dma_wait3A_271 = tpu.memref_slice %arg4[%select_n3A_251, %dma_wait3A_270] : memref<43520x128xf32, #tpu.memory_space<any>> -> memref<1x128xf32, #tpu.memory_space<any>>
    tpu.wait_dma2 semaphore(%arg12 : memref<!tpu.dma_semaphore, #tpu.memory_space<semaphore_mem>>) src(%dma_wait3A_271 : memref<1x128xf32, #tpu.memory_space<any>>) dst(%arg7 : memref<1x128xf32, #tpu.memory_space<vmem>>)
    %eq3A_272 = vector.broadcast %select_n3A_267 : i32 to vector<1x128xi32>
    %eq3A_273 = arith.cmpi eq, %iota3A_1, %eq3A_272 : vector<1x128xi32>
    %get3A_274 = arith.constant 0 : index
    %get3A_275 = arith.constant 0 : index
    %get3A_276 = vector.load %arg7[%get3A_274, %get3A_275] : memref<1x128xf32, #tpu.memory_space<vmem>>, vector<1x128xf32>
    %jit3A_277 = arith.constant 1.000000e+00 : f32
    %broadcast_in_dim3A_278 = vector.broadcast %jit3A_277 : f32 to vector<1x128xf32>
    %select_n3A_279 = arith.select %eq3A_273, %broadcast_in_dim3A_278, %get3A_276 : vector<1x128xi1>, vector<1x128xf32>
    %swap3A_280 = arith.constant 0 : index
    %swap3A_281 = arith.constant 0 : index
    %swap3A_282 = vector.load %arg7[%swap3A_280, %swap3A_281] : memref<1x128xf32, #tpu.memory_space<vmem>>, vector<1x128xf32>
    tpu.vector_store %arg7[%swap3A_280, %swap3A_281], %select_n3A_279 {strides = array<i32>} : memref<1x128xf32, #tpu.memory_space<vmem>>, vector<1x128xf32>,
    %dma_start3A_283 = arith.constant 0 : i32
    %dma_start3A_284 = tpu.memref_slice %arg4[%select_n3A_251, %dma_start3A_283] : memref<43520x128xf32, #tpu.memory_space<any>> -> memref<1x128xf32, #tpu.memory_space<any>>
    tpu.enqueue_dma source(%arg7 : memref<1x128xf32, #tpu.memory_space<vmem>>) target(%dma_start3A_284 : memref<1x128xf32, #tpu.memory_space<any>>) target_semaphore(%arg12 : memref<!tpu.dma_semaphore, #tpu.memory_space<semaphore_mem>>)
    %dma_wait3A_285 = arith.constant 0 : i32
    %dma_wait3A_286 = tpu.memref_slice %arg4[%select_n3A_251, %dma_wait3A_285] : memref<43520x128xf32, #tpu.memory_space<any>> -> memref<1x128xf32, #tpu.memory_space<any>>
    tpu.wait_dma2 semaphore(%arg12 : memref<!tpu.dma_semaphore, #tpu.memory_space<semaphore_mem>>) src(%arg7 : memref<1x128xf32, #tpu.memory_space<vmem>>) dst(%dma_wait3A_286 : memref<1x128xf32, #tpu.memory_space<any>>)
    %dma_wait3A_287 = arith.constant 2 : i32
    %dma_wait3A_288 = arith.constant 0 : i32
    %dma_wait3A_289 = arith.constant 0 : i32
    %dma_wait3A_290 = tpu.memref_slice %arg6[%dma_wait3A_287, %dma_wait3A_288, %dma_wait3A_289] : memref<4x128x128xf32, #tpu.memory_space<vmem>> -> memref<1x128x128xf32, #tpu.memory_space<vmem>>
    %dma_wait3A_291 = tpu.memref_squeeze %dma_wait3A_290 : memref<1x128x128xf32, #tpu.memory_space<vmem>> -> memref<128x128xf32, #tpu.memory_space<vmem>>
    %dma_wait3A_292 = arith.constant 0 : i32
    %dma_wait3A_293 = tpu.memref_slice %arg2[%mul3A_75, %dma_wait3A_292] : memref<43520x128xf32, #tpu.memory_space<any>> -> memref<128x128xf32, #tpu.memory_space<any>>
    tpu.wait_dma2 semaphore(%arg10 : memref<!tpu.dma_semaphore, #tpu.memory_space<semaphore_mem>>) src(%dma_wait3A_293 : memref<128x128xf32, #tpu.memory_space<any>>) dst(%dma_wait3A_291 : memref<128x128xf32, #tpu.memory_space<vmem>>)
    %get3A_294 = arith.constant 2 : index
    %get3A_295 = arith.constant 0 : index
    %get3A_296 = arith.constant 0 : index
    %get3A_297 = vector.load %arg6[%get3A_294, %get3A_295, %get3A_296] : memref<4x128x128xf32, #tpu.memory_space<vmem>>, vector<1x128x128xf32>
    %get3A_298 = vector.shape_cast %get3A_297 : vector<1x128x128xf32> to vector<128x128xf32>
    %eq3A_299 = vector.broadcast %reduce_max3A_63 : f32 to vector<128x128xf32>
    %eq3A_300 = arith.cmpf oeq, %get3A_298, %eq3A_299 : vector<128x128xf32>
    %mul3A_301 = arith.constant 128 : i32
    %mul3A_302 = vector.broadcast %mul3A_301 : i32 to vector<128x128xi32>
    %mul3A_303 = arith.muli %iota3A, %mul3A_302 : vector<128x128xi32>
    %add3A_304 = arith.addi %mul3A_303, %iota3A_0 : vector<128x128xi32>
    %jit3A_305 = arith.constant 1073741824 : i32
    %broadcast_in_dim3A_306 = vector.broadcast %jit3A_305 : i32 to vector<128x128xi32>
    %select_n3A_307 = arith.select %eq3A_300, %add3A_304, %broadcast_in_dim3A_306 : vector<128x128xi1>, vector<128x128xi32>
    %reduce_min3A_308 = vector.shape_cast %select_n3A_307 : vector<128x128xi32> to vector<1x128x128xi32>
    %reduce_min3A_309 = arith.constant dense<2147483647> : vector<1xi32>
    %reduce_min3A_310 = vector.multi_reduction <minsi>, %reduce_min3A_308, %reduce_min3A_309 [1, 2] : vector<1x128x128xi32> to vector<1xi32>
    %reduce_min3A_311 = vector.shape_cast %reduce_min3A_310 : vector<1xi32> to vector<1x1x1xi32>
    %reduce_min3A_312 = vector.extract %reduce_min3A_311[0, 0, 0] : i32 from vector<1x1x1xi32>
    %mul3A_313 = arith.constant 16384 : i32
    %mul3A_314 = arith.muli %reduce_min3A_73, %mul3A_313 : i32
    %add3A_315 = arith.addi %mul3A_314, %reduce_min3A_312 : i32
    %sub3A_316 = arith.constant 327680 : i32
    %sub3A_317 = arith.subi %add3A_315, %sub3A_316 : i32
    %swap3A_318 = arith.constant 2 : index
    %swap3A_319 = memref.load %arg5[%swap3A_318] : memref<4xi32, #tpu.memory_space<smem>>
    memref.store %sub3A_317, %arg5[%swap3A_318] : memref<4xi32, #tpu.memory_space<smem>>
    %jit3A_320 = arith.constant 128 : i32
    %div3A_321 = arith.divsi %sub3A_317, %jit3A_320 : i32
    %sign3A_322 = arith.constant 0 : i32
    %sign3A_323 = arith.cmpi sgt, %sub3A_317, %sign3A_322 : i32
    %sign3A_324 = arith.extui %sign3A_323 : i1 to i32
    %sign3A_325 = arith.constant 0 : i32
    %sign3A_326 = arith.cmpi slt, %sub3A_317, %sign3A_325 : i32
    %sign3A_327 = arith.extui %sign3A_326 : i1 to i32
    %sign3A_328 = arith.subi %sign3A_324, %sign3A_327 : i32
    %sign3A_329 = arith.constant 0 : i32
    %sign3A_330 = arith.cmpi sgt, %jit3A_320, %sign3A_329 : i32
    %sign3A_331 = arith.extui %sign3A_330 : i1 to i32
    %sign3A_332 = arith.constant 0 : i32
    %sign3A_333 = arith.cmpi slt, %jit3A_320, %sign3A_332 : i32
    %sign3A_334 = arith.extui %sign3A_333 : i1 to i32
    %sign3A_335 = arith.subi %sign3A_331, %sign3A_334 : i32
    %ne3A_336 = arith.cmpi ne, %sign3A_328, %sign3A_335 : i32
    %rem3A_337 = arith.remsi %sub3A_317, %jit3A_320 : i32
    %ne3A_338 = arith.constant 0 : i32
    %ne3A_339 = arith.cmpi ne, %rem3A_337, %ne3A_338 : i32
    %and3A_340 = arith.andi %ne3A_336, %ne3A_339 : i1
    %sub3A_341 = arith.constant 1 : i32
    %sub3A_342 = arith.subi %div3A_321, %sub3A_341 : i32
    %select_n3A_343 = arith.select %and3A_340, %sub3A_342, %div3A_321 : i32
    %jit3A_344 = arith.constant 128 : i32
    %eq3A_345 = arith.constant 0 : i32
    %eq3A_346 = arith.cmpi eq, %jit3A_344, %eq3A_345 : i32
    %jit3A_347 = arith.constant 1 : i32
    %select_n3A_348 = arith.select %eq3A_346, %jit3A_347, %jit3A_344 : i32
    %rem3A_349 = arith.remsi %sub3A_317, %select_n3A_348 : i32
    %ne3A_350 = arith.constant 0 : i32
    %ne3A_351 = arith.cmpi ne, %rem3A_349, %ne3A_350 : i32
    %lt3A_352 = arith.constant 0 : i32
    %lt3A_353 = arith.cmpi slt, %rem3A_349, %lt3A_352 : i32
    %lt3A_354 = arith.constant 0 : i32
    %lt3A_355 = arith.cmpi slt, %select_n3A_348, %lt3A_354 : i32
    %ne3A_356 = arith.xori %lt3A_353, %lt3A_355 : i1
    %and3A_357 = arith.andi %ne3A_356, %ne3A_351 : i1
    %add3A_358 = arith.addi %rem3A_349, %select_n3A_348 : i32
    %select_n3A_359 = arith.select %and3A_357, %add3A_358, %rem3A_349 : i32
    %dma_start3A_360 = arith.constant 0 : i32
    %dma_start3A_361 = tpu.memref_slice %arg4[%select_n3A_343, %dma_start3A_360] : memref<43520x128xf32, #tpu.memory_space<any>> -> memref<1x128xf32, #tpu.memory_space<any>>
    tpu.enqueue_dma source(%dma_start3A_361 : memref<1x128xf32, #tpu.memory_space<any>>) target(%arg7 : memref<1x128xf32, #tpu.memory_space<vmem>>) target_semaphore(%arg12 : memref<!tpu.dma_semaphore, #tpu.memory_space<semaphore_mem>>)
    %dma_wait3A_362 = arith.constant 0 : i32
    %dma_wait3A_363 = tpu.memref_slice %arg4[%select_n3A_343, %dma_wait3A_362] : memref<43520x128xf32, #tpu.memory_space<any>> -> memref<1x128xf32, #tpu.memory_space<any>>
    tpu.wait_dma2 semaphore(%arg12 : memref<!tpu.dma_semaphore, #tpu.memory_space<semaphore_mem>>) src(%dma_wait3A_363 : memref<1x128xf32, #tpu.memory_space<any>>) dst(%arg7 : memref<1x128xf32, #tpu.memory_space<vmem>>)
    %eq3A_364 = vector.broadcast %select_n3A_359 : i32 to vector<1x128xi32>
    %eq3A_365 = arith.cmpi eq, %iota3A_1, %eq3A_364 : vector<1x128xi32>
    %get3A_366 = arith.constant 0 : index
    %get3A_367 = arith.constant 0 : index
    %get3A_368 = vector.load %arg7[%get3A_366, %get3A_367] : memref<1x128xf32, #tpu.memory_space<vmem>>, vector<1x128xf32>
    %jit3A_369 = arith.constant 1.000000e+00 : f32
    %broadcast_in_dim3A_370 = vector.broadcast %jit3A_369 : f32 to vector<1x128xf32>
    %select_n3A_371 = arith.select %eq3A_365, %broadcast_in_dim3A_370, %get3A_368 : vector<1x128xi1>, vector<1x128xf32>
    %swap3A_372 = arith.constant 0 : index
    %swap3A_373 = arith.constant 0 : index
    %swap3A_374 = vector.load %arg7[%swap3A_372, %swap3A_373] : memref<1x128xf32, #tpu.memory_space<vmem>>, vector<1x128xf32>
    tpu.vector_store %arg7[%swap3A_372, %swap3A_373], %select_n3A_371 {strides = array<i32>} : memref<1x128xf32, #tpu.memory_space<vmem>>, vector<1x128xf32>,
    %dma_start3A_375 = arith.constant 0 : i32
    %dma_start3A_376 = tpu.memref_slice %arg4[%select_n3A_343, %dma_start3A_375] : memref<43520x128xf32, #tpu.memory_space<any>> -> memref<1x128xf32, #tpu.memory_space<any>>
    tpu.enqueue_dma source(%arg7 : memref<1x128xf32, #tpu.memory_space<vmem>>) target(%dma_start3A_376 : memref<1x128xf32, #tpu.memory_space<any>>) target_semaphore(%arg12 : memref<!tpu.dma_semaphore, #tpu.memory_space<semaphore_mem>>)
    %dma_wait3A_377 = arith.constant 0 : i32
    %dma_wait3A_378 = tpu.memref_slice %arg4[%select_n3A_343, %dma_wait3A_377] : memref<43520x128xf32, #tpu.memory_space<any>> -> memref<1x128xf32, #tpu.memory_space<any>>
    tpu.wait_dma2 semaphore(%arg12 : memref<!tpu.dma_semaphore, #tpu.memory_space<semaphore_mem>>) src(%arg7 : memref<1x128xf32, #tpu.memory_space<vmem>>) dst(%dma_wait3A_378 : memref<1x128xf32, #tpu.memory_space<any>>)
    %dma_wait3A_379 = arith.constant 3 : i32
    %dma_wait3A_380 = arith.constant 0 : i32
    %dma_wait3A_381 = arith.constant 0 : i32
    %dma_wait3A_382 = tpu.memref_slice %arg6[%dma_wait3A_379, %dma_wait3A_380, %dma_wait3A_381] : memref<4x128x128xf32, #tpu.memory_space<vmem>> -> memref<1x128x128xf32, #tpu.memory_space<vmem>>
    %dma_wait3A_383 = tpu.memref_squeeze %dma_wait3A_382 : memref<1x128x128xf32, #tpu.memory_space<vmem>> -> memref<128x128xf32, #tpu.memory_space<vmem>>
    %dma_wait3A_384 = arith.constant 0 : i32
    %dma_wait3A_385 = tpu.memref_slice %arg2[%mul3A_105, %dma_wait3A_384] : memref<43520x128xf32, #tpu.memory_space<any>> -> memref<128x128xf32, #tpu.memory_space<any>>
    tpu.wait_dma2 semaphore(%arg11 : memref<!tpu.dma_semaphore, #tpu.memory_space<semaphore_mem>>) src(%dma_wait3A_385 : memref<128x128xf32, #tpu.memory_space<any>>) dst(%dma_wait3A_383 : memref<128x128xf32, #tpu.memory_space<vmem>>)
    %get3A_386 = arith.constant 3 : index
    %get3A_387 = arith.constant 0 : index
    %get3A_388 = arith.constant 0 : index
    %get3A_389 = vector.load %arg6[%get3A_386, %get3A_387, %get3A_388] : memref<4x128x128xf32, #tpu.memory_space<vmem>>, vector<1x128x128xf32>
    %get3A_390 = vector.shape_cast %get3A_389 : vector<1x128x128xf32> to vector<128x128xf32>
    %eq3A_391 = vector.broadcast %reduce_max3A_93 : f32 to vector<128x128xf32>
    %eq3A_392 = arith.cmpf oeq, %get3A_390, %eq3A_391 : vector<128x128xf32>
    %mul3A_393 = arith.constant 128 : i32
    %mul3A_394 = vector.broadcast %mul3A_393 : i32 to vector<128x128xi32>
    %mul3A_395 = arith.muli %iota3A, %mul3A_394 : vector<128x128xi32>
    %add3A_396 = arith.addi %mul3A_395, %iota3A_0 : vector<128x128xi32>
    %jit3A_397 = arith.constant 1073741824 : i32
    %broadcast_in_dim3A_398 = vector.broadcast %jit3A_397 : i32 to vector<128x128xi32>
    %select_n3A_399 = arith.select %eq3A_392, %add3A_396, %broadcast_in_dim3A_398 : vector<128x128xi1>, vector<128x128xi32>
    %reduce_min3A_400 = vector.shape_cast %select_n3A_399 : vector<128x128xi32> to vector<1x128x128xi32>
    %reduce_min3A_401 = arith.constant dense<2147483647> : vector<1xi32>
    %reduce_min3A_402 = vector.multi_reduction <minsi>, %reduce_min3A_400, %reduce_min3A_401 [1, 2] : vector<1x128x128xi32> to vector<1xi32>
    %reduce_min3A_403 = vector.shape_cast %reduce_min3A_402 : vector<1xi32> to vector<1x1x1xi32>
    %reduce_min3A_404 = vector.extract %reduce_min3A_403[0, 0, 0] : i32 from vector<1x1x1xi32>
    %mul3A_405 = arith.constant 16384 : i32
    %mul3A_406 = arith.muli %reduce_min3A_103, %mul3A_405 : i32
    %add3A_407 = arith.addi %mul3A_406, %reduce_min3A_404 : i32
    %sub3A_408 = arith.constant 1376256 : i32
    %sub3A_409 = arith.subi %add3A_407, %sub3A_408 : i32
    %swap3A_410 = arith.constant 3 : index
    %swap3A_411 = memref.load %arg5[%swap3A_410] : memref<4xi32, #tpu.memory_space<smem>>
    memref.store %sub3A_409, %arg5[%swap3A_410] : memref<4xi32, #tpu.memory_space<smem>>
    %jit3A_412 = arith.constant 128 : i32
    %div3A_413 = arith.divsi %sub3A_409, %jit3A_412 : i32
    %sign3A_414 = arith.constant 0 : i32
    %sign3A_415 = arith.cmpi sgt, %sub3A_409, %sign3A_414 : i32
    %sign3A_416 = arith.extui %sign3A_415 : i1 to i32
    %sign3A_417 = arith.constant 0 : i32
    %sign3A_418 = arith.cmpi slt, %sub3A_409, %sign3A_417 : i32
    %sign3A_419 = arith.extui %sign3A_418 : i1 to i32
    %sign3A_420 = arith.subi %sign3A_416, %sign3A_419 : i32
    %sign3A_421 = arith.constant 0 : i32
    %sign3A_422 = arith.cmpi sgt, %jit3A_412, %sign3A_421 : i32
    %sign3A_423 = arith.extui %sign3A_422 : i1 to i32
    %sign3A_424 = arith.constant 0 : i32
    %sign3A_425 = arith.cmpi slt, %jit3A_412, %sign3A_424 : i32
    %sign3A_426 = arith.extui %sign3A_425 : i1 to i32
    %sign3A_427 = arith.subi %sign3A_423, %sign3A_426 : i32
    %ne3A_428 = arith.cmpi ne, %sign3A_420, %sign3A_427 : i32
    %rem3A_429 = arith.remsi %sub3A_409, %jit3A_412 : i32
    %ne3A_430 = arith.constant 0 : i32
    %ne3A_431 = arith.cmpi ne, %rem3A_429, %ne3A_430 : i32
    %and3A_432 = arith.andi %ne3A_428, %ne3A_431 : i1
    %sub3A_433 = arith.constant 1 : i32
    %sub3A_434 = arith.subi %div3A_413, %sub3A_433 : i32
    %select_n3A_435 = arith.select %and3A_432, %sub3A_434, %div3A_413 : i32
    %jit3A_436 = arith.constant 128 : i32
    %eq3A_437 = arith.constant 0 : i32
    %eq3A_438 = arith.cmpi eq, %jit3A_436, %eq3A_437 : i32
    %jit3A_439 = arith.constant 1 : i32
    %select_n3A_440 = arith.select %eq3A_438, %jit3A_439, %jit3A_436 : i32
    %rem3A_441 = arith.remsi %sub3A_409, %select_n3A_440 : i32
    %ne3A_442 = arith.constant 0 : i32
    %ne3A_443 = arith.cmpi ne, %rem3A_441, %ne3A_442 : i32
    %lt3A_444 = arith.constant 0 : i32
    %lt3A_445 = arith.cmpi slt, %rem3A_441, %lt3A_444 : i32
    %lt3A_446 = arith.constant 0 : i32
    %lt3A_447 = arith.cmpi slt, %select_n3A_440, %lt3A_446 : i32
    %ne3A_448 = arith.xori %lt3A_445, %lt3A_447 : i1
    %and3A_449 = arith.andi %ne3A_448, %ne3A_443 : i1
    %add3A_450 = arith.addi %rem3A_441, %select_n3A_440 : i32
    %select_n3A_451 = arith.select %and3A_449, %add3A_450, %rem3A_441 : i32
    %dma_start3A_452 = arith.constant 0 : i32
    %dma_start3A_453 = tpu.memref_slice %arg4[%select_n3A_435, %dma_start3A_452] : memref<43520x128xf32, #tpu.memory_space<any>> -> memref<1x128xf32, #tpu.memory_space<any>>
    tpu.enqueue_dma source(%dma_start3A_453 : memref<1x128xf32, #tpu.memory_space<any>>) target(%arg7 : memref<1x128xf32, #tpu.memory_space<vmem>>) target_semaphore(%arg12 : memref<!tpu.dma_semaphore, #tpu.memory_space<semaphore_mem>>)
    %dma_wait3A_454 = arith.constant 0 : i32
    %dma_wait3A_455 = tpu.memref_slice %arg4[%select_n3A_435, %dma_wait3A_454] : memref<43520x128xf32, #tpu.memory_space<any>> -> memref<1x128xf32, #tpu.memory_space<any>>
    tpu.wait_dma2 semaphore(%arg12 : memref<!tpu.dma_semaphore, #tpu.memory_space<semaphore_mem>>) src(%dma_wait3A_455 : memref<1x128xf32, #tpu.memory_space<any>>) dst(%arg7 : memref<1x128xf32, #tpu.memory_space<vmem>>)
    %eq3A_456 = vector.broadcast %select_n3A_451 : i32 to vector<1x128xi32>
    %eq3A_457 = arith.cmpi eq, %iota3A_1, %eq3A_456 : vector<1x128xi32>
    %get3A_458 = arith.constant 0 : index
    %get3A_459 = arith.constant 0 : index
    %get3A_460 = vector.load %arg7[%get3A_458, %get3A_459] : memref<1x128xf32, #tpu.memory_space<vmem>>, vector<1x128xf32>
    %jit3A_461 = arith.constant 1.000000e+00 : f32
    %broadcast_in_dim3A_462 = vector.broadcast %jit3A_461 : f32 to vector<1x128xf32>
    %select_n3A_463 = arith.select %eq3A_457, %broadcast_in_dim3A_462, %get3A_460 : vector<1x128xi1>, vector<1x128xf32>
    %swap3A_464 = arith.constant 0 : index
    %swap3A_465 = arith.constant 0 : index
    %swap3A_466 = vector.load %arg7[%swap3A_464, %swap3A_465] : memref<1x128xf32, #tpu.memory_space<vmem>>, vector<1x128xf32>
    tpu.vector_store %arg7[%swap3A_464, %swap3A_465], %select_n3A_463 {strides = array<i32>} : memref<1x128xf32, #tpu.memory_space<vmem>>, vector<1x128xf32>,
    %dma_start3A_467 = arith.constant 0 : i32
    %dma_start3A_468 = tpu.memref_slice %arg4[%select_n3A_435, %dma_start3A_467] : memref<43520x128xf32, #tpu.memory_space<any>> -> memref<1x128xf32, #tpu.memory_space<any>>
    tpu.enqueue_dma source(%arg7 : memref<1x128xf32, #tpu.memory_space<vmem>>) target(%dma_start3A_468 : memref<1x128xf32, #tpu.memory_space<any>>) target_semaphore(%arg12 : memref<!tpu.dma_semaphore, #tpu.memory_space<semaphore_mem>>)
    %dma_wait3A_469 = arith.constant 0 : i32
    %dma_wait3A_470 = tpu.memref_slice %arg4[%select_n3A_435, %dma_wait3A_469] : memref<43520x128xf32, #tpu.memory_space<any>> -> memref<1x128xf32, #tpu.memory_space<any>>
    tpu.wait_dma2 semaphore(%arg12 : memref<!tpu.dma_semaphore, #tpu.memory_space<semaphore_mem>>) src(%arg7 : memref<1x128xf32, #tpu.memory_space<vmem>>) dst(%dma_wait3A_470 : memref<1x128xf32, #tpu.memory_space<any>>)
    return
  }
}

module attributes {stable_mosaic.version = 14 : i64} {
  func.func @_zeros_body(%arg0: i32, %arg1: memref<5x512x128xf32, #tpu.memory_space<vmem>>) attributes {dimension_semantics = [#tpu.dimension_semantics<arbitrary>], iteration_bounds = array<i64: 17>, scalar_prefetch = 0 : i64, scratch_operands = 0 : i64, tpu.core_type = #tpu.core_type<tc>, window_params = [{transform_indices = @transform_0, window_bounds = array<i64: 5, 512, 128>}]} {
    %broadcast_in_dim3A = arith.constant 0.000000e+00 : f32
    %broadcast_in_dim3A_0 = vector.broadcast %broadcast_in_dim3A : f32 to vector<5x512x128xf32>
    %swap3A = arith.constant 0 : index
    %swap3A_1 = arith.constant 0 : index
    %swap3A_2 = arith.constant 0 : index
    %swap3A_3 = vector.load %arg1[%swap3A, %swap3A_1, %swap3A_2] : memref<5x512x128xf32, #tpu.memory_space<vmem>>, vector<5x512x128xf32>
    tpu.vector_store %arg1[%swap3A, %swap3A_1, %swap3A_2], %broadcast_in_dim3A_0 {strides = array<i32>} : memref<5x512x128xf32, #tpu.memory_space<vmem>>, vector<5x512x128xf32>,
    return
  }
  func.func @transform_0(%arg0: i32) -> (i32, i32, i32) {
    %c0_i32 = arith.constant 0 : i32
    %c0_i32_0 = arith.constant 0 : i32
    %c0_i32_1 = arith.constant 0 : i32
    return %arg0, %c0_i32, %c0_i32_0 : i32, i32, i32
  }
}

</mosaic_0001>

<sc_bundles>
// kernel: kernel.5.cloned.1.call-start
scs
__scs_entry_jumppad:
0x0: {  	(pc) =	sbr.rel $0x88, $3  }
0x1: {  	(tag) =	ssettag $0x0;
	lr =	simm.s32 $0x1  }
0x2: {  	[smem:$0x3FA0] =	sst lr;
	_ =	strace $0xD0000000  }
0x3: {  	_ = 	snop  }
0x4: {  	_ = 	snop  }
0x5: {  	_ = 	snop  }
0x6: {  	_ = 	snop  }
0x7: {  	_ = 	snop  }
__scs_overlays_trampoline_lowered:
0x8: {  	[smem:$0x3FAF] =	sst s0  }
0x9: {  	[smem:$0x3FB0] =	sst s1  }
0xa: {  	[smem:$0x3FB1] =	sst s2  }
0xb: {  	[smem:$0x3FB2] =	sst s3  }
0xc: {  	[smem:$0x3FB3] =	sst s4  }
0xd: {  	[smem:$0x3FB4] =	sst s5  }
0xe: {  	[smem:$0x3FB5] =	sst s6  }
0xf: {  	[smem:$0x3FB6] =	sst s7  }
0x10: {  	[smem:$0x3FB7] =	sst s8  }
0x11: {  	[smem:$0x3FB8] =	sst s9;
	s0 =	simm.s32 @!p0 $0x0  }
0x12: {  	s1 =	sld [smem:$0x3F9E];
	s0 =	simm.s32 @p0 $0x1  }
0x13: {  	[smem:$0x3FB9] =	sst s0;
	s0 =	simm.s32 @!p1 $0x0  }
0x14: {  	s2 =	sld [smem:$0x3F9D];
	s0 =	simm.s32 @p1 $0x1  }
0x15: {  	[smem:$0x3FBA] =	sst s0;
	s0 =	simm.s32 @!p2 $0x0  }
0x16: {  	s3 =	sld [smem:$0x3FDB];
	s0 =	simm.s32 @p2 $0x1  }
0x17: {  	s4 =	simm.s32 $0x1BF5;
	[smem:$0x3FBC] =	sst s0  }
0x18: {  	s0 =	sld [smem:$0x3F9F];
	_ =	swait.ge [sflag:s4], $0x0  }
0x19: {  	s7 =	sld [smem:$0x3FA0]  }
0x1a: {  	s8 =	sadd.s32 $0xFFFFE003, lr  }
0x1b: {  	s9 =	sadd.s32 $0xFFFFFEF7, lr;
	s5 =	simm.s32 $0xFFFFFFFF;
	p2 =	slt.u32 s8, $0xFFFFF086  }
0x1c: {  	p1 =	slt.u32 s9, $0xF7A;
	s5 =	simm.s32 @!p2 $0x0  }
0x1d: {  	s5 =	simm.s32 @p1 $0x1;
	p0 =	seq.s32 s7, s2  }
0x1e: {  	s7 =	smul.u32 @!p0 $0xF7A, s2;
	p2 =	seq.s32 @!p0 s5, $0x0  }
0x1f: {  	s9 =	smul.u32 $0xF7A, s1;
	s8 =	simm.s32 @!p0 $0x1BF5;
	p2 =	por !p2, p0  }
0x20: {  	[sflag:s8] =	ssyncset.s32 @!p0 $0xFFFFF086;
	s6 =	sadd.s32 @!p0 s3, s7;
	s7 =	simm.s32 @!p0 $0x108  }
0x21: {  	s3 =	sadd.s32 s3, s9;
	s6 =	sadd.s32 @!p0 $0x88, s6;
	s7 =	simm.s32 @p2 $0x1082  }
0x22: {  	[simem:s7], [sflag:s8] =	dma.local @!p0 [hbm:s6], $0xF7A  }
0x23: {  	s9 =	sor.u32 $0xD0000000, s2;
	s6 =	simm.s32 $0x108;
	_ =	swait.ge @!p0 [sflag:s8], $0x0  }
0x24: {  	s3 =	sadd.s32 $0x88, s3;
	s6 =	simm.s32 @!p1 $0x1082;
	[sflag:s4] =	ssyncset.s32 $0xFFFFF086  }
0x25: {  	[simem:s6], [sflag:s4] =	dma.local [hbm:s3], $0xF7A  }
0x26: {  	[smem:$0x3FA0] =	sst s1;
	(tag) =	ssettag s2;
	_ =	strace s9  }
0x27: {  	s1 =	sld [smem:$0x3FB0]  }
0x28: {  	s2 =	sld [smem:$0x3FB1]  }
0x29: {  	s4 =	sld [smem:$0x3FB3]  }
0x2a: {  	p0 =	seq.s32 s5, $0x0;
	s5 =	sld [smem:$0x3FB4]  }
0x2b: {  	s6 =	sld [smem:$0x3FB5]  }
0x2c: {  	s7 =	sld [smem:$0x3FB6]  }
0x2d: {  	s3 =	simm.s32 $0x108;
	s8 =	sld [smem:$0x3FB7]  }
0x2e: {  	s3 =	simm.s32 @!p0 $0x1082;
	s9 =	sld [smem:$0x3FB8]  }
0x2f: {  	lr =	sadd.s32 s0, s3;
	s0 =	sld [smem:$0x3FAF]  }
0x30: {  	s3 =	sld [smem:$0x3FB2]  }
0x31: {  	[smem:$0x3FBB] =	sst s10  }
0x32: {  	s10 =	sld [smem:$0x3FB9];
	_ =	sdelay $0x3  }
0x33: {  	p0 =	seq.s32 s10, $0x1;
	s10 =	sld [smem:$0x3FBB];
	_ =	sdelay $0x3  }
0x34: {  	[smem:$0x3FBB] =	sst s10  }
0x35: {  	s10 =	sld [smem:$0x3FBA];
	_ =	sdelay $0x3  }
0x36: {  	p1 =	seq.s32 s10, $0x1;
	s10 =	sld [smem:$0x3FBB];
	_ =	sdelay $0x3  }
0x37: {  	[smem:$0x3FBB] =	sst s10  }
0x38: {  	s10 =	sld [smem:$0x3FBC]  }
0x39: {  	_ = 	snop;
	(pc) =	sbr.ind lr, $3  }
0x3a: {  	_ = 	snop  }
0x3b: {  	_ = 	snop  }
0x3c: {  	p2 =	seq.s32 s10, $0x1;
	s10 =	sld [smem:$0x3FBB]  }
0x3d: {  	_ =	shalt  }
0x3e: {  	_ =	shalt  }
0x3f: {  	_ =	shalt  }
0x40: {  	_ =	shalt  }
0x41: {  	_ =	shalt  }
0x42: {  	_ =	shalt  }
0x43: {  	_ =	shalt  }
0x44: {  	_ =	shalt  }
0x45: {  	_ =	shalt  }
0x46: {  	_ =	shalt  }
0x47: {  	_ =	shalt  }
0x48: {  	_ =	shalt  }
0x49: {  	_ =	shalt  }
0x4a: {  	_ =	shalt  }
0x4b: {  	_ =	shalt  }
0x4c: {  	_ =	shalt  }
0x4d: {  	_ =	shalt  }
0x4e: {  	_ =	shalt  }
0x4f: {  	_ =	shalt  }
0x50: {  	_ =	shalt  }
0x51: {  	_ =	shalt  }
0x52: {  	_ =	shalt  }
0x53: {  	_ =	shalt  }
0x54: {  	_ =	shalt  }
0x55: {  	_ =	shalt  }
0x56: {  	_ =	shalt  }
0x57: {  	_ =	shalt  }
0x58: {  	_ =	shalt  }
0x59: {  	_ =	shalt  }
0x5a: {  	_ =	shalt  }
0x5b: {  	_ =	shalt  }
0x5c: {  	_ =	shalt  }
0x5d: {  	_ =	shalt  }
0x5e: {  	_ =	shalt  }
0x5f: {  	_ =	shalt  }
0x60: {  	_ =	shalt  }
0x61: {  	_ =	shalt  }
0x62: {  	_ =	shalt  }
0x63: {  	_ =	shalt  }
0x64: {  	_ =	shalt  }
0x65: {  	_ =	shalt  }
0x66: {  	_ =	shalt  }
0x67: {  	_ =	shalt  }
0x68: {  	_ =	shalt  }
0x69: {  	_ =	shalt  }
0x6a: {  	_ =	shalt  }
0x6b: {  	_ =	shalt  }
0x6c: {  	_ =	shalt  }
0x6d: {  	_ =	shalt  }
0x6e: {  	_ =	shalt  }
0x6f: {  	_ =	shalt  }
0x70: {  	_ =	shalt  }
0x71: {  	_ =	shalt  }
0x72: {  	_ =	shalt  }
0x73: {  	_ =	shalt  }
0x74: {  	_ =	shalt  }
0x75: {  	_ =	shalt  }
0x76: {  	_ =	shalt  }
0x77: {  	_ =	shalt  }
0x78: {  	_ =	shalt  }
0x79: {  	_ =	shalt  }
0x7a: {  	_ =	shalt  }
0x7b: {  	_ =	shalt  }
0x7c: {  	_ =	shalt  }
0x7d: {  	_ =	shalt  }
0x7e: {  	_ =	shalt  }
0x7f: {  	_ =	shalt  }
0x80: {  	_ =	shalt  }
0x81: {  	_ =	shalt  }
0x82: {  	_ =	shalt  }
0x83: {  	_ =	shalt  }
0x84: {  	_ =	shalt  }
0x85: {  	_ =	shalt  }
0x86: {  	_ =	shalt  }
0x87: {  	_ =	shalt  }
.Lfunc_end0:
.L_simem_size_0:
called_computation_lowered:
.L_overlay_start_0:
0x88: {  	s2 =	sld [smem:$0x3FD9]  }
0x89: {  	s3 =	sld [smem:$0x3FFE];
	_ =	sdelay $0x1  }
0x8a: {  	s1 =	srdreg.scid  }
0x8b: {  	s0 =	sand.u32 $0x1, s1  }
0x8c: {  	s17 =	sshll.u32 s0, $0xA;
	s2 =	sadd.s32 s3, s2  }
0x8d: {  	s2 =	sadd.s32 s2, s17  }
0x8e: {  	[smem:$0x3FC7] =	sst s2  }
0x8f: {  	_ = 	snop  }
0x90: {  	s2 =	sld [smem:$0x3FC9];
	(tm) =	ssettm $0x1  }
0x91: {  	s18 =	sld [smem:$0x3FFB];
	_ =	sdelay $0x3  }
0x92: {  	_ =	strace s18  }
0x93: {  	s3 =	sld [smem:$0x3FFC];
	_ =	sdelay $0x3  }
0x94: {  	_ =	strace s3  }
0x95: {  	s3 =	sld [smem:$0x3FFD];
	_ =	sdelay $0x3  }
0x96: {  	_ =	strace s3  }
0x97: {  	_ =	strace $0x8FFFFFFF  }
0x98: {  	s19 =	sld [smem:$0x3FDB];
	_ =	sdelay $0x1  }
0x99: {  	s4 =	simm.s32 $_scs_section_size  }
0x9a: {  	s5 =	simm.s32 $_size__tile_overlayer_lowered;
	s6 =	simm.s32 $_tile_overlayer_lowered  }
0x9b: {  	s22 =	simm.s32 $0x1BFF;
	s21 =	sshll.u32 s6, $0x1;
	s3 =	sadd.s32 s4, s19  }
0x9c: {  	s7 =	simm.s32 $0x0;
	s20 =	sshll.u32 s5, $0x1;
	s5 =	sadd.s32 s21, s3  }
0x9d: {  	[timem:s7], [sflag:s22] =	dma.local [hbm:s5], s20  }
0x9e: {  	_ =	swait.ge [sflag:s22], s20  }
0x9f: {  	s4 =	ssub.s32 $0x0, s20;
	[sflag:s22] =	ssyncset.done $0x0  }
0xa0: {  	[sflag:s22] =	ssyncadd.s32 s4;
	_ =	sdelay $0x1  }
0xa1: {  	s23 =	simm.s32 $0x1B8B  }
0xa2: {  	_ =	swait.ge [sflag:s23], $0x1  }
0xa3: {  	[sflag:s23] =	ssyncset.done $0x0  }
0xa4: {  	s25 =	simm.s32 $0x1B8E;
	s24 =	sld [smem:$0x3FFE];
	[sflag:s23] =	ssyncadd.s32 $0xFFFFFFFF  }
0xa5: {  	s26 =	simm.s32 $execute0_lowered;
	[smem:$0x3FD2] =	sst s25  }
0xa6: {  	s5 =	sshll.u32 s26, $0x1;
	_ =	strace $0x80000046;
	[dreg:$0x1] =	wrdreg $0xFFFFFFFF  }
0xa7: {  	s28 =	simm.s32 $_size_execute0_lowered;
	s3 =	sadd.s32 s3, s5;
	[dreg:$0x0] =	wrdreg $0x0  }
0xa8: {  	s5 =	sshll.u32 s28, $0x1;
	[dreg:$0x2] =	wrdreg s3  }
0xa9: {  	[dreg:$0x3] =	wrdreg s5  }
0xaa: {  	[dreg:$0x4] =	wrdreg $0xC0  }
0xab: {  	_ =	task [dreg:s7], $0x5FFFF  }
0xac: {  	[dreg:$0x1] =	wrdreg $0xFFFFFFFF  }
0xad: {  	[dreg:$0x0] =	wrdreg $0x60  }
0xae: {  	[dreg:$0x2] =	wrdreg s2  }
0xaf: {  	[dreg:$0x3] =	wrdreg s24  }
0xb0: {  	[dreg:$0x4] =	wrdreg $0x9  }
0xb1: {  	_ =	task.clear_ibuf [dreg:s7], $0x5FFFF;
	_ =	strace $0x90000046  }
0xb2: {  	s29 =	simm.s32 $0x9;
	_ =	strace $0x80000048  }
0xb3: {  	_ =	swait.ge [sflag:s29], $0x1  }
0xb4: {  	[sflag:s29] =	ssyncadd.s32 $0xFFFFFFFF  }
0xb5: {  	_ =	strace $0x90000048  }
0xb6: {  	_ =	sfence  }
0xb7: {  	s30 =	sld [smem:$0x0];
	_ =	sdelay $0x2  }
0xb8: {  	s31 =	sshll.u32 s1, $0xD;
	s1 =	sshrl.u32 s1, $0x2  }
0xb9: {  	s3 =	sand.u32 $0x4000, s31;
	s1 =	sadd.s32 s1, s30  }
0xba: {  	s0 =	sor.u32 s3, s0;
	s1 =	sshll.u32 s1, $0x11  }
0xbb: {  	s0 =	sor.u32 s1, s0  }
0xbc: {  	s0 =	sadd.s32 $0x8F2B, s0  }
0xbd: {  	[sflag:s0] =	ssyncadd.remote.s32 $0x1  }
0xbe: {  	_ =	sfence.sel $0xFFFF  }
0xbf: {  	[dreg:$0x0] =	wrdreg $0xFFFFFFFF;
	(pc) =	sbr.abs _section_cstart, $3  }
0xc0: {  	[dreg:$0x1] =	wrdreg $0xFFFFFFFF  }
0xc1: {  	_ =	task.clear_ibuf [dreg:s7], $0x2FFFF;
	_ =	strace $0x9FFFFFFF  }
0xc2: {  	(tm) =	ssettm $0x7FFFFFFF  }
0xc3: {  	_ =	shalt  }
tec
execute0_lowered:
.L_overlay_start_1:
0x0: {  	(tag) =	ssettag $0x1  }
0x1: {  	s0 =	rddreg [dreg:$0x0];
	s2 =	srdreg.scid  }
0x2: {  	s3 =	rddreg [dreg:$0x1];
	s1 =	simm.s32 $0x0;
	s6 =	stileid.u32  }
0x3: {  	s7 =	simm.s32 $0x1;
	s8 =	simm.s32 $0x1;
	s31 =	simm.s32 $0x0  }
0x4: {  	s2 =	sand.u32 $0x1, s2;
	[smem:$0x7FF] =	sst s1;
	s18 =	sadd.s32 $0x2600, s3  }
0x5: {  	s6 =	sshll.u32 s6, $0x1;
	s22 =	sadd.s32 $0x2800, s3;
	s11 =	sadd.s32 $0x800, s0  }
0x6: {  	s12 =	sadd.s32 $0x1000, s0;
	s13 =	sadd.s32 $0x1800, s0;
	s4 =	ssub.s32 $0x2, s2  }
0x7: {  	s24 =	sor.u32 s2, s6;
	s6 =	simm.s32 $0x1;
	_ =	strace $0x80000047  }
0x8: {  	s5 =	sshrl.u32 s4, $0x1;
	s20 =	sshll.u32 s24, $0xD;
	p0 =	sne.s32 s24, $0x0  }
0x9: {  	s25 =	sor.u32 $0x20, s24;
	s28 =	sor.u32 $0x40, s24;
	s21 =	sshll.u32 s24, $0x1  }
0xa: {  	s23 =	ssub.s32 s4, s5;
	s2 =	sadd.s32 s0, s20;
	s3 =	sadd.s32 s20, s11  }
0xb: {  	s4 =	sadd.s32 s20, s12;
	s6 =	simm.s32 @!p0 $0x0;
	p0 =	sgt.u32 s24, $0x4  }
0xc: {  	s5 =	sadd.s32 s20, s13;
	s9 =	sshll.u32 s25, $0xD;
	s14 =	sshll.u32 s28, $0xD  }
0xd: {  	s17 =	sor.u32 $0x40, s21;
	s15 =	sadd.s32 s22, s21;
	s20 =	sor.u32 $0x80, s21  }
0xe: {  	s29 =	sshllo.u32 s28, $0x2;
	s7 =	simm.s32 @!p0 $0x0;
	p0 =	sgt.u32 s24, $0x14  }
0xf: {  	s10 =	sadd.s32 s0, s14;
	s16 =	sadd.s32 s18, s17;
	s17 =	sadd.s32 s22, s17  }
0x10: {  	s19 =	sadd.s32 s18, s20;
	s20 =	sadd.s32 s22, s20;
	s23 =	smax.u32 s23, $0x1  }
0x11: {  	v11 =	vmov s29;
	s29 =	simm.s32 $0x3;
	s6 =	sadd.s32 s7, s6;
	s8 =	simm.s32 @!p0 $0x0  }
0x12: {  	s7 =	sadd.s32 s9, s11;
	s11 =	sadd.s32 s14, s11;
	s26 =	sadd.s32 s8, s6  }
0x13: {  	s6 =	sadd.s32 s0, s9;
	s8 =	sadd.s32 s9, s12;
	s9 =	sadd.s32 s9, s13  }
0x14: {  	s12 =	sadd.s32 s14, s12;
	s13 =	sadd.s32 s14, s13;
	s0 =	sor.u32 $0xC0, s21  }
0x15: {  	s14 =	sadd.s32 s18, s21;
	s21 =	sadd.s32 s18, s0;
	s22 =	sadd.s32 s22, s0  }
0x16: {  	p4 =	sgt.s32 s26, $0x1;
	s0 =	sshll.u32 s24, $0x2;
	s18 =	sshllo.u32 s24, $0x2  }
0x17: {  	s24 =	sshll.u32 s25, $0x2;
	s25 =	sshllo.u32 s25, $0x2;
	p2 =	seq.s32 @p4 s26, $0x2  }
0x18: {  	p5 =	seq.s32 @!p4 s26, $0x0;
	s26 =	sshll.u32 s28, $0x2;
	s28 =	sor.u32 $0x1, s0  }
.Ltmp0:
0x19: {  	s30 =	sor.u32 $0x2, s0;
	v0 =	vmov s0;
	s0 =	sor.u32 $0x1, s24;
	(pc) =	sbr.rel .LBB2_1-.Ltmp0, $4  }
0x1a: {  	v3 =	vmov s18;
	s18 =	sor.u32 $0x2, s24;
	v4 =	vmov s24;
	s24 =	simm.s32 $0x1;
	v7 =	vmov s25;
	s25 =	simm.s32 $0x4000  }
0x1b: {  	v12 =	vimm.s32 $0x0;
	p1 =	por !p2, !p4;
	p2 =	por p2, !p4;
	p3 =	por !p5, p4;
	v1 =	vmov s28  }
0x1c: {  	v2 =	vmov s30;
	p4 =	por p5, p4;
	v5 =	vmov s0;
	v6 =	vmov s18;
	s0 =	sor.u32 $0x1, s26;
	s18 =	sor.u32 $0x2, s26  }
0x1d: {  	v8 =	vmov s26;
	s26 =	simm.s32 $0x2;
	s28 =	simm.s32 $0x8000;
	s30 =	simm.s32 $0x8080;
	v9 =	vmov s0;
	v10 =	vmov s18  }
.LBB2_26:
0x1e: {  	v27 =	vmax.f32 v28, v27;
	v55 =	vmax.f32 v34, v29  }
0x1f: {  	v35 =	vld [tilespmem:s18+$0x4030];
	v13 =	vmax.f32 v13, v14;
	v14 =	vmax.f32 v15, v16;
	v56 =	vmax.f32 v30, v32  }
0x20: {  	v15 =	vld [tilespmem:s18+$0x4070];
	v17 =	vmax.f32 v17, v18;
	v58 =	vmax.f32 v19, v20;
	v13 =	vmax.f32 v13, v14  }
0x21: {  	v59 =	vmax.f32 v21, v22;
	vm0 =	vlt.f32 v13, $-Inf;
	vm1 =	vgt.f32 v13, $-Inf  }
0x22: {  	v60 =	vmax.f32 v23, v24;
	v27 =	vmax.f32 v27, v31;
	vm0 =	vmor vm1, vm0  }
0x23: {  	v14 =	vmax.f32 v55, v26;
	v17 =	vmax.f32 v17, v58;
	v13 =	vnsel vm0, $0xFF800000, v13  }
0x24: {  	v16 =	vmax.f32 v56, v25;
	v57 =	vmax.f32 v33, v35;
	vm13 =	vgt.f32 v17, v13  }
0x25: {  	v62 =	vld [tilespmem:$0x8280];
	v61 =	vmax.f32 v59, v60;
	v15 =	vmax.f32 v57, v15;
	v13 =	vsel vm13, v17, v13  }
0x26: {  	v14 =	vmax.f32 v27, v14;
	vm2 =	vgt.f32 v61, v13;
	v15 =	vmax.f32 v16, v15  }
0x27: {  	v13 =	vsel vm2, v61, v13;
	v14 =	vmax.f32 v14, v15;
	v15 =	vld [tilespmem:$0x8480]  }
0x28: {  	v63 =	vnsel vm0, $0x0, v8;
	vm14 =	vgt.f32 v14, v13  }
0x29: {  	v16 =	vsel vm13, v9, v63;
	v13 =	vsel vm14, v14, v13  }
0x2a: {  	v14 =	vsel vm2, v10, v16;
	vm15 =	vgt.f32 v13, v62  }
0x2b: {  	v14 =	vsel vm14, v11, v14;
	v13 =	vsel vm15, v13, v62  }
0x2c: {  	[tilespmem:$0x8280] =	vst v13;
	v13 =	vsel vm15, v14, v15  }
0x2d: {  	[tilespmem:$0x8480] =	vst v13  }
.LBB2_27:
0x2e: {  	v13 =	vld [tilespmem:$0x8100]  }
0x2f: {  	v14 =	vld [tilespmem:$0x8300];
	_ =	sdelay $0x3  }
0x30: {  	[tilespmem:$0x8000] =	vst v13  }
0x31: {  	[tilespmem:$0x8080] =	vst v14  }
0x32: {  	[hbm4b:s14+s1] =	stream.linear.scatter [tilespmem:s28], [sflag:$0x3], $0x10, $0x38;
	[tilespmem:$0x8500] =	vst v63  }
0x33: {  	_ =	swait.ge [sflag:s29], $0x10  }
0x34: {  	[sflag:s29] =	ssyncset.done $0x0  }
0x35: {  	[sflag:s29] =	ssyncadd.s32 $0xFFFFFFF0  }
0x36: {  	[hbm4b:s15+s1] =	stream.linear.scatter [tilespmem:s30], [sflag:$0x3], $0x10, $0x38;
	[tilespmem:$0x8500] =	vst v63  }
0x37: {  	_ =	swait.ge [sflag:s29], $0x10  }
0x38: {  	[sflag:s29] =	ssyncset.done $0x0  }
0x39: {  	[sflag:s29] =	ssyncadd.s32 $0xFFFFFFF0  }
0x3a: {  	v13 =	vld [tilespmem:$0x8180]  }
0x3b: {  	v14 =	vld [tilespmem:$0x8380];
	_ =	sdelay $0x3  }
0x3c: {  	[tilespmem:$0x8000] =	vst v13  }
0x3d: {  	[tilespmem:$0x8080] =	vst v14  }
0x3e: {  	[hbm4b:s16+s1] =	stream.linear.scatter [tilespmem:s28], [sflag:$0x3], $0x10, $0x38;
	[tilespmem:$0x8500] =	vst v63  }
0x3f: {  	_ =	swait.ge [sflag:s29], $0x10  }
0x40: {  	[sflag:s29] =	ssyncset.done $0x0  }
0x41: {  	[sflag:s29] =	ssyncadd.s32 $0xFFFFFFF0  }
0x42: {  	[hbm4b:s17+s1] =	stream.linear.scatter [tilespmem:s30], [sflag:$0x3], $0x10, $0x38;
	[tilespmem:$0x8500] =	vst v63  }
0x43: {  	_ =	swait.ge [sflag:s29], $0x10  }
0x44: {  	[sflag:s29] =	ssyncset.done $0x0  }
0x45: {  	[sflag:s29] =	ssyncadd.s32 $0xFFFFFFF0  }
0x46: {  	v13 =	vld [tilespmem:$0x8200]  }
0x47: {  	v14 =	vld [tilespmem:$0x8400];
	_ =	sdelay $0x3  }
0x48: {  	[tilespmem:$0x8000] =	vst v13  }
0x49: {  	[tilespmem:$0x8080] =	vst v14  }
0x4a: {  	[hbm4b:s19+s1] =	stream.linear.scatter [tilespmem:s28], [sflag:$0x3], $0x10, $0x38;
	[tilespmem:$0x8500] =	vst v63  }
0x4b: {  	_ =	swait.ge [sflag:s29], $0x10  }
0x4c: {  	[sflag:s29] =	ssyncset.done $0x0  }
0x4d: {  	[sflag:s29] =	ssyncadd.s32 $0xFFFFFFF0  }
0x4e: {  	[hbm4b:s20+s1] =	stream.linear.scatter [tilespmem:s30], [sflag:$0x3], $0x10, $0x38;
	[tilespmem:$0x8500] =	vst v63  }
0x4f: {  	_ =	swait.ge [sflag:s29], $0x10  }
0x50: {  	[sflag:s29] =	ssyncset.done $0x0  }
0x51: {  	[sflag:s29] =	ssyncadd.s32 $0xFFFFFFF0  }
0x52: {  	v13 =	vld [tilespmem:$0x8280]  }
0x53: {  	v14 =	vld [tilespmem:$0x8480];
	_ =	sdelay $0x3  }
0x54: {  	[tilespmem:$0x8000] =	vst v13  }
0x55: {  	[tilespmem:$0x8080] =	vst v14  }
0x56: {  	[hbm4b:s21+s1] =	stream.linear.scatter [tilespmem:s28], [sflag:$0x3], $0x10, $0x38;
	[tilespmem:$0x8500] =	vst v63  }
0x57: {  	s31 =	sadd.s32 $0x1, s31;
	_ =	swait.ge [sflag:s29], $0x10  }
0x58: {  	p5 =	sne.s32 s31, s23;
	[sflag:s29] =	ssyncset.done $0x0  }
.Ltmp1:
0x59: {  	[sflag:s29] =	ssyncadd.s32 $0xFFFFFFF0;
	(pc) =	sbr.rel @!p5 .LBB2_28-.Ltmp1, $4  }
0x5a: {  	[hbm4b:s22+s1] =	stream.linear.scatter [tilespmem:s30], [sflag:$0x3], $0x10, $0x38;
	[tilespmem:$0x8500] =	vst v63  }
0x5b: {  	_ =	swait.ge [sflag:s29], $0x10  }
0x5c: {  	[sflag:s29] =	ssyncset.done $0x0  }
0x5d: {  	[sflag:s29] =	ssyncadd.s32 $0xFFFFFFF0  }
.LBB2_1:
0x5e: {  	[tilespmem:$0x8300] =	vst v12  }
0x5f: {  	[tilespmem:$0x8380] =	vst v12  }
0x60: {  	[tilespmem:$0x8400] =	vst v12  }
0x61: {  	v13 =	vimm.f32 $-Inf;
	[tilespmem:$0x8480] =	vst v12  }
0x62: {  	[tilespmem:$0x8100] =	vst v13  }
0x63: {  	[tilespmem:$0x8180] =	vst v13  }
0x64: {  	[tilespmem:$0x8200] =	vst v13  }
0x65: {  	[tilespmem:$0x8280] =	vst v13  }
0x66: {  	[tilespmem:s1], [sflag:$0x1] =	stream.linear.gather [hbm4b:s2+s1], $0x4000, $0x38;
	[tilespmem:$0x8500] =	vst v63  }
0x67: {  	_ = 	snop  }
0x68: {  	[tilespmem:s25], [sflag:$0x2] =	stream.linear.gather [hbm4b:s3+s1], $0x4000, $0x38;
	[tilespmem:$0x8500] =	vst v63  }
0x69: {  	_ =	swait.ge [sflag:s24], $0x4000  }
0x6a: {  	[sflag:s24] =	ssyncset.done $0x0  }
0x6b: {  	s18 =	simm.s32 $0x0;
	[sflag:s24] =	ssyncadd.s32 $0xFFFFC000  }
0x6c: {  	v23 =	vld [tilespmem:s18+$0x40]  }
0x6d: {  	v14 =	vld [tilespmem:s18+$0x50]  }
0x6e: {  	v15 =	vld [tilespmem:s18+$0x60]  }
0x6f: {  	v18 =	vld [tilespmem:s18+$0x0]  }
0x70: {  	v16 =	vld [tilespmem:s18+$0x10]  }
0x71: {  	s0 =	simm.s32 $0x200;
	v19 =	vimm.f32 $-Inf;
	v20 =	vimm.f32 $-Inf;
	v22 =	vimm.f32 $-Inf;
	v21 =	vld [tilespmem:s18+$0x20]  }
.LBB2_2:
0x72: {  	p5 =	sne.s32 s0, $0xFE00;
	v17 =	vld [tilespmem:s18+$0x30];
	v24 =	vmov v14  }
0x73: {  	v25 =	vld [tilespmem:s18+$0x70];
	s18 =	sshra.s32 s0, $0x2;
	v26 =	vmov v15  }
0x74: {  	v27 =	vld [tilespmem:s18+$0x40]  }
.Ltmp2:
0x75: {  	v13 =	vmax.f32 v13, v18;
	v14 =	vld [tilespmem:s18+$0x50];
	(pc) =	sbr.rel @p5 .LBB2_2-.Ltmp2, $4  }
0x76: {  	v13 =	vmax.f32 v13, v23;
	v15 =	vld [tilespmem:s18+$0x60]  }
0x77: {  	v19 =	vmax.f32 v19, v16;
	v20 =	vmax.f32 v20, v21;
	v18 =	vld [tilespmem:s18+$0x0];
	v17 =	vmax.f32 v22, v17  }
0x78: {  	v19 =	vmax.f32 v19, v24;
	v20 =	vmax.f32 v20, v26;
	v16 =	vld [tilespmem:s18+$0x10];
	v22 =	vmax.f32 v17, v25  }
0x79: {  	s0 =	sadd.s32 $0x200, s0;
	v21 =	vld [tilespmem:s18+$0x20];
	v23 =	vmov v27  }
0x7a: {  	v24 =	vld [tilespmem:s18+$0x30];
	s0 =	simm.s32 $0x0  }
0x7b: {  	v25 =	vld [tilespmem:s18+$0x70];
	[tilespmem:s0], [sflag:$0x1] =	stream.linear.gather [hbm4b:s4+s0], $0x4000, $0x38  }
0x7c: {  	_ =	swait.ge [sflag:s26], $0x4000  }
0x7d: {  	[sflag:s26] =	ssyncset.done $0x0  }
0x7e: {  	s18 =	simm.s32 $0x0;
	[sflag:s26] =	ssyncadd.s32 $0xFFFFC000  }
0x7f: {  	v17 =	vld [tilespmem:s18+$0x4040]  }
0x80: {  	v13 =	vmax.f32 v13, v18;
	v18 =	vld [tilespmem:s18+$0x4050]  }
0x81: {  	v27 =	vimm.f32 $-Inf;
	v16 =	vmax.f32 v19, v16;
	v19 =	vld [tilespmem:s18+$0x4060]  }
0x82: {  	v26 =	vimm.f32 $-Inf;
	v13 =	vmax.f32 v13, v23;
	v21 =	vmax.f32 v20, v21;
	v20 =	vld [tilespmem:s18+$0x4000]  }
0x83: {  	v14 =	vmax.f32 v16, v14;
	v22 =	vmax.f32 v22, v24;
	v15 =	vmax.f32 v21, v15;
	v23 =	vld [tilespmem:s18+$0x4010]  }
0x84: {  	s0 =	simm.s32 $0x200;
	v24 =	vimm.f32 $-Inf;
	v16 =	vmax.f32 v22, v25;
	v22 =	vimm.f32 $-Inf;
	v25 =	vld [tilespmem:s18+$0x4020]  }
.LBB2_4:
0x85: {  	p5 =	sne.s32 s0, $0xFE00;
	v21 =	vld [tilespmem:s18+$0x4030];
	v28 =	vmov v18  }
0x86: {  	v29 =	vld [tilespmem:s18+$0x4070];
	s18 =	sshra.s32 s0, $0x2;
	v30 =	vmov v19  }
0x87: {  	v31 =	vld [tilespmem:s18+$0x4040]  }
.Ltmp3:
0x88: {  	v20 =	vmax.f32 v22, v20;
	v18 =	vld [tilespmem:s18+$0x4050];
	(pc) =	sbr.rel @p5 .LBB2_4-.Ltmp3, $4  }
0x89: {  	v22 =	vmax.f32 v20, v17;
	v19 =	vld [tilespmem:s18+$0x4060]  }
0x8a: {  	v32 =	vmax.f32 v27, v23;
	v24 =	vmax.f32 v24, v25;
	v20 =	vld [tilespmem:s18+$0x4000];
	v21 =	vmax.f32 v26, v21  }
0x8b: {  	v27 =	vmax.f32 v32, v28;
	v24 =	vmax.f32 v24, v30;
	v23 =	vld [tilespmem:s18+$0x4010];
	v26 =	vmax.f32 v21, v29  }
0x8c: {  	s0 =	sadd.s32 $0x200, s0;
	v25 =	vld [tilespmem:s18+$0x4020];
	v17 =	vmov v31  }
0x8d: {  	v28 =	vld [tilespmem:s18+$0x4030];
	s0 =	simm.s32 $0x0  }
0x8e: {  	v29 =	vld [tilespmem:s18+$0x4070];
	[tilespmem:s25], [sflag:$0x2] =	stream.linear.gather [hbm4b:s5+s0], $0x4000, $0x38  }
0x8f: {  	_ =	swait.ge [sflag:s24], $0x4000  }
0x90: {  	[sflag:s24] =	ssyncset.done $0x0  }
0x91: {  	s18 =	simm.s32 $0x0;
	[sflag:s24] =	ssyncadd.s32 $0xFFFFC000  }
0x92: {  	v21 =	vld [tilespmem:s18+$0x40]  }
0x93: {  	v20 =	vmax.f32 v22, v20;
	v22 =	vld [tilespmem:s18+$0x50]  }
0x94: {  	v17 =	vmax.f32 v20, v17;
	v20 =	vmax.f32 v27, v23;
	v23 =	vld [tilespmem:s18+$0x60]  }
0x95: {  	v30 =	vimm.f32 $-Inf;
	v27 =	vimm.f32 $-Inf;
	v25 =	vmax.f32 v24, v25;
	v24 =	vld [tilespmem:s18+$0x0]  }
0x96: {  	v18 =	vmax.f32 v20, v18;
	v26 =	vmax.f32 v26, v28;
	v19 =	vmax.f32 v25, v19;
	v25 =	vld [tilespmem:s18+$0x10]  }
0x97: {  	s0 =	simm.s32 $0x200;
	v28 =	vld [tilespmem:s18+$0x20];
	v20 =	vmax.f32 v26, v29;
	v26 =	vimm.f32 $-Inf;
	v29 =	vimm.f32 $-Inf  }
.LBB2_6:
0x98: {  	p5 =	sne.s32 s0, $0xFE00;
	v31 =	vld [tilespmem:s18+$0x30];
	v32 =	vmov v22  }
0x99: {  	v33 =	vld [tilespmem:s18+$0x70];
	s18 =	sshra.s32 s0, $0x2;
	v34 =	vmov v23  }
0x9a: {  	v35 =	vld [tilespmem:s18+$0x40]  }
.Ltmp4:
0x9b: {  	v24 =	vmax.f32 v26, v24;
	v22 =	vld [tilespmem:s18+$0x50];
	(pc) =	sbr.rel @p5 .LBB2_6-.Ltmp4, $4  }
0x9c: {  	v26 =	vmax.f32 v24, v21;
	v23 =	vld [tilespmem:s18+$0x60]  }
0x9d: {  	v36 =	vmax.f32 v30, v25;
	v27 =	vmax.f32 v27, v28;
	v24 =	vld [tilespmem:s18+$0x0];
	v28 =	vmax.f32 v29, v31  }
0x9e: {  	v30 =	vmax.f32 v36, v32;
	v27 =	vmax.f32 v27, v34;
	v25 =	vld [tilespmem:s18+$0x10];
	v29 =	vmax.f32 v28, v33  }
0x9f: {  	s0 =	sadd.s32 $0x200, s0;
	v28 =	vld [tilespmem:s18+$0x20];
	v21 =	vmov v35  }
0xa0: {  	v32 =	vld [tilespmem:s18+$0x30]  }
0xa1: {  	v33 =	vld [tilespmem:s18+$0x70];
	_ =	swait.ge [sflag:s26], $0x4000  }
0xa2: {  	[sflag:s26] =	ssyncset.done $0x0  }
0xa3: {  	s18 =	simm.s32 $0x0;
	[sflag:s26] =	ssyncadd.s32 $0xFFFFC000  }
0xa4: {  	v31 =	vld [tilespmem:s18+$0x4040]  }
0xa5: {  	v24 =	vmax.f32 v26, v24;
	v26 =	vld [tilespmem:s18+$0x4050]  }
0xa6: {  	v21 =	vmax.f32 v24, v21;
	v24 =	vmax.f32 v30, v25;
	v25 =	vld [tilespmem:s18+$0x4060]  }
0xa7: {  	v34 =	vimm.f32 $-Inf;
	v30 =	vimm.f32 $-Inf;
	v28 =	vmax.f32 v27, v28;
	v27 =	vld [tilespmem:s18+$0x4000]  }
0xa8: {  	v22 =	vmax.f32 v24, v22;
	v29 =	vmax.f32 v29, v32;
	v23 =	vmax.f32 v28, v23;
	v32 =	vld [tilespmem:s18+$0x4020]  }
0xa9: {  	s0 =	simm.s32 $0x200;
	v28 =	vimm.f32 $-Inf;
	v24 =	vmax.f32 v29, v33;
	v29 =	vld [tilespmem:s18+$0x4010];
	v33 =	vimm.f32 $-Inf  }
.LBB2_8:
0xaa: {  	p5 =	sne.s32 s0, $0xFE00;
	v35 =	vld [tilespmem:s18+$0x4030];
	v36 =	vmov v26  }
0xab: {  	v37 =	vld [tilespmem:s18+$0x4070];
	s18 =	sshra.s32 s0, $0x2;
	v38 =	vmov v25  }
0xac: {  	v39 =	vld [tilespmem:s18+$0x4040]  }
.Ltmp5:
0xad: {  	v27 =	vmax.f32 v28, v27;
	v26 =	vld [tilespmem:s18+$0x4050];
	(pc) =	sbr.rel @p5 .LBB2_8-.Ltmp5, $4  }
0xae: {  	v28 =	vmax.f32 v27, v31;
	v25 =	vld [tilespmem:s18+$0x4060]  }
0xaf: {  	v40 =	vmax.f32 v34, v29;
	v30 =	vmax.f32 v30, v32;
	v27 =	vld [tilespmem:s18+$0x4000];
	v32 =	vmax.f32 v33, v35  }
0xb0: {  	v34 =	vmax.f32 v40, v36;
	v30 =	vmax.f32 v30, v38;
	v29 =	vld [tilespmem:s18+$0x4010];
	v33 =	vmax.f32 v32, v37  }
0xb1: {  	s0 =	sadd.s32 $0x200, s0;
	v32 =	vld [tilespmem:s18+$0x4020];
	v31 =	vmov v39  }
0xb2: {  	v13 =	vmax.f32 v13, v14;
	v14 =	vmax.f32 v15, v16  }
0xb3: {  	v35 =	vld [tilespmem:s18+$0x4030];
	v17 =	vmax.f32 v17, v18;
	v18 =	vmax.f32 v19, v20;
	v19 =	vmax.f32 v23, v24  }
0xb4: {  	v15 =	vld [tilespmem:s18+$0x4070];
	v13 =	vmax.f32 v13, v14;
	v17 =	vmax.f32 v17, v18;
	v18 =	vmax.f32 v21, v22  }
0xb5: {  	v27 =	vmax.f32 v28, v27;
	vm0 =	vlt.f32 v13, $-Inf;
	vm1 =	vgt.f32 v13, $-Inf  }
0xb6: {  	v27 =	vmax.f32 v27, v31;
	v62 =	vmax.f32 v34, v29;
	vm0 =	vmor vm1, vm0  }
0xb7: {  	v16 =	vmax.f32 v30, v32;
	v14 =	vmax.f32 v62, v26;
	v13 =	vnsel vm0, $0xFF800000, v13  }
0xb8: {  	v63 =	vmax.f32 v33, v35;
	v16 =	vmax.f32 v16, v25;
	vm14 =	vgt.f32 v17, v13  }
0xb9: {  	v15 =	vmax.f32 v63, v15;
	v13 =	vsel vm14, v17, v13;
	v17 =	vmax.f32 v18, v19;
	v18 =	vld @!p1 [tilespmem:$0x8200]  }
0xba: {  	v14 =	vmax.f32 v27, v14;
	vm2 =	vgt.f32 v17, v13;
	v15 =	vmax.f32 v16, v15;
	v16 =	vld @!p1 [tilespmem:$0x8400]  }
0xbb: {  	v13 =	vsel vm2, v17, v13;
	v14 =	vmax.f32 v14, v15;
	v15 =	vld @!p2 [tilespmem:$0x8280]  }
0xbc: {  	v19 =	vld @!p2 [tilespmem:$0x8480];
	v17 =	vnsel vm0, $0x0, v0;
	vm15 =	vgt.f32 v14, v13  }
0xbd: {  	v17 =	vsel vm14, v1, v17;
	v13 =	vsel vm15, v14, v13;
	v14 =	vld @!p3 [tilespmem:$0x8100]  }
0xbe: {  	v20 =	vld @!p3 [tilespmem:$0x8300];
	v17 =	vsel vm2, v2, v17;
	vm1 =	vgt.f32 @!p1 v13, v18  }
0xbf: {  	v21 =	vld @!p4 [tilespmem:$0x8180];
	v17 =	vsel vm15, v3, v17;
	v18 =	vsel @!p1 vm1, v13, v18  }
0xc0: {  	v16 =	vsel @!p1 vm1, v17, v16;
	[tilespmem:$0x8200] =	vst @!p1 v18;
	vm0 =	vgt.f32 @!p2 v13, v15  }
0xc1: {  	[tilespmem:$0x8400] =	vst @!p1 v16;
	v16 =	vld @!p4 [tilespmem:$0x8380];
	v15 =	vsel @!p2 vm0, v13, v15  }
0xc2: {  	[tilespmem:$0x8280] =	vst @!p2 v15;
	v15 =	vsel @!p2 vm0, v17, v19;
	vm0 =	vgt.f32 @!p3 v13, v14  }
0xc3: {  	[tilespmem:$0x8480] =	vst @!p2 v15;
	v14 =	vsel @!p3 vm0, v13, v14  }
0xc4: {  	[tilespmem:$0x8100] =	vst @!p3 v14;
	v14 =	vsel @!p3 vm0, v17, v20;
	vm0 =	vgt.f32 @!p4 v13, v21  }
0xc5: {  	[tilespmem:$0x8300] =	vst @!p3 v14;
	v13 =	vsel @!p4 vm0, v13, v21  }
0xc6: {  	[tilespmem:$0x8180] =	vst @!p4 v13;
	v13 =	vsel @!p4 vm0, v17, v16  }
0xc7: {  	s0 =	simm.s32 $0x0;
	[tilespmem:$0x8380] =	vst @!p4 v13  }
0xc8: {  	[tilespmem:s0], [sflag:$0x1] =	stream.linear.gather [hbm4b:s6+s0], $0x4000, $0x38;
	[tilespmem:$0x8500] =	vst v63  }
0xc9: {  	_ = 	snop  }
0xca: {  	[tilespmem:s25], [sflag:$0x2] =	stream.linear.gather [hbm4b:s7+s0], $0x4000, $0x38;
	[tilespmem:$0x8500] =	vst v63  }
0xcb: {  	_ =	swait.ge [sflag:s24], $0x4000  }
0xcc: {  	[sflag:s24] =	ssyncset.done $0x0  }
0xcd: {  	s18 =	simm.s32 $0x0;
	[sflag:s24] =	ssyncadd.s32 $0xFFFFC000  }
0xce: {  	v23 =	vld [tilespmem:s18+$0x40]  }
0xcf: {  	v14 =	vld [tilespmem:s18+$0x50]  }
0xd0: {  	v15 =	vld [tilespmem:s18+$0x60]  }
0xd1: {  	v18 =	vld [tilespmem:s18+$0x0]  }
0xd2: {  	v22 =	vimm.f32 $-Inf;
	v16 =	vld [tilespmem:s18+$0x10]  }
0xd3: {  	v19 =	vimm.f32 $-Inf;
	v20 =	vimm.f32 $-Inf;
	v13 =	vimm.f32 $-Inf;
	s0 =	simm.s32 $0x200;
	v21 =	vld [tilespmem:s18+$0x20]  }
.LBB2_10:
0xd4: {  	p5 =	sne.s32 s0, $0xFE00;
	v17 =	vld [tilespmem:s18+$0x30];
	v24 =	vmov v14  }
0xd5: {  	v25 =	vld [tilespmem:s18+$0x70];
	s18 =	sshra.s32 s0, $0x2;
	v26 =	vmov v15  }
0xd6: {  	v27 =	vld [tilespmem:s18+$0x40]  }
.Ltmp6:
0xd7: {  	v13 =	vmax.f32 v13, v18;
	v14 =	vld [tilespmem:s18+$0x50];
	(pc) =	sbr.rel @p5 .LBB2_10-.Ltmp6, $4  }
0xd8: {  	v13 =	vmax.f32 v13, v23;
	v15 =	vld [tilespmem:s18+$0x60]  }
0xd9: {  	v19 =	vmax.f32 v19, v16;
	v20 =	vmax.f32 v20, v21;
	v18 =	vld [tilespmem:s18+$0x0];
	v17 =	vmax.f32 v22, v17  }
0xda: {  	v19 =	vmax.f32 v19, v24;
	v20 =	vmax.f32 v20, v26;
	v16 =	vld [tilespmem:s18+$0x10];
	v22 =	vmax.f32 v17, v25  }
0xdb: {  	s0 =	sadd.s32 $0x200, s0;
	v21 =	vld [tilespmem:s18+$0x20];
	v23 =	vmov v27  }
0xdc: {  	v24 =	vld [tilespmem:s18+$0x30];
	s0 =	simm.s32 $0x0  }
0xdd: {  	v25 =	vld [tilespmem:s18+$0x70];
	[tilespmem:s0], [sflag:$0x1] =	stream.linear.gather [hbm4b:s8+s0], $0x4000, $0x38  }
0xde: {  	_ =	swait.ge [sflag:s26], $0x4000  }
0xdf: {  	[sflag:s26] =	ssyncset.done $0x0  }
0xe0: {  	s18 =	simm.s32 $0x0;
	[sflag:s26] =	ssyncadd.s32 $0xFFFFC000  }
0xe1: {  	v17 =	vld [tilespmem:s18+$0x4040]  }
0xe2: {  	v13 =	vmax.f32 v13, v18;
	v18 =	vld [tilespmem:s18+$0x4050]  }
0xe3: {  	v27 =	vimm.f32 $-Inf;
	v16 =	vmax.f32 v19, v16;
	v19 =	vld [tilespmem:s18+$0x4060]  }
0xe4: {  	v26 =	vimm.f32 $-Inf;
	v13 =	vmax.f32 v13, v23;
	v21 =	vmax.f32 v20, v21;
	v20 =	vld [tilespmem:s18+$0x4000]  }
0xe5: {  	v14 =	vmax.f32 v16, v14;
	v22 =	vmax.f32 v22, v24;
	v15 =	vmax.f32 v21, v15;
	v23 =	vld [tilespmem:s18+$0x4010]  }
0xe6: {  	s0 =	simm.s32 $0x200;
	v24 =	vimm.f32 $-Inf;
	v16 =	vmax.f32 v22, v25;
	v22 =	vimm.f32 $-Inf;
	v25 =	vld [tilespmem:s18+$0x4020]  }
.LBB2_12:
0xe7: {  	p5 =	sne.s32 s0, $0xFE00;
	v21 =	vld [tilespmem:s18+$0x4030];
	v28 =	vmov v18  }
0xe8: {  	v29 =	vld [tilespmem:s18+$0x4070];
	s18 =	sshra.s32 s0, $0x2;
	v30 =	vmov v19  }
0xe9: {  	v31 =	vld [tilespmem:s18+$0x4040]  }
.Ltmp7:
0xea: {  	v20 =	vmax.f32 v22, v20;
	v18 =	vld [tilespmem:s18+$0x4050];
	(pc) =	sbr.rel @p5 .LBB2_12-.Ltmp7, $4  }
0xeb: {  	v22 =	vmax.f32 v20, v17;
	v19 =	vld [tilespmem:s18+$0x4060]  }
0xec: {  	v32 =	vmax.f32 v27, v23;
	v24 =	vmax.f32 v24, v25;
	v20 =	vld [tilespmem:s18+$0x4000];
	v21 =	vmax.f32 v26, v21  }
0xed: {  	v27 =	vmax.f32 v32, v28;
	v24 =	vmax.f32 v24, v30;
	v23 =	vld [tilespmem:s18+$0x4010];
	v26 =	vmax.f32 v21, v29  }
0xee: {  	s0 =	sadd.s32 $0x200, s0;
	v25 =	vld [tilespmem:s18+$0x4020];
	v17 =	vmov v31  }
0xef: {  	v28 =	vld [tilespmem:s18+$0x4030];
	s0 =	simm.s32 $0x0  }
0xf0: {  	v29 =	vld [tilespmem:s18+$0x4070];
	[tilespmem:s25], [sflag:$0x2] =	stream.linear.gather [hbm4b:s9+s0], $0x4000, $0x38  }
0xf1: {  	_ =	swait.ge [sflag:s24], $0x4000  }
0xf2: {  	[sflag:s24] =	ssyncset.done $0x0  }
0xf3: {  	s18 =	simm.s32 $0x0;
	[sflag:s24] =	ssyncadd.s32 $0xFFFFC000  }
0xf4: {  	v21 =	vld [tilespmem:s18+$0x40]  }
0xf5: {  	v20 =	vmax.f32 v22, v20;
	v22 =	vld [tilespmem:s18+$0x50]  }
0xf6: {  	v17 =	vmax.f32 v20, v17;
	v20 =	vmax.f32 v27, v23;
	v23 =	vld [tilespmem:s18+$0x60]  }
0xf7: {  	v30 =	vimm.f32 $-Inf;
	v27 =	vimm.f32 $-Inf;
	v25 =	vmax.f32 v24, v25;
	v24 =	vld [tilespmem:s18+$0x0]  }
0xf8: {  	v18 =	vmax.f32 v20, v18;
	v26 =	vmax.f32 v26, v28;
	v19 =	vmax.f32 v25, v19;
	v25 =	vld [tilespmem:s18+$0x10]  }
0xf9: {  	s0 =	simm.s32 $0x200;
	v28 =	vld [tilespmem:s18+$0x20];
	v20 =	vmax.f32 v26, v29;
	v26 =	vimm.f32 $-Inf;
	v29 =	vimm.f32 $-Inf  }
.LBB2_14:
0xfa: {  	p5 =	sne.s32 s0, $0xFE00;
	v31 =	vld [tilespmem:s18+$0x30];
	v32 =	vmov v22  }
0xfb: {  	v33 =	vld [tilespmem:s18+$0x70];
	s18 =	sshra.s32 s0, $0x2;
	v34 =	vmov v23  }
0xfc: {  	v35 =	vld [tilespmem:s18+$0x40]  }
.Ltmp8:
0xfd: {  	v24 =	vmax.f32 v26, v24;
	v22 =	vld [tilespmem:s18+$0x50];
	(pc) =	sbr.rel @p5 .LBB2_14-.Ltmp8, $4  }
0xfe: {  	v26 =	vmax.f32 v24, v21;
	v23 =	vld [tilespmem:s18+$0x60]  }
0xff: {  	v36 =	vmax.f32 v30, v25;
	v27 =	vmax.f32 v27, v28;
	v24 =	vld [tilespmem:s18+$0x0];
	v28 =	vmax.f32 v29, v31  }
0x100: {  	v30 =	vmax.f32 v36, v32;
	v27 =	vmax.f32 v27, v34;
	v25 =	vld [tilespmem:s18+$0x10];
	v29 =	vmax.f32 v28, v33  }
0x101: {  	s0 =	sadd.s32 $0x200, s0;
	v28 =	vld [tilespmem:s18+$0x20];
	v21 =	vmov v35  }
0x102: {  	v32 =	vld [tilespmem:s18+$0x30]  }
0x103: {  	v33 =	vld [tilespmem:s18+$0x70];
	_ =	swait.ge [sflag:s26], $0x4000  }
0x104: {  	[sflag:s26] =	ssyncset.done $0x0  }
0x105: {  	s18 =	simm.s32 $0x0;
	[sflag:s26] =	ssyncadd.s32 $0xFFFFC000  }
0x106: {  	v31 =	vld [tilespmem:s18+$0x4040]  }
0x107: {  	v24 =	vmax.f32 v26, v24;
	v26 =	vld [tilespmem:s18+$0x4050]  }
0x108: {  	v21 =	vmax.f32 v24, v21;
	v24 =	vmax.f32 v30, v25;
	v25 =	vld [tilespmem:s18+$0x4060]  }
0x109: {  	v34 =	vimm.f32 $-Inf;
	v30 =	vimm.f32 $-Inf;
	v28 =	vmax.f32 v27, v28;
	v27 =	vld [tilespmem:s18+$0x4000]  }
0x10a: {  	v22 =	vmax.f32 v24, v22;
	v29 =	vmax.f32 v29, v32;
	v23 =	vmax.f32 v28, v23;
	v32 =	vld [tilespmem:s18+$0x4020]  }
0x10b: {  	s0 =	simm.s32 $0x200;
	v28 =	vimm.f32 $-Inf;
	v24 =	vmax.f32 v29, v33;
	v29 =	vld [tilespmem:s18+$0x4010];
	v33 =	vimm.f32 $-Inf  }
.LBB2_16:
0x10c: {  	p5 =	sne.s32 s0, $0xFE00;
	v35 =	vld [tilespmem:s18+$0x4030];
	v36 =	vmov v26  }
0x10d: {  	v37 =	vld [tilespmem:s18+$0x4070];
	s18 =	sshra.s32 s0, $0x2;
	v38 =	vmov v25  }
0x10e: {  	v39 =	vld [tilespmem:s18+$0x4040]  }
.Ltmp9:
0x10f: {  	v27 =	vmax.f32 v28, v27;
	v26 =	vld [tilespmem:s18+$0x4050];
	(pc) =	sbr.rel @p5 .LBB2_16-.Ltmp9, $4  }
0x110: {  	v28 =	vmax.f32 v27, v31;
	v25 =	vld [tilespmem:s18+$0x4060]  }
0x111: {  	v40 =	vmax.f32 v34, v29;
	v30 =	vmax.f32 v30, v32;
	v27 =	vld [tilespmem:s18+$0x4000];
	v32 =	vmax.f32 v33, v35  }
0x112: {  	v34 =	vmax.f32 v40, v36;
	v30 =	vmax.f32 v30, v38;
	v29 =	vld [tilespmem:s18+$0x4010];
	v33 =	vmax.f32 v32, v37  }
0x113: {  	s0 =	sadd.s32 $0x200, s0;
	v32 =	vld [tilespmem:s18+$0x4020];
	v31 =	vmov v39  }
0x114: {  	v13 =	vmax.f32 v13, v14;
	v14 =	vmax.f32 v15, v16  }
0x115: {  	v35 =	vld [tilespmem:s18+$0x4030];
	v17 =	vmax.f32 v17, v18;
	v58 =	vmax.f32 v19, v20;
	v59 =	vmax.f32 v21, v22  }
0x116: {  	v15 =	vld [tilespmem:s18+$0x4070];
	v60 =	vmax.f32 v23, v24;
	v13 =	vmax.f32 v13, v14;
	v17 =	vmax.f32 v17, v58  }
0x117: {  	v27 =	vmax.f32 v28, v27;
	vm0 =	vlt.f32 v13, $-Inf;
	vm1 =	vgt.f32 v13, $-Inf  }
0x118: {  	v61 =	vmax.f32 v59, v60;
	v27 =	vmax.f32 v27, v31;
	vm0 =	vmor vm1, vm0  }
0x119: {  	v55 =	vmax.f32 v34, v29;
	v56 =	vmax.f32 v30, v32;
	v13 =	vnsel vm0, $0xFF800000, v13  }
0x11a: {  	v14 =	vmax.f32 v55, v26;
	v57 =	vmax.f32 v33, v35;
	vm13 =	vgt.f32 v17, v13  }
0x11b: {  	v62 =	vld [tilespmem:$0x8280];
	v16 =	vmax.f32 v56, v25;
	v15 =	vmax.f32 v57, v15;
	v13 =	vsel vm13, v17, v13  }
0x11c: {  	v14 =	vmax.f32 v27, v14;
	vm2 =	vgt.f32 v61, v13;
	v15 =	vmax.f32 v16, v15  }
0x11d: {  	v13 =	vsel vm2, v61, v13;
	v14 =	vmax.f32 v14, v15;
	v15 =	vld [tilespmem:$0x8480]  }
0x11e: {  	v63 =	vnsel vm0, $0x0, v4;
	vm14 =	vgt.f32 v14, v13  }
.Ltmp10:
0x11f: {  	v16 =	vsel vm13, v5, v63;
	v13 =	vsel vm14, v14, v13;
	(pc) =	sbr.rel @p0 .LBB2_27-.Ltmp10, $4  }
0x120: {  	v14 =	vsel vm2, v6, v16;
	vm15 =	vgt.f32 v13, v62  }
0x121: {  	v14 =	vsel vm14, v7, v14;
	v13 =	vsel vm15, v13, v62  }
0x122: {  	[tilespmem:$0x8280] =	vst v13;
	v13 =	vsel vm15, v14, v15  }
0x123: {  	[tilespmem:$0x8480] =	vst v13  }
0x124: {  	s0 =	simm.s32 $0x0  }
0x125: {  	[tilespmem:s0], [sflag:$0x1] =	stream.linear.gather [hbm4b:s10+s0], $0x4000, $0x38;
	[tilespmem:$0x8500] =	vst v63  }
0x126: {  	_ = 	snop  }
0x127: {  	[tilespmem:s25], [sflag:$0x2] =	stream.linear.gather [hbm4b:s11+s0], $0x4000, $0x38;
	[tilespmem:$0x8500] =	vst v63  }
0x128: {  	_ =	swait.ge [sflag:s24], $0x4000  }
0x129: {  	[sflag:s24] =	ssyncset.done $0x0  }
0x12a: {  	s18 =	simm.s32 $0x0;
	[sflag:s24] =	ssyncadd.s32 $0xFFFFC000  }
0x12b: {  	v23 =	vld [tilespmem:s18+$0x40]  }
0x12c: {  	v14 =	vld [tilespmem:s18+$0x50]  }
0x12d: {  	v15 =	vld [tilespmem:s18+$0x60]  }
0x12e: {  	v18 =	vld [tilespmem:s18+$0x0]  }
0x12f: {  	v13 =	vimm.f32 $-Inf;
	v16 =	vld [tilespmem:s18+$0x10]  }
0x130: {  	v19 =	vimm.f32 $-Inf;
	v20 =	vimm.f32 $-Inf;
	v22 =	vimm.f32 $-Inf;
	s0 =	simm.s32 $0x200;
	v21 =	vld [tilespmem:s18+$0x20]  }
.LBB2_19:
0x131: {  	p5 =	sne.s32 s0, $0xFE00;
	v17 =	vld [tilespmem:s18+$0x30];
	v24 =	vmov v14  }
0x132: {  	v25 =	vld [tilespmem:s18+$0x70];
	s18 =	sshra.s32 s0, $0x2;
	v26 =	vmov v15  }
0x133: {  	v27 =	vld [tilespmem:s18+$0x40]  }
.Ltmp11:
0x134: {  	v13 =	vmax.f32 v13, v18;
	v14 =	vld [tilespmem:s18+$0x50];
	(pc) =	sbr.rel @p5 .LBB2_19-.Ltmp11, $4  }
0x135: {  	v13 =	vmax.f32 v13, v23;
	v15 =	vld [tilespmem:s18+$0x60]  }
0x136: {  	v19 =	vmax.f32 v19, v16;
	v20 =	vmax.f32 v20, v21;
	v18 =	vld [tilespmem:s18+$0x0];
	v17 =	vmax.f32 v22, v17  }
0x137: {  	v19 =	vmax.f32 v19, v24;
	v20 =	vmax.f32 v20, v26;
	v16 =	vld [tilespmem:s18+$0x10];
	v22 =	vmax.f32 v17, v25  }
0x138: {  	s0 =	sadd.s32 $0x200, s0;
	v21 =	vld [tilespmem:s18+$0x20];
	v23 =	vmov v27  }
0x139: {  	v24 =	vld [tilespmem:s18+$0x30];
	s0 =	simm.s32 $0x0  }
0x13a: {  	v25 =	vld [tilespmem:s18+$0x70];
	[tilespmem:s0], [sflag:$0x1] =	stream.linear.gather [hbm4b:s12+s0], $0x4000, $0x38  }
0x13b: {  	_ =	swait.ge [sflag:s26], $0x4000  }
0x13c: {  	[sflag:s26] =	ssyncset.done $0x0  }
0x13d: {  	s18 =	simm.s32 $0x0;
	[sflag:s26] =	ssyncadd.s32 $0xFFFFC000  }
0x13e: {  	v17 =	vld [tilespmem:s18+$0x4040]  }
0x13f: {  	v13 =	vmax.f32 v13, v18;
	v18 =	vld [tilespmem:s18+$0x4050]  }
0x140: {  	v27 =	vimm.f32 $-Inf;
	v16 =	vmax.f32 v19, v16;
	v19 =	vld [tilespmem:s18+$0x4060]  }
0x141: {  	v26 =	vimm.f32 $-Inf;
	v13 =	vmax.f32 v13, v23;
	v21 =	vmax.f32 v20, v21;
	v20 =	vld [tilespmem:s18+$0x4000]  }
0x142: {  	v14 =	vmax.f32 v16, v14;
	v22 =	vmax.f32 v22, v24;
	v15 =	vmax.f32 v21, v15;
	v23 =	vld [tilespmem:s18+$0x4010]  }
0x143: {  	s0 =	simm.s32 $0x200;
	v24 =	vimm.f32 $-Inf;
	v16 =	vmax.f32 v22, v25;
	v22 =	vimm.f32 $-Inf;
	v25 =	vld [tilespmem:s18+$0x4020]  }
.LBB2_21:
0x144: {  	p5 =	sne.s32 s0, $0xFE00;
	v21 =	vld [tilespmem:s18+$0x4030];
	v28 =	vmov v18  }
0x145: {  	v29 =	vld [tilespmem:s18+$0x4070];
	s18 =	sshra.s32 s0, $0x2;
	v30 =	vmov v19  }
0x146: {  	v31 =	vld [tilespmem:s18+$0x4040]  }
.Ltmp12:
0x147: {  	v20 =	vmax.f32 v22, v20;
	v18 =	vld [tilespmem:s18+$0x4050];
	(pc) =	sbr.rel @p5 .LBB2_21-.Ltmp12, $4  }
0x148: {  	v22 =	vmax.f32 v20, v17;
	v19 =	vld [tilespmem:s18+$0x4060]  }
0x149: {  	v32 =	vmax.f32 v27, v23;
	v24 =	vmax.f32 v24, v25;
	v20 =	vld [tilespmem:s18+$0x4000];
	v21 =	vmax.f32 v26, v21  }
0x14a: {  	v27 =	vmax.f32 v32, v28;
	v24 =	vmax.f32 v24, v30;
	v23 =	vld [tilespmem:s18+$0x4010];
	v26 =	vmax.f32 v21, v29  }
0x14b: {  	s0 =	sadd.s32 $0x200, s0;
	v25 =	vld [tilespmem:s18+$0x4020];
	v17 =	vmov v31  }
0x14c: {  	v28 =	vld [tilespmem:s18+$0x4030];
	s0 =	simm.s32 $0x0  }
0x14d: {  	v29 =	vld [tilespmem:s18+$0x4070];
	[tilespmem:s25], [sflag:$0x2] =	stream.linear.gather [hbm4b:s13+s0], $0x4000, $0x38  }
0x14e: {  	_ =	swait.ge [sflag:s24], $0x4000  }
0x14f: {  	[sflag:s24] =	ssyncset.done $0x0  }
0x150: {  	s18 =	simm.s32 $0x0;
	[sflag:s24] =	ssyncadd.s32 $0xFFFFC000  }
0x151: {  	v21 =	vld [tilespmem:s18+$0x40]  }
0x152: {  	v20 =	vmax.f32 v22, v20;
	v22 =	vld [tilespmem:s18+$0x50]  }
0x153: {  	v17 =	vmax.f32 v20, v17;
	v20 =	vmax.f32 v27, v23;
	v23 =	vld [tilespmem:s18+$0x60]  }
0x154: {  	v30 =	vimm.f32 $-Inf;
	v27 =	vimm.f32 $-Inf;
	v25 =	vmax.f32 v24, v25;
	v24 =	vld [tilespmem:s18+$0x0]  }
0x155: {  	v18 =	vmax.f32 v20, v18;
	v26 =	vmax.f32 v26, v28;
	v19 =	vmax.f32 v25, v19;
	v25 =	vld [tilespmem:s18+$0x10]  }
0x156: {  	s0 =	simm.s32 $0x200;
	v28 =	vld [tilespmem:s18+$0x20];
	v20 =	vmax.f32 v26, v29;
	v26 =	vimm.f32 $-Inf;
	v29 =	vimm.f32 $-Inf  }
.LBB2_23:
0x157: {  	p5 =	sne.s32 s0, $0xFE00;
	v31 =	vld [tilespmem:s18+$0x30];
	v32 =	vmov v22  }
0x158: {  	v33 =	vld [tilespmem:s18+$0x70];
	s18 =	sshra.s32 s0, $0x2;
	v34 =	vmov v23  }
0x159: {  	v35 =	vld [tilespmem:s18+$0x40]  }
.Ltmp13:
0x15a: {  	v24 =	vmax.f32 v26, v24;
	v22 =	vld [tilespmem:s18+$0x50];
	(pc) =	sbr.rel @p5 .LBB2_23-.Ltmp13, $4  }
0x15b: {  	v26 =	vmax.f32 v24, v21;
	v23 =	vld [tilespmem:s18+$0x60]  }
0x15c: {  	v36 =	vmax.f32 v30, v25;
	v27 =	vmax.f32 v27, v28;
	v24 =	vld [tilespmem:s18+$0x0];
	v28 =	vmax.f32 v29, v31  }
0x15d: {  	v30 =	vmax.f32 v36, v32;
	v27 =	vmax.f32 v27, v34;
	v25 =	vld [tilespmem:s18+$0x10];
	v29 =	vmax.f32 v28, v33  }
0x15e: {  	s0 =	sadd.s32 $0x200, s0;
	v28 =	vld [tilespmem:s18+$0x20];
	v21 =	vmov v35  }
0x15f: {  	v32 =	vld [tilespmem:s18+$0x30]  }
0x160: {  	v33 =	vld [tilespmem:s18+$0x70];
	_ =	swait.ge [sflag:s26], $0x4000  }
0x161: {  	[sflag:s26] =	ssyncset.done $0x0  }
0x162: {  	s18 =	simm.s32 $0x0;
	[sflag:s26] =	ssyncadd.s32 $0xFFFFC000  }
0x163: {  	v31 =	vld [tilespmem:s18+$0x4040]  }
0x164: {  	v24 =	vmax.f32 v26, v24;
	v26 =	vld [tilespmem:s18+$0x4050]  }
0x165: {  	v21 =	vmax.f32 v24, v21;
	v24 =	vmax.f32 v30, v25;
	v25 =	vld [tilespmem:s18+$0x4060]  }
0x166: {  	v34 =	vimm.f32 $-Inf;
	v30 =	vimm.f32 $-Inf;
	v28 =	vmax.f32 v27, v28;
	v27 =	vld [tilespmem:s18+$0x4000]  }
0x167: {  	v22 =	vmax.f32 v24, v22;
	v29 =	vmax.f32 v29, v32;
	v23 =	vmax.f32 v28, v23;
	v32 =	vld [tilespmem:s18+$0x4020]  }
0x168: {  	s0 =	simm.s32 $0x200;
	v28 =	vimm.f32 $-Inf;
	v24 =	vmax.f32 v29, v33;
	v29 =	vld [tilespmem:s18+$0x4010];
	v33 =	vimm.f32 $-Inf  }
.LBB2_25:
0x169: {  	p5 =	sne.s32 s0, $0xFE00;
	v35 =	vld [tilespmem:s18+$0x4030];
	v36 =	vmov v26  }
0x16a: {  	v38 =	vmov v25;
	v37 =	vld [tilespmem:s18+$0x4070];
	s18 =	sshra.s32 s0, $0x2  }
0x16b: {  	v39 =	vld [tilespmem:s18+$0x4040]  }
.Ltmp14:
0x16c: {  	v27 =	vmax.f32 v28, v27;
	v26 =	vld [tilespmem:s18+$0x4050];
	(pc) =	sbr.rel @p5 .LBB2_25-.Ltmp14, $4  }
0x16d: {  	v28 =	vmax.f32 v27, v31;
	v25 =	vld [tilespmem:s18+$0x4060]  }
0x16e: {  	v40 =	vmax.f32 v34, v29;
	v30 =	vmax.f32 v30, v32;
	v27 =	vld [tilespmem:s18+$0x4000];
	v32 =	vmax.f32 v33, v35  }
0x16f: {  	v34 =	vmax.f32 v40, v36;
	v30 =	vmax.f32 v30, v38;
	v29 =	vld [tilespmem:s18+$0x4010];
	v33 =	vmax.f32 v32, v37  }
0x170: {  	s0 =	sadd.s32 $0x200, s0;
	v32 =	vld [tilespmem:s18+$0x4020];
	v31 =	vmov v39  }
.Ltmp15:
0x171: {  	_ = 	snop;
	(pc) =	sbr.rel .LBB2_26-.Ltmp15, $1  }
0x172: {  	_ =	sdelay $0x3  }
.LBB2_28:
0x173: {  	_ =	sfence.sel $0x180000  }
0x174: {  	[bflag:$0x0] =	sbarrier.arrive $0xFFFF  }
0x175: {  	_ =	strace $0x90000047  }
0x176: {  	s0 =	stileid.u32;
	[bflag:$0x2] =	sbarrier.arrive $0xFFFF  }
0x177: {  	p0 =	sne.s32 s0, $0x0;
	s0 =	rddreg [dreg:$0x2]  }
0x178: {  	s0 =	sadd.s32 @!p0 $0x100000, s0  }
0x179: {  	[sflag:s0] =	ssyncadd.tile.s32 @!p0 $0x1;
	_ =	shalt  }
.Lfunc_end2:
_tile_overlayer_lowered:
.L_overlay_start_2:
0x17a: {  	(tag) =	ssettag $0x2  }
0x17b: {  	s0 =	rddreg [dreg:$0x0];
	s2 =	stileid.u32  }
0x17c: {  	s1 =	rddreg [dreg:$0x1];
	p0 =	sne.s32 s2, $0x0  }
0x17d: {  	s3 =	rddreg [dreg:$0x2];
	[bflag:$0x3] =	sbarrier.arrive $0xFFFF;
	s2 =	simm.s32 @!p0 $0x1C03  }
0x17e: {  	[timem:s3], [sflag:s2] =	dma.local @!p0 [hbm:s0], s1  }
0x17f: {  	s0 =	simm.s32 @!p0 $0x3  }
0x180: {  	_ =	swait.ge @!p0 [sflag:s0], s1  }
0x181: {  	s1 =	ssub.s32 @!p0 $0x0, s1;
	[sflag:s0] =	ssyncset.done @!p0 $0x0  }
0x182: {  	[sflag:s0] =	ssyncadd.s32 @!p0 s1  }
0x183: {  	[bflag:$0x3] =	sbarrier.arrive $0xFFFF  }
0x184: {  	_ =	shalt  }

</sc_bundles>
